<compile_context>
chip_gen: v7x
topology: tpu7x:2x2x1
jax: 0.10.2.dev20260603
libtpu: 0.0.44.dev20260713+nightly
codegen_flags: <defaults>
</compile_context>

<pallas_src>
import functools

import jax
import jax.numpy as jnp
from jax import lax
from jax.experimental import pallas as pl
from jax.experimental.pallas import tpu as pltpu
from jax.experimental.pallas import tpu_sc as plsc

_N = 10000
_E = 160000
_D_IN = 128
_D_HID = 256
_D_OUT = 128
_DH = 64
_NC, _NS = 2, 16
_NP = 10240
_RPT = _NP // _NS
_EPT = _E // _NS
_CH = 250
_NCHUNK = _EPT // _CH
_DEGW = 16


def _spmm_body(xlo, xhi, r0, c0, r1, c1, z64, zdeg,
               o0lo, o0hi, o1lo, o1hi, dg0, dg1,
               idxr0, idxc0, idxr1, idxc1, gbuf0, gbuf1, ones,
               acc, dacc, sem0, sem1):
    cid = lax.axis_index("c")
    sid = lax.axis_index("s")
    rows = pl.ds(sid * _RPT, _RPT)

    def _ones_row(j, carry):
        ones[j, :] = jnp.ones((16,), jnp.float32)
        return carry
    lax.fori_loop(0, _CH, _ones_row, 0)

    pltpu.sync_copy(z64.at[rows], acc.at[rows])
    pltpu.sync_copy(zdeg.at[rows], dacc.at[rows])

    echunks = pl.ds(sid * _NCHUNK, _NCHUNK)
    pltpu.sync_copy(r0.at[echunks], idxr0)
    pltpu.sync_copy(c0.at[echunks], idxc0)
    pltpu.sync_copy(r1.at[echunks], idxr1)
    pltpu.sync_copy(c1.at[echunks], idxc1)
    plsc.subcore_barrier()

    for set_idx, (idxr, idxc, olo, ohi) in enumerate(
            ((idxr0, idxc0, o0lo, o0hi), (idxr1, idxc1, o1lo, o1hi))):
        for half, xh in ((0, xlo), (1, xhi)):
            @pl.when(cid == half)
            def _(xh=xh, idxr=idxr, idxc=idxc, set_idx=set_idx):
                pltpu.async_copy(xh.at[idxc.at[0]], gbuf0, sem0)
                pltpu.async_copy(xh.at[idxc.at[1]], gbuf1, sem1)

                def _pair(j2, carry):
                    j = 2 * j2
                    for b, gb, sm in ((0, gbuf0, sem0), (1, gbuf1, sem1)):
                        jj = j + b
                        pltpu.make_async_copy(
                            xh.at[idxc.at[jj]], gb, sm).wait()
                        pltpu.sync_copy(gb, acc.at[idxr.at[jj]], add=True)

                        @pl.when(j2 + 1 < _NCHUNK // 2)
                        def _(jj=jj, gb=gb, sm=sm):
                            pltpu.async_copy(xh.at[idxc.at[jj + 2]], gb, sm)

                        @pl.when(cid == set_idx)
                        def _(jj=jj, idxr=idxr):
                            pltpu.sync_copy(ones, dacc.at[idxr.at[jj]],
                                            add=True)
                    return carry
                lax.fori_loop(0, _NCHUNK // 2, _pair, 0)

        plsc.subcore_barrier()

        @pl.when(cid == 0)
        def _(olo=olo):
            pltpu.sync_copy(acc.at[rows], olo.at[rows])

        @pl.when(cid == 1)
        def _(ohi=ohi):
            pltpu.sync_copy(acc.at[rows], ohi.at[rows])

        if set_idx == 0:
            pltpu.sync_copy(z64.at[rows], acc.at[rows])
            plsc.subcore_barrier()

    @pl.when(cid == 0)
    def _():
        pltpu.sync_copy(dacc.at[rows], dg0.at[rows])

    @pl.when(cid == 1)
    def _():
        pltpu.sync_copy(dacc.at[rows], dg1.at[rows])


@functools.cache
def _build_spmm_pair():
    return pl.kernel(
        _spmm_body,
        out_type=[jax.ShapeDtypeStruct((_NP, _DH), jnp.float32)] * 4
                 + [jax.ShapeDtypeStruct((_NP, _DEGW), jnp.float32)] * 2,
        mesh=plsc.VectorSubcoreMesh(core_axis_name="c", subcore_axis_name="s",
                                    num_cores=_NC, num_subcores=_NS),
        scratch_types=[
            pltpu.VMEM((_NCHUNK, _CH), jnp.int32),
            pltpu.VMEM((_NCHUNK, _CH), jnp.int32),
            pltpu.VMEM((_NCHUNK, _CH), jnp.int32),
            pltpu.VMEM((_NCHUNK, _CH), jnp.int32),
            pltpu.VMEM((_CH, _DH), jnp.float32),
            pltpu.VMEM((_CH, _DH), jnp.float32),
            pltpu.VMEM((_CH, _DEGW), jnp.float32),
            pltpu.VMEM_SHARED((_NP, _DH), jnp.float32),
            pltpu.VMEM_SHARED((_NP, _DEGW), jnp.float32),
            pltpu.SemaphoreType.DMA,
            pltpu.SemaphoreType.DMA,
        ],
        compiler_params=pltpu.CompilerParams(use_tc_tiling_on_sc=False),
    )


def _spmm_pair(*args):
    return _build_spmm_pair()(*args)


_R = 2000


def _mlp_block(att_ref, w1lo_ref, w1hi_ref, b1_ref, w2_ref, b2_ref,
               a0lo_ref, a0hi_ref, a1lo_ref, a1hi_ref, d0_ref, d1_ref,
               olo_ref, ohi_ref):
    a = att_ref[...][0]
    e = jnp.exp(a - jnp.max(a))
    w = e / jnp.sum(e)
    deg0 = d0_ref[:, 0:1]
    deg1 = d1_ref[:, 0:1]
    s0 = w[0] / jnp.maximum(deg0, 1.0)
    s1 = w[1] / jnp.maximum(deg1, 1.0)
    glo = a0lo_ref[...] * s0 + a1lo_ref[...] * s1
    ghi = a0hi_ref[...] * s0 + a1hi_ref[...] * s1
    t = jnp.dot(glo, w1lo_ref[...], preferred_element_type=jnp.float32)
    t = t + jnp.dot(ghi, w1hi_ref[...], preferred_element_type=jnp.float32)
    m = w[0] * jnp.minimum(deg0, 1.0) + w[1] * jnp.minimum(deg1, 1.0)
    t = t + m * b1_ref[...]
    h = jnp.where(t >= 0, t, 0.2 * t)
    s2 = jnp.dot(h, w2_ref[...], preferred_element_type=jnp.float32)
    s2 = s2 + b2_ref[...]
    olo_ref[...] = s2[:, :_DH]
    ohi_ref[...] = s2[:, _DH:]


def _norm_block(att_ref, v0lo_ref, v0hi_ref, v1lo_ref, v1hi_ref,
                d0_ref, d1_ref, out_ref):
    a = att_ref[...][1]
    e = jnp.exp(a - jnp.max(a))
    w = e / jnp.sum(e)
    s0 = w[0] / jnp.maximum(d0_ref[:, 0:1], 1.0)
    s1 = w[1] / jnp.maximum(d1_ref[:, 0:1], 1.0)
    olo = v0lo_ref[...] * s0 + v1lo_ref[...] * s1
    ohi = v0hi_ref[...] * s0 + v1hi_ref[...] * s1
    nsq = (jnp.sum(olo * olo, axis=1, keepdims=True)
           + jnp.sum(ohi * ohi, axis=1, keepdims=True))
    inv = 1.0 / jnp.maximum(jnp.sqrt(nsq), 1e-12)
    out_ref[...] = jnp.concatenate([olo * inv, ohi * inv], axis=1)


def _row_spec(width):
    return pl.BlockSpec((_R, width), lambda i: (i, 0))


def _const_spec(shape):
    return pl.BlockSpec(shape, lambda i: tuple(0 for _ in shape))


def kernel(x, edge_a0, edge_a1, edge_r0, edge_r1, W1, b1, W2, b2, att):
    x = x.astype(jnp.float32)
    xlo = x[:, :_DH]
    xhi = x[:, _DH:]

    def _split(e):
        e = e.astype(jnp.int32)
        return (e[0].reshape(_E // _CH, _CH), e[1].reshape(_E // _CH, _CH))

    ra0, ca0 = _split(edge_a0)
    ra1, ca1 = _split(edge_a1)
    rr0, cr0 = _split(edge_r0)
    rr1, cr1 = _split(edge_r1)
    z64 = jnp.zeros((_NP, _DH), jnp.float32)
    zdeg = jnp.zeros((_NP, _DEGW), jnp.float32)

    a0lo, a0hi, a1lo, a1hi, dga0, dga1 = _spmm_pair(
        xlo, xhi, ra0, ca0, ra1, ca1, z64, zdeg)

    w1lo = W1[:_DH, :]
    w1hi = W1[_DH:, :]
    s2lo, s2hi = pl.pallas_call(
        _mlp_block,
        grid=(_N // _R,),
        in_specs=[
            _const_spec((2, 2)),
            _const_spec((_DH, _D_HID)),
            _const_spec((_DH, _D_HID)),
            _const_spec((1, _D_HID)),
            _const_spec((_D_HID, _D_OUT)),
            _const_spec((1, _D_OUT)),
            _row_spec(_DH), _row_spec(_DH), _row_spec(_DH), _row_spec(_DH),
            _row_spec(_DEGW), _row_spec(_DEGW),
        ],
        out_specs=[_row_spec(_DH), _row_spec(_DH)],
        out_shape=[jax.ShapeDtypeStruct((_N, _DH), jnp.float32)] * 2,
    )(att, w1lo, w1hi, b1.reshape(1, _D_HID), W2, b2.reshape(1, _D_OUT),
      a0lo, a0hi, a1lo, a1hi, dga0, dga1)

    v0lo, v0hi, v1lo, v1hi, dgr0, dgr1 = _spmm_pair(
        s2lo, s2hi, rr0, cr0, rr1, cr1, z64, zdeg)

    out = pl.pallas_call(
        _norm_block,
        grid=(_N // _R,),
        in_specs=[
            _const_spec((2, 2)),
            _row_spec(_DH), _row_spec(_DH), _row_spec(_DH), _row_spec(_DH),
            _row_spec(_DEGW), _row_spec(_DEGW),
        ],
        out_specs=_row_spec(_D_OUT),
        out_shape=jax.ShapeDtypeStruct((_N, _D_OUT), jnp.float32),
    )(att, v0lo, v0hi, v1lo, v1hi, dgr0, dgr1)
    return out

# --- scband reference (transcript-rebuilt; emitter-appended) ---
"""Pipeline reference for scband-gcn-dense-aux-5609227288944 (READ-ONLY COPY).

The authoritative reference and input builder live on the scoring server;
editing this copy changes nothing except your own understanding.
"""

import jax, jax.numpy as jnp
import numpy as np

N = 10000
E = 160000
D_IN = 128
D_HID = 256
D_OUT = 128


def _xavier(key, fan_in, fan_out):
    bound = float(np.sqrt(6.0 / (fan_in + fan_out)))
    return jax.random.uniform(key, (fan_in, fan_out), dtype=jnp.float32, minval=-bound, maxval=bound)


def setup_inputs(seed: int = 0):
    key = jax.random.key(seed)
    ks = jax.random.split(key, 8)
    x = jax.random.normal(ks[0], (N, D_IN), dtype=jnp.float32)
    edge_a0 = jax.random.randint(ks[1], (2, E), 0, N)
    edge_a1 = jax.random.randint(ks[2], (2, E), 0, N)
    edge_r0 = jax.random.randint(ks[3], (2, E), 0, N)
    edge_r1 = jax.random.randint(ks[4], (2, E), 0, N)
    W1 = _xavier(ks[5], D_IN, D_HID)
    b1 = jnp.zeros((D_HID,), dtype=jnp.float32)
    W2 = _xavier(ks[6], D_HID, D_OUT)
    b2 = jnp.zeros((D_OUT,), dtype=jnp.float32)
    att = jnp.ones((2, 2), dtype=jnp.float32)
    return {"x": x, "edge_a0": edge_a0, "edge_a1": edge_a1, "edge_r0": edge_r0,
            "edge_r1": edge_r1, "W1": W1, "b1": b1, "W2": W2, "b2": b2, "att": att}


def _norm_spmm(edges, support):
    # adj = coo(ones, (row, col), shape (N, N)), row-normalized (method='in')
    row = edges[0]
    col = edges[1]
    deg = jnp.zeros((N,), jnp.float32).at[row].add(1.0)
    msgs = jnp.take(support, col, axis=0)
    out = jnp.zeros((N, support.shape[1]), jnp.float32).at[row].add(msgs)
    return out / jnp.maximum(deg, 1.0)[:, None]


def reference(x, edge_a0, edge_a1, edge_r0, edge_r1, W1, b1, W2, b2, att):
    # conv1: graph side (a_adj_set), LeakyReLU(0.2)
    support = x @ W1 + b1
    a = jax.nn.softmax(att[0])
    out = _norm_spmm(edge_a0, support) * a[0] + _norm_spmm(edge_a1, support) * a[1]
    h = jnp.where(out >= 0, out, 0.2 * out)
    # conv-last: relation side (r_adj_set), no relu
    support = h @ W2 + b2
    a = jax.nn.softmax(att[1])
    out = _norm_spmm(edge_r0, support) * a[0] + _norm_spmm(edge_r1, support) * a[1]
    # F.normalize (L2 over dim=1, eps=1e-12)
    nrm = jnp.sqrt(jnp.sum(out * out, axis=1, keepdims=True))
    return out / jnp.maximum(nrm, 1e-12)

if __name__ == "__main__":
    import jax
    _d = setup_inputs()
    print(jax.jit(kernel)(*tuple(_d.values())))

</pallas_src>

<mosaic_0001>
#map = affine_map<(d0, d1) -> (0, 0)>
module attributes {stable_mosaic.version = 14 : i64} {
  func.func @_spmm_body(%arg0: i32, %arg1: i32, %arg2: memref<10000x64xf32, #tpu.memory_space<hbm>>, %arg3: memref<10000x64xf32, #tpu.memory_space<hbm>>, %arg4: memref<640x250xi32, #tpu.memory_space<hbm>>, %arg5: memref<640x250xi32, #tpu.memory_space<hbm>>, %arg6: memref<640x250xi32, #tpu.memory_space<hbm>>, %arg7: memref<640x250xi32, #tpu.memory_space<hbm>>, %arg8: memref<10240x64xf32, #tpu.memory_space<hbm>>, %arg9: memref<10240x16xf32, #tpu.memory_space<hbm>>, %arg10: memref<10240x64xf32, #tpu.memory_space<hbm>>, %arg11: memref<10240x64xf32, #tpu.memory_space<hbm>>, %arg12: memref<10240x64xf32, #tpu.memory_space<hbm>>, %arg13: memref<10240x64xf32, #tpu.memory_space<hbm>>, %arg14: memref<10240x16xf32, #tpu.memory_space<hbm>>, %arg15: memref<10240x16xf32, #tpu.memory_space<hbm>>, %arg16: memref<40x250xi32, #tpu.memory_space<vmem>>, %arg17: memref<40x250xi32, #tpu.memory_space<vmem>>, %arg18: memref<40x250xi32, #tpu.memory_space<vmem>>, %arg19: memref<40x250xi32, #tpu.memory_space<vmem>>, %arg20: memref<250x64xf32, #tpu.memory_space<vmem>>, %arg21: memref<250x64xf32, #tpu.memory_space<vmem>>, %arg22: memref<250x16xf32, #tpu.memory_space<vmem>>, %arg23: memref<10240x64xf32, #tpu.memory_space<vmem_shared>>, %arg24: memref<10240x16xf32, #tpu.memory_space<vmem_shared>>, %arg25: memref<!tpu.dma_semaphore, #tpu.memory_space<semaphore_mem>>, %arg26: memref<!tpu.dma_semaphore, #tpu.memory_space<semaphore_mem>>) attributes {dimension_semantics = [#tpu.dimension_semantics<core_parallel>, #tpu.dimension_semantics<subcore_parallel>], iteration_bounds = array<i64: 2, 16>, scalar_prefetch = 0 : i64, scratch_operands = 11 : i64, tpu.core_type = #tpu.core_type<sc_vector_subcore>, window_params = [{transform_indices = #map}, {transform_indices = #map}, {transform_indices = #map}, {transform_indices = #map}, {transform_indices = #map}, {transform_indices = #map}, {transform_indices = #map}, {transform_indices = #map}, {transform_indices = #map}, {transform_indices = #map}, {transform_indices = #map}, {transform_indices = #map}, {transform_indices = #map}, {transform_indices = #map}]} {
    %mul3A = arith.constant 640 : i32
    %mul3A_0 = arith.muli %arg1, %mul3A : i32
    %scan3A = arith.constant 0 : i32
    %scan3A_1 = arith.constant 0 : i32
    %scan3A_2 = arith.constant 250 : i32
    %scan3A_3 = arith.addi %scan3A_1, %scan3A_2 : i32
    %scan3A_4 = arith.constant 1 : i32
    scf.for %scan3A_58 = %scan3A_1 to %scan3A_3 step %scan3A_4  : i32 {
      %broadcast_in_dim3A = arith.constant 1.000000e+00 : f32
      %broadcast_in_dim3A_59 = vector.broadcast %broadcast_in_dim3A : f32 to vector<16xf32>
      %swap3A = arith.index_cast %scan3A_58 : i32 to index
      %swap3A_60 = arith.constant 0 : index
      %swap3A_61 = tpu.vector_load %arg22[%swap3A, %swap3A_60] {strides = array<i32>} : memref<250x16xf32, #tpu.memory_space<vmem>>, vector<1x16xf32>,
      %swap3A_62 = vector.shape_cast %swap3A_61 : vector<1x16xf32> to vector<16xf32>
      %swap3A_63 = vector.shape_cast %broadcast_in_dim3A_59 : vector<16xf32> to vector<1x16xf32>
      tpu.vector_store %arg22[%swap3A, %swap3A_60], %swap3A_63 {strides = array<i32>} : memref<250x16xf32, #tpu.memory_space<vmem>>, vector<1x16xf32>,
    }
    %scan3A_5 = arith.constant 250 : i32
    "tpu.region"() ({
      %run_scoped3A = tpu.sem_alloc : memref<!tpu.dma_semaphore, #tpu.memory_space<semaphore_mem>>
      %dma_start3A = arith.constant 0 : i32
      %dma_start3A_58 = tpu.memref_slice %arg23[%mul3A_0, %dma_start3A] : memref<10240x64xf32, #tpu.memory_space<vmem_shared>> -> memref<640x64xf32, #tpu.memory_space<vmem_shared>>
      %dma_start3A_59 = arith.constant 0 : i32
      %dma_start3A_60 = tpu.memref_slice %arg8[%mul3A_0, %dma_start3A_59] : memref<10240x64xf32, #tpu.memory_space<hbm>> -> memref<640x64xf32, #tpu.memory_space<hbm>>
      tpu.enqueue_dma source(%dma_start3A_60 : memref<640x64xf32, #tpu.memory_space<hbm>>) target(%dma_start3A_58 : memref<640x64xf32, #tpu.memory_space<vmem_shared>>) target_semaphore(%run_scoped3A : memref<!tpu.dma_semaphore, #tpu.memory_space<semaphore_mem>>)
      %dma_wait3A = arith.constant 0 : i32
      %dma_wait3A_61 = tpu.memref_slice %arg23[%mul3A_0, %dma_wait3A] : memref<10240x64xf32, #tpu.memory_space<vmem_shared>> -> memref<640x64xf32, #tpu.memory_space<vmem_shared>>
      %dma_wait3A_62 = arith.constant 0 : i32
      %dma_wait3A_63 = tpu.memref_slice %arg8[%mul3A_0, %dma_wait3A_62] : memref<10240x64xf32, #tpu.memory_space<hbm>> -> memref<640x64xf32, #tpu.memory_space<hbm>>
      tpu.wait_dma2 semaphore(%run_scoped3A : memref<!tpu.dma_semaphore, #tpu.memory_space<semaphore_mem>>) src(%dma_wait3A_63 : memref<640x64xf32, #tpu.memory_space<hbm>>) dst(%dma_wait3A_61 : memref<640x64xf32, #tpu.memory_space<vmem_shared>>)
      tpu.yield
    }) : () -> ()
    "tpu.region"() ({
      %run_scoped3A = tpu.sem_alloc : memref<!tpu.dma_semaphore, #tpu.memory_space<semaphore_mem>>
      %dma_start3A = arith.constant 0 : i32
      %dma_start3A_58 = tpu.memref_slice %arg24[%mul3A_0, %dma_start3A] : memref<10240x16xf32, #tpu.memory_space<vmem_shared>> -> memref<640x16xf32, #tpu.memory_space<vmem_shared>>
      %dma_start3A_59 = arith.constant 0 : i32
      %dma_start3A_60 = tpu.memref_slice %arg9[%mul3A_0, %dma_start3A_59] : memref<10240x16xf32, #tpu.memory_space<hbm>> -> memref<640x16xf32, #tpu.memory_space<hbm>>
      tpu.enqueue_dma source(%dma_start3A_60 : memref<640x16xf32, #tpu.memory_space<hbm>>) target(%dma_start3A_58 : memref<640x16xf32, #tpu.memory_space<vmem_shared>>) target_semaphore(%run_scoped3A : memref<!tpu.dma_semaphore, #tpu.memory_space<semaphore_mem>>)
      %dma_wait3A = arith.constant 0 : i32
      %dma_wait3A_61 = tpu.memref_slice %arg24[%mul3A_0, %dma_wait3A] : memref<10240x16xf32, #tpu.memory_space<vmem_shared>> -> memref<640x16xf32, #tpu.memory_space<vmem_shared>>
      %dma_wait3A_62 = arith.constant 0 : i32
      %dma_wait3A_63 = tpu.memref_slice %arg9[%mul3A_0, %dma_wait3A_62] : memref<10240x16xf32, #tpu.memory_space<hbm>> -> memref<640x16xf32, #tpu.memory_space<hbm>>
      tpu.wait_dma2 semaphore(%run_scoped3A : memref<!tpu.dma_semaphore, #tpu.memory_space<semaphore_mem>>) src(%dma_wait3A_63 : memref<640x16xf32, #tpu.memory_space<hbm>>) dst(%dma_wait3A_61 : memref<640x16xf32, #tpu.memory_space<vmem_shared>>)
      tpu.yield
    }) : () -> ()
    %mul3A_6 = arith.constant 40 : i32
    %mul3A_7 = arith.muli %arg1, %mul3A_6 : i32
    "tpu.region"() ({
      %run_scoped3A = tpu.sem_alloc : memref<!tpu.dma_semaphore, #tpu.memory_space<semaphore_mem>>
      %dma_start3A = arith.constant 0 : i32
      %dma_start3A_58 = tpu.memref_slice %arg4[%mul3A_7, %dma_start3A] : memref<640x250xi32, #tpu.memory_space<hbm>> -> memref<40x250xi32, #tpu.memory_space<hbm>>
      %dma_start3A_59 = arith.constant 0 : i32
      %dma_start3A_60 = tpu.memref_slice %arg4[%mul3A_7, %dma_start3A_59] : memref<640x250xi32, #tpu.memory_space<hbm>> -> memref<40x250xi32, #tpu.memory_space<hbm>>
      tpu.enqueue_dma source(%dma_start3A_60 : memref<40x250xi32, #tpu.memory_space<hbm>>) target(%arg16 : memref<40x250xi32, #tpu.memory_space<vmem>>) target_semaphore(%run_scoped3A : memref<!tpu.dma_semaphore, #tpu.memory_space<semaphore_mem>>)
      %dma_wait3A = arith.constant 0 : i32
      %dma_wait3A_61 = tpu.memref_slice %arg4[%mul3A_7, %dma_wait3A] : memref<640x250xi32, #tpu.memory_space<hbm>> -> memref<40x250xi32, #tpu.memory_space<hbm>>
      %dma_wait3A_62 = arith.constant 0 : i32
      %dma_wait3A_63 = tpu.memref_slice %arg4[%mul3A_7, %dma_wait3A_62] : memref<640x250xi32, #tpu.memory_space<hbm>> -> memref<40x250xi32, #tpu.memory_space<hbm>>
      tpu.wait_dma2 semaphore(%run_scoped3A : memref<!tpu.dma_semaphore, #tpu.memory_space<semaphore_mem>>) src(%dma_wait3A_63 : memref<40x250xi32, #tpu.memory_space<hbm>>) dst(%arg16 : memref<40x250xi32, #tpu.memory_space<vmem>>)
      tpu.yield
    }) : () -> ()
    "tpu.region"() ({
      %run_scoped3A = tpu.sem_alloc : memref<!tpu.dma_semaphore, #tpu.memory_space<semaphore_mem>>
      %dma_start3A = arith.constant 0 : i32
      %dma_start3A_58 = tpu.memref_slice %arg5[%mul3A_7, %dma_start3A] : memref<640x250xi32, #tpu.memory_space<hbm>> -> memref<40x250xi32, #tpu.memory_space<hbm>>
      %dma_start3A_59 = arith.constant 0 : i32
      %dma_start3A_60 = tpu.memref_slice %arg5[%mul3A_7, %dma_start3A_59] : memref<640x250xi32, #tpu.memory_space<hbm>> -> memref<40x250xi32, #tpu.memory_space<hbm>>
      tpu.enqueue_dma source(%dma_start3A_60 : memref<40x250xi32, #tpu.memory_space<hbm>>) target(%arg17 : memref<40x250xi32, #tpu.memory_space<vmem>>) target_semaphore(%run_scoped3A : memref<!tpu.dma_semaphore, #tpu.memory_space<semaphore_mem>>)
      %dma_wait3A = arith.constant 0 : i32
      %dma_wait3A_61 = tpu.memref_slice %arg5[%mul3A_7, %dma_wait3A] : memref<640x250xi32, #tpu.memory_space<hbm>> -> memref<40x250xi32, #tpu.memory_space<hbm>>
      %dma_wait3A_62 = arith.constant 0 : i32
      %dma_wait3A_63 = tpu.memref_slice %arg5[%mul3A_7, %dma_wait3A_62] : memref<640x250xi32, #tpu.memory_space<hbm>> -> memref<40x250xi32, #tpu.memory_space<hbm>>
      tpu.wait_dma2 semaphore(%run_scoped3A : memref<!tpu.dma_semaphore, #tpu.memory_space<semaphore_mem>>) src(%dma_wait3A_63 : memref<40x250xi32, #tpu.memory_space<hbm>>) dst(%arg17 : memref<40x250xi32, #tpu.memory_space<vmem>>)
      tpu.yield
    }) : () -> ()
    "tpu.region"() ({
      %run_scoped3A = tpu.sem_alloc : memref<!tpu.dma_semaphore, #tpu.memory_space<semaphore_mem>>
      %dma_start3A = arith.constant 0 : i32
      %dma_start3A_58 = tpu.memref_slice %arg6[%mul3A_7, %dma_start3A] : memref<640x250xi32, #tpu.memory_space<hbm>> -> memref<40x250xi32, #tpu.memory_space<hbm>>
      %dma_start3A_59 = arith.constant 0 : i32
      %dma_start3A_60 = tpu.memref_slice %arg6[%mul3A_7, %dma_start3A_59] : memref<640x250xi32, #tpu.memory_space<hbm>> -> memref<40x250xi32, #tpu.memory_space<hbm>>
      tpu.enqueue_dma source(%dma_start3A_60 : memref<40x250xi32, #tpu.memory_space<hbm>>) target(%arg18 : memref<40x250xi32, #tpu.memory_space<vmem>>) target_semaphore(%run_scoped3A : memref<!tpu.dma_semaphore, #tpu.memory_space<semaphore_mem>>)
      %dma_wait3A = arith.constant 0 : i32
      %dma_wait3A_61 = tpu.memref_slice %arg6[%mul3A_7, %dma_wait3A] : memref<640x250xi32, #tpu.memory_space<hbm>> -> memref<40x250xi32, #tpu.memory_space<hbm>>
      %dma_wait3A_62 = arith.constant 0 : i32
      %dma_wait3A_63 = tpu.memref_slice %arg6[%mul3A_7, %dma_wait3A_62] : memref<640x250xi32, #tpu.memory_space<hbm>> -> memref<40x250xi32, #tpu.memory_space<hbm>>
      tpu.wait_dma2 semaphore(%run_scoped3A : memref<!tpu.dma_semaphore, #tpu.memory_space<semaphore_mem>>) src(%dma_wait3A_63 : memref<40x250xi32, #tpu.memory_space<hbm>>) dst(%arg18 : memref<40x250xi32, #tpu.memory_space<vmem>>)
      tpu.yield
    }) : () -> ()
    "tpu.region"() ({
      %run_scoped3A = tpu.sem_alloc : memref<!tpu.dma_semaphore, #tpu.memory_space<semaphore_mem>>
      %dma_start3A = arith.constant 0 : i32
      %dma_start3A_58 = tpu.memref_slice %arg7[%mul3A_7, %dma_start3A] : memref<640x250xi32, #tpu.memory_space<hbm>> -> memref<40x250xi32, #tpu.memory_space<hbm>>
      %dma_start3A_59 = arith.constant 0 : i32
      %dma_start3A_60 = tpu.memref_slice %arg7[%mul3A_7, %dma_start3A_59] : memref<640x250xi32, #tpu.memory_space<hbm>> -> memref<40x250xi32, #tpu.memory_space<hbm>>
      tpu.enqueue_dma source(%dma_start3A_60 : memref<40x250xi32, #tpu.memory_space<hbm>>) target(%arg19 : memref<40x250xi32, #tpu.memory_space<vmem>>) target_semaphore(%run_scoped3A : memref<!tpu.dma_semaphore, #tpu.memory_space<semaphore_mem>>)
      %dma_wait3A = arith.constant 0 : i32
      %dma_wait3A_61 = tpu.memref_slice %arg7[%mul3A_7, %dma_wait3A] : memref<640x250xi32, #tpu.memory_space<hbm>> -> memref<40x250xi32, #tpu.memory_space<hbm>>
      %dma_wait3A_62 = arith.constant 0 : i32
      %dma_wait3A_63 = tpu.memref_slice %arg7[%mul3A_7, %dma_wait3A_62] : memref<640x250xi32, #tpu.memory_space<hbm>> -> memref<40x250xi32, #tpu.memory_space<hbm>>
      tpu.wait_dma2 semaphore(%run_scoped3A : memref<!tpu.dma_semaphore, #tpu.memory_space<semaphore_mem>>) src(%dma_wait3A_63 : memref<40x250xi32, #tpu.memory_space<hbm>>) dst(%arg19 : memref<40x250xi32, #tpu.memory_space<vmem>>)
      tpu.yield
    }) : () -> ()
    %barrier3A = arith.constant 0 : index
    tpu.barrier barrier_id(%barrier3A)
    %eq3A = arith.constant 0 : i32
    %eq3A_8 = arith.cmpi eq, %arg0, %eq3A : i32
    %convert_element_type3A = arith.extui %eq3A_8 : i1 to i32
    %cond3A = arith.constant 0 : i32
    %cond3A_9 = arith.cmpi ne, %convert_element_type3A, %cond3A : i32
    scf.if %cond3A_9 {
      %dma_start3A = arith.constant 0 : i32
      %dma_start3A_58 = arith.constant 0 : i32
      %dma_start3A_59 = tpu.memref_slice %arg17[%dma_start3A, %dma_start3A_58] : memref<40x250xi32, #tpu.memory_space<vmem>> -> memref<1x250xi32, #tpu.memory_space<vmem>>
      %dma_start3A_60 = tpu.memref_squeeze %dma_start3A_59 : memref<1x250xi32, #tpu.memory_space<vmem>> -> memref<250xi32, #tpu.memory_space<vmem>>
      %dma_start3A_61 = arith.constant 0 : i32
      %dma_start3A_62 = arith.constant 0 : i32
      %dma_start3A_63 = tpu.memref_slice %arg2[%dma_start3A_61, %dma_start3A_62] : memref<10000x64xf32, #tpu.memory_space<hbm>> -> memref<10000x64xf32, #tpu.memory_space<hbm>>
      tpu.enqueue_indirect_dma source(%dma_start3A_63 : memref<10000x64xf32, #tpu.memory_space<hbm>>) target(%arg20 : memref<250x64xf32, #tpu.memory_space<vmem>>) offsets(%dma_start3A_60 : memref<250xi32, #tpu.memory_space<vmem>>) semaphore(%arg25 : memref<!tpu.dma_semaphore, #tpu.memory_space<semaphore_mem>>)
      %dma_start3A_64 = arith.constant 1 : i32
      %dma_start3A_65 = arith.constant 0 : i32
      %dma_start3A_66 = tpu.memref_slice %arg17[%dma_start3A_64, %dma_start3A_65] : memref<40x250xi32, #tpu.memory_space<vmem>> -> memref<1x250xi32, #tpu.memory_space<vmem>>
      %dma_start3A_67 = tpu.memref_squeeze %dma_start3A_66 : memref<1x250xi32, #tpu.memory_space<vmem>> -> memref<250xi32, #tpu.memory_space<vmem>>
      %dma_start3A_68 = arith.constant 0 : i32
      %dma_start3A_69 = arith.constant 0 : i32
      %dma_start3A_70 = tpu.memref_slice %arg2[%dma_start3A_68, %dma_start3A_69] : memref<10000x64xf32, #tpu.memory_space<hbm>> -> memref<10000x64xf32, #tpu.memory_space<hbm>>
      tpu.enqueue_indirect_dma source(%dma_start3A_70 : memref<10000x64xf32, #tpu.memory_space<hbm>>) target(%arg21 : memref<250x64xf32, #tpu.memory_space<vmem>>) offsets(%dma_start3A_67 : memref<250xi32, #tpu.memory_space<vmem>>) semaphore(%arg26 : memref<!tpu.dma_semaphore, #tpu.memory_space<semaphore_mem>>)
      %scan3A_71 = arith.constant 0 : i32
      %scan3A_72 = arith.constant 0 : i32
      %scan3A_73 = arith.constant 20 : i32
      %scan3A_74 = arith.addi %scan3A_72, %scan3A_73 : i32
      %scan3A_75 = arith.constant 1 : i32
      scf.for %scan3A_77 = %scan3A_72 to %scan3A_74 step %scan3A_75  : i32 {
        %mul3A_78 = arith.constant 2 : i32
        %mul3A_79 = arith.muli %mul3A_78, %scan3A_77 : i32
        %add3A = arith.constant 0 : i32
        %add3A_80 = arith.addi %mul3A_79, %add3A : i32
        %dma_wait3A = arith.constant 0 : i32
        %dma_wait3A_81 = tpu.memref_slice %arg17[%add3A_80, %dma_wait3A] : memref<40x250xi32, #tpu.memory_space<vmem>> -> memref<1x250xi32, #tpu.memory_space<vmem>>
        %dma_wait3A_82 = tpu.memref_squeeze %dma_wait3A_81 : memref<1x250xi32, #tpu.memory_space<vmem>> -> memref<250xi32, #tpu.memory_space<vmem>>
        %dma_wait3A_83 = arith.constant 0 : i32
        %dma_wait3A_84 = arith.constant 0 : i32
        %dma_wait3A_85 = tpu.memref_slice %arg2[%dma_wait3A_83, %dma_wait3A_84] : memref<10000x64xf32, #tpu.memory_space<hbm>> -> memref<10000x64xf32, #tpu.memory_space<hbm>>
        tpu.wait_indirect_dma semaphore(%arg25 : memref<!tpu.dma_semaphore, #tpu.memory_space<semaphore_mem>>) src(%dma_wait3A_85 : memref<10000x64xf32, #tpu.memory_space<hbm>>) dst(%arg20 : memref<250x64xf32, #tpu.memory_space<vmem>>)
        "tpu.region"() ({
          %run_scoped3A = tpu.sem_alloc : memref<!tpu.dma_semaphore, #tpu.memory_space<semaphore_mem>>
          %dma_start3A_117 = arith.constant 0 : i32
          %dma_start3A_118 = tpu.memref_slice %arg16[%add3A_80, %dma_start3A_117] : memref<40x250xi32, #tpu.memory_space<vmem>> -> memref<1x250xi32, #tpu.memory_space<vmem>>
          %dma_start3A_119 = tpu.memref_squeeze %dma_start3A_118 : memref<1x250xi32, #tpu.memory_space<vmem>> -> memref<250xi32, #tpu.memory_space<vmem>>
          %dma_start3A_120 = arith.constant 0 : i32
          %dma_start3A_121 = arith.constant 0 : i32
          %dma_start3A_122 = tpu.memref_slice %arg23[%dma_start3A_120, %dma_start3A_121] : memref<10240x64xf32, #tpu.memory_space<vmem_shared>> -> memref<10240x64xf32, #tpu.memory_space<vmem_shared>>
          tpu.enqueue_indirect_dma source(%arg20 : memref<250x64xf32, #tpu.memory_space<vmem>>) target(%dma_start3A_122 : memref<10240x64xf32, #tpu.memory_space<vmem_shared>>) offsets(%dma_start3A_119 : memref<250xi32, #tpu.memory_space<vmem>>) semaphore(%run_scoped3A : memref<!tpu.dma_semaphore, #tpu.memory_space<semaphore_mem>>) {add = true}
          %dma_wait3A_123 = arith.constant 0 : i32
          %dma_wait3A_124 = tpu.memref_slice %arg16[%add3A_80, %dma_wait3A_123] : memref<40x250xi32, #tpu.memory_space<vmem>> -> memref<1x250xi32, #tpu.memory_space<vmem>>
          %dma_wait3A_125 = tpu.memref_squeeze %dma_wait3A_124 : memref<1x250xi32, #tpu.memory_space<vmem>> -> memref<250xi32, #tpu.memory_space<vmem>>
          %dma_wait3A_126 = arith.constant 0 : i32
          %dma_wait3A_127 = arith.constant 0 : i32
          %dma_wait3A_128 = tpu.memref_slice %arg23[%dma_wait3A_126, %dma_wait3A_127] : memref<10240x64xf32, #tpu.memory_space<vmem_shared>> -> memref<10240x64xf32, #tpu.memory_space<vmem_shared>>
          tpu.wait_indirect_dma semaphore(%run_scoped3A : memref<!tpu.dma_semaphore, #tpu.memory_space<semaphore_mem>>) src(%arg20 : memref<250x64xf32, #tpu.memory_space<vmem>>) dst(%dma_wait3A_128 : memref<10240x64xf32, #tpu.memory_space<vmem_shared>>)
          tpu.yield
        }) : () -> ()
        %add3A_86 = arith.constant 1 : i32
        %add3A_87 = arith.addi %scan3A_77, %add3A_86 : i32
        %lt3A = arith.constant 20 : i32
        %lt3A_88 = arith.cmpi slt, %add3A_87, %lt3A : i32
        %convert_element_type3A_89 = arith.extui %lt3A_88 : i1 to i32
        %cond3A_90 = arith.constant 0 : i32
        %cond3A_91 = arith.cmpi ne, %convert_element_type3A_89, %cond3A_90 : i32
        scf.if %cond3A_91 {
          %add3A_117 = arith.constant 2 : i32
          %add3A_118 = arith.addi %add3A_80, %add3A_117 : i32
          %dma_start3A_119 = arith.constant 0 : i32
          %dma_start3A_120 = tpu.memref_slice %arg17[%add3A_118, %dma_start3A_119] : memref<40x250xi32, #tpu.memory_space<vmem>> -> memref<1x250xi32, #tpu.memory_space<vmem>>
          %dma_start3A_121 = tpu.memref_squeeze %dma_start3A_120 : memref<1x250xi32, #tpu.memory_space<vmem>> -> memref<250xi32, #tpu.memory_space<vmem>>
          %dma_start3A_122 = arith.constant 0 : i32
          %dma_start3A_123 = arith.constant 0 : i32
          %dma_start3A_124 = tpu.memref_slice %arg2[%dma_start3A_122, %dma_start3A_123] : memref<10000x64xf32, #tpu.memory_space<hbm>> -> memref<10000x64xf32, #tpu.memory_space<hbm>>
          tpu.enqueue_indirect_dma source(%dma_start3A_124 : memref<10000x64xf32, #tpu.memory_space<hbm>>) target(%arg20 : memref<250x64xf32, #tpu.memory_space<vmem>>) offsets(%dma_start3A_121 : memref<250xi32, #tpu.memory_space<vmem>>) semaphore(%arg25 : memref<!tpu.dma_semaphore, #tpu.memory_space<semaphore_mem>>)
        } else {
        }
        %eq3A_92 = arith.constant 0 : i32
        %eq3A_93 = arith.cmpi eq, %arg0, %eq3A_92 : i32
        %convert_element_type3A_94 = arith.extui %eq3A_93 : i1 to i32
        %cond3A_95 = arith.constant 0 : i32
        %cond3A_96 = arith.cmpi ne, %convert_element_type3A_94, %cond3A_95 : i32
        scf.if %cond3A_96 {
          "tpu.region"() ({
            %run_scoped3A = tpu.sem_alloc : memref<!tpu.dma_semaphore, #tpu.memory_space<semaphore_mem>>
            %dma_start3A_117 = arith.constant 0 : i32
            %dma_start3A_118 = tpu.memref_slice %arg16[%add3A_80, %dma_start3A_117] : memref<40x250xi32, #tpu.memory_space<vmem>> -> memref<1x250xi32, #tpu.memory_space<vmem>>
            %dma_start3A_119 = tpu.memref_squeeze %dma_start3A_118 : memref<1x250xi32, #tpu.memory_space<vmem>> -> memref<250xi32, #tpu.memory_space<vmem>>
            %dma_start3A_120 = arith.constant 0 : i32
            %dma_start3A_121 = arith.constant 0 : i32
            %dma_start3A_122 = tpu.memref_slice %arg24[%dma_start3A_120, %dma_start3A_121] : memref<10240x16xf32, #tpu.memory_space<vmem_shared>> -> memref<10240x16xf32, #tpu.memory_space<vmem_shared>>
            tpu.enqueue_indirect_dma source(%arg22 : memref<250x16xf32, #tpu.memory_space<vmem>>) target(%dma_start3A_122 : memref<10240x16xf32, #tpu.memory_space<vmem_shared>>) offsets(%dma_start3A_119 : memref<250xi32, #tpu.memory_space<vmem>>) semaphore(%run_scoped3A : memref<!tpu.dma_semaphore, #tpu.memory_space<semaphore_mem>>) {add = true}
            %dma_wait3A_123 = arith.constant 0 : i32
            %dma_wait3A_124 = tpu.memref_slice %arg16[%add3A_80, %dma_wait3A_123] : memref<40x250xi32, #tpu.memory_space<vmem>> -> memref<1x250xi32, #tpu.memory_space<vmem>>
            %dma_wait3A_125 = tpu.memref_squeeze %dma_wait3A_124 : memref<1x250xi32, #tpu.memory_space<vmem>> -> memref<250xi32, #tpu.memory_space<vmem>>
            %dma_wait3A_126 = arith.constant 0 : i32
            %dma_wait3A_127 = arith.constant 0 : i32
            %dma_wait3A_128 = tpu.memref_slice %arg24[%dma_wait3A_126, %dma_wait3A_127] : memref<10240x16xf32, #tpu.memory_space<vmem_shared>> -> memref<10240x16xf32, #tpu.memory_space<vmem_shared>>
            tpu.wait_indirect_dma semaphore(%run_scoped3A : memref<!tpu.dma_semaphore, #tpu.memory_space<semaphore_mem>>) src(%arg22 : memref<250x16xf32, #tpu.memory_space<vmem>>) dst(%dma_wait3A_128 : memref<10240x16xf32, #tpu.memory_space<vmem_shared>>)
            tpu.yield
          }) : () -> ()
        } else {
        }
        %add3A_97 = arith.constant 1 : i32
        %add3A_98 = arith.addi %mul3A_79, %add3A_97 : i32
        %dma_wait3A_99 = arith.constant 0 : i32
        %dma_wait3A_100 = tpu.memref_slice %arg17[%add3A_98, %dma_wait3A_99] : memref<40x250xi32, #tpu.memory_space<vmem>> -> memref<1x250xi32, #tpu.memory_space<vmem>>
        %dma_wait3A_101 = tpu.memref_squeeze %dma_wait3A_100 : memref<1x250xi32, #tpu.memory_space<vmem>> -> memref<250xi32, #tpu.memory_space<vmem>>
        %dma_wait3A_102 = arith.constant 0 : i32
        %dma_wait3A_103 = arith.constant 0 : i32
        %dma_wait3A_104 = tpu.memref_slice %arg2[%dma_wait3A_102, %dma_wait3A_103] : memref<10000x64xf32, #tpu.memory_space<hbm>> -> memref<10000x64xf32, #tpu.memory_space<hbm>>
        tpu.wait_indirect_dma semaphore(%arg26 : memref<!tpu.dma_semaphore, #tpu.memory_space<semaphore_mem>>) src(%dma_wait3A_104 : memref<10000x64xf32, #tpu.memory_space<hbm>>) dst(%arg21 : memref<250x64xf32, #tpu.memory_space<vmem>>)
        "tpu.region"() ({
          %run_scoped3A = tpu.sem_alloc : memref<!tpu.dma_semaphore, #tpu.memory_space<semaphore_mem>>
          %dma_start3A_117 = arith.constant 0 : i32
          %dma_start3A_118 = tpu.memref_slice %arg16[%add3A_98, %dma_start3A_117] : memref<40x250xi32, #tpu.memory_space<vmem>> -> memref<1x250xi32, #tpu.memory_space<vmem>>
          %dma_start3A_119 = tpu.memref_squeeze %dma_start3A_118 : memref<1x250xi32, #tpu.memory_space<vmem>> -> memref<250xi32, #tpu.memory_space<vmem>>
          %dma_start3A_120 = arith.constant 0 : i32
          %dma_start3A_121 = arith.constant 0 : i32
          %dma_start3A_122 = tpu.memref_slice %arg23[%dma_start3A_120, %dma_start3A_121] : memref<10240x64xf32, #tpu.memory_space<vmem_shared>> -> memref<10240x64xf32, #tpu.memory_space<vmem_shared>>
          tpu.enqueue_indirect_dma source(%arg21 : memref<250x64xf32, #tpu.memory_space<vmem>>) target(%dma_start3A_122 : memref<10240x64xf32, #tpu.memory_space<vmem_shared>>) offsets(%dma_start3A_119 : memref<250xi32, #tpu.memory_space<vmem>>) semaphore(%run_scoped3A : memref<!tpu.dma_semaphore, #tpu.memory_space<semaphore_mem>>) {add = true}
          %dma_wait3A_123 = arith.constant 0 : i32
          %dma_wait3A_124 = tpu.memref_slice %arg16[%add3A_98, %dma_wait3A_123] : memref<40x250xi32, #tpu.memory_space<vmem>> -> memref<1x250xi32, #tpu.memory_space<vmem>>
          %dma_wait3A_125 = tpu.memref_squeeze %dma_wait3A_124 : memref<1x250xi32, #tpu.memory_space<vmem>> -> memref<250xi32, #tpu.memory_space<vmem>>
          %dma_wait3A_126 = arith.constant 0 : i32
          %dma_wait3A_127 = arith.constant 0 : i32
          %dma_wait3A_128 = tpu.memref_slice %arg23[%dma_wait3A_126, %dma_wait3A_127] : memref<10240x64xf32, #tpu.memory_space<vmem_shared>> -> memref<10240x64xf32, #tpu.memory_space<vmem_shared>>
          tpu.wait_indirect_dma semaphore(%run_scoped3A : memref<!tpu.dma_semaphore, #tpu.memory_space<semaphore_mem>>) src(%arg21 : memref<250x64xf32, #tpu.memory_space<vmem>>) dst(%dma_wait3A_128 : memref<10240x64xf32, #tpu.memory_space<vmem_shared>>)
          tpu.yield
        }) : () -> ()
        %add3A_105 = arith.constant 1 : i32
        %add3A_106 = arith.addi %scan3A_77, %add3A_105 : i32
        %lt3A_107 = arith.constant 20 : i32
        %lt3A_108 = arith.cmpi slt, %add3A_106, %lt3A_107 : i32
        %convert_element_type3A_109 = arith.extui %lt3A_108 : i1 to i32
        %cond3A_110 = arith.constant 0 : i32
        %cond3A_111 = arith.cmpi ne, %convert_element_type3A_109, %cond3A_110 : i32
        scf.if %cond3A_111 {
          %add3A_117 = arith.constant 2 : i32
          %add3A_118 = arith.addi %add3A_98, %add3A_117 : i32
          %dma_start3A_119 = arith.constant 0 : i32
          %dma_start3A_120 = tpu.memref_slice %arg17[%add3A_118, %dma_start3A_119] : memref<40x250xi32, #tpu.memory_space<vmem>> -> memref<1x250xi32, #tpu.memory_space<vmem>>
          %dma_start3A_121 = tpu.memref_squeeze %dma_start3A_120 : memref<1x250xi32, #tpu.memory_space<vmem>> -> memref<250xi32, #tpu.memory_space<vmem>>
          %dma_start3A_122 = arith.constant 0 : i32
          %dma_start3A_123 = arith.constant 0 : i32
          %dma_start3A_124 = tpu.memref_slice %arg2[%dma_start3A_122, %dma_start3A_123] : memref<10000x64xf32, #tpu.memory_space<hbm>> -> memref<10000x64xf32, #tpu.memory_space<hbm>>
          tpu.enqueue_indirect_dma source(%dma_start3A_124 : memref<10000x64xf32, #tpu.memory_space<hbm>>) target(%arg21 : memref<250x64xf32, #tpu.memory_space<vmem>>) offsets(%dma_start3A_121 : memref<250xi32, #tpu.memory_space<vmem>>) semaphore(%arg26 : memref<!tpu.dma_semaphore, #tpu.memory_space<semaphore_mem>>)
        } else {
        }
        %eq3A_112 = arith.constant 0 : i32
        %eq3A_113 = arith.cmpi eq, %arg0, %eq3A_112 : i32
        %convert_element_type3A_114 = arith.extui %eq3A_113 : i1 to i32
        %cond3A_115 = arith.constant 0 : i32
        %cond3A_116 = arith.cmpi ne, %convert_element_type3A_114, %cond3A_115 : i32
        scf.if %cond3A_116 {
          "tpu.region"() ({
            %run_scoped3A = tpu.sem_alloc : memref<!tpu.dma_semaphore, #tpu.memory_space<semaphore_mem>>
            %dma_start3A_117 = arith.constant 0 : i32
            %dma_start3A_118 = tpu.memref_slice %arg16[%add3A_98, %dma_start3A_117] : memref<40x250xi32, #tpu.memory_space<vmem>> -> memref<1x250xi32, #tpu.memory_space<vmem>>
            %dma_start3A_119 = tpu.memref_squeeze %dma_start3A_118 : memref<1x250xi32, #tpu.memory_space<vmem>> -> memref<250xi32, #tpu.memory_space<vmem>>
            %dma_start3A_120 = arith.constant 0 : i32
            %dma_start3A_121 = arith.constant 0 : i32
            %dma_start3A_122 = tpu.memref_slice %arg24[%dma_start3A_120, %dma_start3A_121] : memref<10240x16xf32, #tpu.memory_space<vmem_shared>> -> memref<10240x16xf32, #tpu.memory_space<vmem_shared>>
            tpu.enqueue_indirect_dma source(%arg22 : memref<250x16xf32, #tpu.memory_space<vmem>>) target(%dma_start3A_122 : memref<10240x16xf32, #tpu.memory_space<vmem_shared>>) offsets(%dma_start3A_119 : memref<250xi32, #tpu.memory_space<vmem>>) semaphore(%run_scoped3A : memref<!tpu.dma_semaphore, #tpu.memory_space<semaphore_mem>>) {add = true}
            %dma_wait3A_123 = arith.constant 0 : i32
            %dma_wait3A_124 = tpu.memref_slice %arg16[%add3A_98, %dma_wait3A_123] : memref<40x250xi32, #tpu.memory_space<vmem>> -> memref<1x250xi32, #tpu.memory_space<vmem>>
            %dma_wait3A_125 = tpu.memref_squeeze %dma_wait3A_124 : memref<1x250xi32, #tpu.memory_space<vmem>> -> memref<250xi32, #tpu.memory_space<vmem>>
            %dma_wait3A_126 = arith.constant 0 : i32
            %dma_wait3A_127 = arith.constant 0 : i32
            %dma_wait3A_128 = tpu.memref_slice %arg24[%dma_wait3A_126, %dma_wait3A_127] : memref<10240x16xf32, #tpu.memory_space<vmem_shared>> -> memref<10240x16xf32, #tpu.memory_space<vmem_shared>>
            tpu.wait_indirect_dma semaphore(%run_scoped3A : memref<!tpu.dma_semaphore, #tpu.memory_space<semaphore_mem>>) src(%arg22 : memref<250x16xf32, #tpu.memory_space<vmem>>) dst(%dma_wait3A_128 : memref<10240x16xf32, #tpu.memory_space<vmem_shared>>)
            tpu.yield
          }) : () -> ()
        } else {
        }
      }
      %scan3A_76 = arith.constant 20 : i32
    } else {
    }
    %eq3A_10 = arith.constant 1 : i32
    %eq3A_11 = arith.cmpi eq, %arg0, %eq3A_10 : i32
    %convert_element_type3A_12 = arith.extui %eq3A_11 : i1 to i32
    %cond3A_13 = arith.constant 0 : i32
    %cond3A_14 = arith.cmpi ne, %convert_element_type3A_12, %cond3A_13 : i32
    scf.if %cond3A_14 {
      %dma_start3A = arith.constant 0 : i32
      %dma_start3A_58 = arith.constant 0 : i32
      %dma_start3A_59 = tpu.memref_slice %arg17[%dma_start3A, %dma_start3A_58] : memref<40x250xi32, #tpu.memory_space<vmem>> -> memref<1x250xi32, #tpu.memory_space<vmem>>
      %dma_start3A_60 = tpu.memref_squeeze %dma_start3A_59 : memref<1x250xi32, #tpu.memory_space<vmem>> -> memref<250xi32, #tpu.memory_space<vmem>>
      %dma_start3A_61 = arith.constant 0 : i32
      %dma_start3A_62 = arith.constant 0 : i32
      %dma_start3A_63 = tpu.memref_slice %arg3[%dma_start3A_61, %dma_start3A_62] : memref<10000x64xf32, #tpu.memory_space<hbm>> -> memref<10000x64xf32, #tpu.memory_space<hbm>>
      tpu.enqueue_indirect_dma source(%dma_start3A_63 : memref<10000x64xf32, #tpu.memory_space<hbm>>) target(%arg20 : memref<250x64xf32, #tpu.memory_space<vmem>>) offsets(%dma_start3A_60 : memref<250xi32, #tpu.memory_space<vmem>>) semaphore(%arg25 : memref<!tpu.dma_semaphore, #tpu.memory_space<semaphore_mem>>)
      %dma_start3A_64 = arith.constant 1 : i32
      %dma_start3A_65 = arith.constant 0 : i32
      %dma_start3A_66 = tpu.memref_slice %arg17[%dma_start3A_64, %dma_start3A_65] : memref<40x250xi32, #tpu.memory_space<vmem>> -> memref<1x250xi32, #tpu.memory_space<vmem>>
      %dma_start3A_67 = tpu.memref_squeeze %dma_start3A_66 : memref<1x250xi32, #tpu.memory_space<vmem>> -> memref<250xi32, #tpu.memory_space<vmem>>
      %dma_start3A_68 = arith.constant 0 : i32
      %dma_start3A_69 = arith.constant 0 : i32
      %dma_start3A_70 = tpu.memref_slice %arg3[%dma_start3A_68, %dma_start3A_69] : memref<10000x64xf32, #tpu.memory_space<hbm>> -> memref<10000x64xf32, #tpu.memory_space<hbm>>
      tpu.enqueue_indirect_dma source(%dma_start3A_70 : memref<10000x64xf32, #tpu.memory_space<hbm>>) target(%arg21 : memref<250x64xf32, #tpu.memory_space<vmem>>) offsets(%dma_start3A_67 : memref<250xi32, #tpu.memory_space<vmem>>) semaphore(%arg26 : memref<!tpu.dma_semaphore, #tpu.memory_space<semaphore_mem>>)
      %scan3A_71 = arith.constant 0 : i32
      %scan3A_72 = arith.constant 0 : i32
      %scan3A_73 = arith.constant 20 : i32
      %scan3A_74 = arith.addi %scan3A_72, %scan3A_73 : i32
      %scan3A_75 = arith.constant 1 : i32
      scf.for %scan3A_77 = %scan3A_72 to %scan3A_74 step %scan3A_75  : i32 {
        %mul3A_78 = arith.constant 2 : i32
        %mul3A_79 = arith.muli %mul3A_78, %scan3A_77 : i32
        %add3A = arith.constant 0 : i32
        %add3A_80 = arith.addi %mul3A_79, %add3A : i32
        %dma_wait3A = arith.constant 0 : i32
        %dma_wait3A_81 = tpu.memref_slice %arg17[%add3A_80, %dma_wait3A] : memref<40x250xi32, #tpu.memory_space<vmem>> -> memref<1x250xi32, #tpu.memory_space<vmem>>
        %dma_wait3A_82 = tpu.memref_squeeze %dma_wait3A_81 : memref<1x250xi32, #tpu.memory_space<vmem>> -> memref<250xi32, #tpu.memory_space<vmem>>
        %dma_wait3A_83 = arith.constant 0 : i32
        %dma_wait3A_84 = arith.constant 0 : i32
        %dma_wait3A_85 = tpu.memref_slice %arg3[%dma_wait3A_83, %dma_wait3A_84] : memref<10000x64xf32, #tpu.memory_space<hbm>> -> memref<10000x64xf32, #tpu.memory_space<hbm>>
        tpu.wait_indirect_dma semaphore(%arg25 : memref<!tpu.dma_semaphore, #tpu.memory_space<semaphore_mem>>) src(%dma_wait3A_85 : memref<10000x64xf32, #tpu.memory_space<hbm>>) dst(%arg20 : memref<250x64xf32, #tpu.memory_space<vmem>>)
        "tpu.region"() ({
          %run_scoped3A = tpu.sem_alloc : memref<!tpu.dma_semaphore, #tpu.memory_space<semaphore_mem>>
          %dma_start3A_117 = arith.constant 0 : i32
          %dma_start3A_118 = tpu.memref_slice %arg16[%add3A_80, %dma_start3A_117] : memref<40x250xi32, #tpu.memory_space<vmem>> -> memref<1x250xi32, #tpu.memory_space<vmem>>
          %dma_start3A_119 = tpu.memref_squeeze %dma_start3A_118 : memref<1x250xi32, #tpu.memory_space<vmem>> -> memref<250xi32, #tpu.memory_space<vmem>>
          %dma_start3A_120 = arith.constant 0 : i32
          %dma_start3A_121 = arith.constant 0 : i32
          %dma_start3A_122 = tpu.memref_slice %arg23[%dma_start3A_120, %dma_start3A_121] : memref<10240x64xf32, #tpu.memory_space<vmem_shared>> -> memref<10240x64xf32, #tpu.memory_space<vmem_shared>>
          tpu.enqueue_indirect_dma source(%arg20 : memref<250x64xf32, #tpu.memory_space<vmem>>) target(%dma_start3A_122 : memref<10240x64xf32, #tpu.memory_space<vmem_shared>>) offsets(%dma_start3A_119 : memref<250xi32, #tpu.memory_space<vmem>>) semaphore(%run_scoped3A : memref<!tpu.dma_semaphore, #tpu.memory_space<semaphore_mem>>) {add = true}
          %dma_wait3A_123 = arith.constant 0 : i32
          %dma_wait3A_124 = tpu.memref_slice %arg16[%add3A_80, %dma_wait3A_123] : memref<40x250xi32, #tpu.memory_space<vmem>> -> memref<1x250xi32, #tpu.memory_space<vmem>>
          %dma_wait3A_125 = tpu.memref_squeeze %dma_wait3A_124 : memref<1x250xi32, #tpu.memory_space<vmem>> -> memref<250xi32, #tpu.memory_space<vmem>>
          %dma_wait3A_126 = arith.constant 0 : i32
          %dma_wait3A_127 = arith.constant 0 : i32
          %dma_wait3A_128 = tpu.memref_slice %arg23[%dma_wait3A_126, %dma_wait3A_127] : memref<10240x64xf32, #tpu.memory_space<vmem_shared>> -> memref<10240x64xf32, #tpu.memory_space<vmem_shared>>
          tpu.wait_indirect_dma semaphore(%run_scoped3A : memref<!tpu.dma_semaphore, #tpu.memory_space<semaphore_mem>>) src(%arg20 : memref<250x64xf32, #tpu.memory_space<vmem>>) dst(%dma_wait3A_128 : memref<10240x64xf32, #tpu.memory_space<vmem_shared>>)
          tpu.yield
        }) : () -> ()
        %add3A_86 = arith.constant 1 : i32
        %add3A_87 = arith.addi %scan3A_77, %add3A_86 : i32
        %lt3A = arith.constant 20 : i32
        %lt3A_88 = arith.cmpi slt, %add3A_87, %lt3A : i32
        %convert_element_type3A_89 = arith.extui %lt3A_88 : i1 to i32
        %cond3A_90 = arith.constant 0 : i32
        %cond3A_91 = arith.cmpi ne, %convert_element_type3A_89, %cond3A_90 : i32
        scf.if %cond3A_91 {
          %add3A_117 = arith.constant 2 : i32
          %add3A_118 = arith.addi %add3A_80, %add3A_117 : i32
          %dma_start3A_119 = arith.constant 0 : i32
          %dma_start3A_120 = tpu.memref_slice %arg17[%add3A_118, %dma_start3A_119] : memref<40x250xi32, #tpu.memory_space<vmem>> -> memref<1x250xi32, #tpu.memory_space<vmem>>
          %dma_start3A_121 = tpu.memref_squeeze %dma_start3A_120 : memref<1x250xi32, #tpu.memory_space<vmem>> -> memref<250xi32, #tpu.memory_space<vmem>>
          %dma_start3A_122 = arith.constant 0 : i32
          %dma_start3A_123 = arith.constant 0 : i32
          %dma_start3A_124 = tpu.memref_slice %arg3[%dma_start3A_122, %dma_start3A_123] : memref<10000x64xf32, #tpu.memory_space<hbm>> -> memref<10000x64xf32, #tpu.memory_space<hbm>>
          tpu.enqueue_indirect_dma source(%dma_start3A_124 : memref<10000x64xf32, #tpu.memory_space<hbm>>) target(%arg20 : memref<250x64xf32, #tpu.memory_space<vmem>>) offsets(%dma_start3A_121 : memref<250xi32, #tpu.memory_space<vmem>>) semaphore(%arg25 : memref<!tpu.dma_semaphore, #tpu.memory_space<semaphore_mem>>)
        } else {
        }
        %eq3A_92 = arith.constant 0 : i32
        %eq3A_93 = arith.cmpi eq, %arg0, %eq3A_92 : i32
        %convert_element_type3A_94 = arith.extui %eq3A_93 : i1 to i32
        %cond3A_95 = arith.constant 0 : i32
        %cond3A_96 = arith.cmpi ne, %convert_element_type3A_94, %cond3A_95 : i32
        scf.if %cond3A_96 {
          "tpu.region"() ({
            %run_scoped3A = tpu.sem_alloc : memref<!tpu.dma_semaphore, #tpu.memory_space<semaphore_mem>>
            %dma_start3A_117 = arith.constant 0 : i32
            %dma_start3A_118 = tpu.memref_slice %arg16[%add3A_80, %dma_start3A_117] : memref<40x250xi32, #tpu.memory_space<vmem>> -> memref<1x250xi32, #tpu.memory_space<vmem>>
            %dma_start3A_119 = tpu.memref_squeeze %dma_start3A_118 : memref<1x250xi32, #tpu.memory_space<vmem>> -> memref<250xi32, #tpu.memory_space<vmem>>
            %dma_start3A_120 = arith.constant 0 : i32
            %dma_start3A_121 = arith.constant 0 : i32
            %dma_start3A_122 = tpu.memref_slice %arg24[%dma_start3A_120, %dma_start3A_121] : memref<10240x16xf32, #tpu.memory_space<vmem_shared>> -> memref<10240x16xf32, #tpu.memory_space<vmem_shared>>
            tpu.enqueue_indirect_dma source(%arg22 : memref<250x16xf32, #tpu.memory_space<vmem>>) target(%dma_start3A_122 : memref<10240x16xf32, #tpu.memory_space<vmem_shared>>) offsets(%dma_start3A_119 : memref<250xi32, #tpu.memory_space<vmem>>) semaphore(%run_scoped3A : memref<!tpu.dma_semaphore, #tpu.memory_space<semaphore_mem>>) {add = true}
            %dma_wait3A_123 = arith.constant 0 : i32
            %dma_wait3A_124 = tpu.memref_slice %arg16[%add3A_80, %dma_wait3A_123] : memref<40x250xi32, #tpu.memory_space<vmem>> -> memref<1x250xi32, #tpu.memory_space<vmem>>
            %dma_wait3A_125 = tpu.memref_squeeze %dma_wait3A_124 : memref<1x250xi32, #tpu.memory_space<vmem>> -> memref<250xi32, #tpu.memory_space<vmem>>
            %dma_wait3A_126 = arith.constant 0 : i32
            %dma_wait3A_127 = arith.constant 0 : i32
            %dma_wait3A_128 = tpu.memref_slice %arg24[%dma_wait3A_126, %dma_wait3A_127] : memref<10240x16xf32, #tpu.memory_space<vmem_shared>> -> memref<10240x16xf32, #tpu.memory_space<vmem_shared>>
            tpu.wait_indirect_dma semaphore(%run_scoped3A : memref<!tpu.dma_semaphore, #tpu.memory_space<semaphore_mem>>) src(%arg22 : memref<250x16xf32, #tpu.memory_space<vmem>>) dst(%dma_wait3A_128 : memref<10240x16xf32, #tpu.memory_space<vmem_shared>>)
            tpu.yield
          }) : () -> ()
        } else {
        }
        %add3A_97 = arith.constant 1 : i32
        %add3A_98 = arith.addi %mul3A_79, %add3A_97 : i32
        %dma_wait3A_99 = arith.constant 0 : i32
        %dma_wait3A_100 = tpu.memref_slice %arg17[%add3A_98, %dma_wait3A_99] : memref<40x250xi32, #tpu.memory_space<vmem>> -> memref<1x250xi32, #tpu.memory_space<vmem>>
        %dma_wait3A_101 = tpu.memref_squeeze %dma_wait3A_100 : memref<1x250xi32, #tpu.memory_space<vmem>> -> memref<250xi32, #tpu.memory_space<vmem>>
        %dma_wait3A_102 = arith.constant 0 : i32
        %dma_wait3A_103 = arith.constant 0 : i32
        %dma_wait3A_104 = tpu.memref_slice %arg3[%dma_wait3A_102, %dma_wait3A_103] : memref<10000x64xf32, #tpu.memory_space<hbm>> -> memref<10000x64xf32, #tpu.memory_space<hbm>>
        tpu.wait_indirect_dma semaphore(%arg26 : memref<!tpu.dma_semaphore, #tpu.memory_space<semaphore_mem>>) src(%dma_wait3A_104 : memref<10000x64xf32, #tpu.memory_space<hbm>>) dst(%arg21 : memref<250x64xf32, #tpu.memory_space<vmem>>)
        "tpu.region"() ({
          %run_scoped3A = tpu.sem_alloc : memref<!tpu.dma_semaphore, #tpu.memory_space<semaphore_mem>>
          %dma_start3A_117 = arith.constant 0 : i32
          %dma_start3A_118 = tpu.memref_slice %arg16[%add3A_98, %dma_start3A_117] : memref<40x250xi32, #tpu.memory_space<vmem>> -> memref<1x250xi32, #tpu.memory_space<vmem>>
          %dma_start3A_119 = tpu.memref_squeeze %dma_start3A_118 : memref<1x250xi32, #tpu.memory_space<vmem>> -> memref<250xi32, #tpu.memory_space<vmem>>
          %dma_start3A_120 = arith.constant 0 : i32
          %dma_start3A_121 = arith.constant 0 : i32
          %dma_start3A_122 = tpu.memref_slice %arg23[%dma_start3A_120, %dma_start3A_121] : memref<10240x64xf32, #tpu.memory_space<vmem_shared>> -> memref<10240x64xf32, #tpu.memory_space<vmem_shared>>
          tpu.enqueue_indirect_dma source(%arg21 : memref<250x64xf32, #tpu.memory_space<vmem>>) target(%dma_start3A_122 : memref<10240x64xf32, #tpu.memory_space<vmem_shared>>) offsets(%dma_start3A_119 : memref<250xi32, #tpu.memory_space<vmem>>) semaphore(%run_scoped3A : memref<!tpu.dma_semaphore, #tpu.memory_space<semaphore_mem>>) {add = true}
          %dma_wait3A_123 = arith.constant 0 : i32
          %dma_wait3A_124 = tpu.memref_slice %arg16[%add3A_98, %dma_wait3A_123] : memref<40x250xi32, #tpu.memory_space<vmem>> -> memref<1x250xi32, #tpu.memory_space<vmem>>
          %dma_wait3A_125 = tpu.memref_squeeze %dma_wait3A_124 : memref<1x250xi32, #tpu.memory_space<vmem>> -> memref<250xi32, #tpu.memory_space<vmem>>
          %dma_wait3A_126 = arith.constant 0 : i32
          %dma_wait3A_127 = arith.constant 0 : i32
          %dma_wait3A_128 = tpu.memref_slice %arg23[%dma_wait3A_126, %dma_wait3A_127] : memref<10240x64xf32, #tpu.memory_space<vmem_shared>> -> memref<10240x64xf32, #tpu.memory_space<vmem_shared>>
          tpu.wait_indirect_dma semaphore(%run_scoped3A : memref<!tpu.dma_semaphore, #tpu.memory_space<semaphore_mem>>) src(%arg21 : memref<250x64xf32, #tpu.memory_space<vmem>>) dst(%dma_wait3A_128 : memref<10240x64xf32, #tpu.memory_space<vmem_shared>>)
          tpu.yield
        }) : () -> ()
        %add3A_105 = arith.constant 1 : i32
        %add3A_106 = arith.addi %scan3A_77, %add3A_105 : i32
        %lt3A_107 = arith.constant 20 : i32
        %lt3A_108 = arith.cmpi slt, %add3A_106, %lt3A_107 : i32
        %convert_element_type3A_109 = arith.extui %lt3A_108 : i1 to i32
        %cond3A_110 = arith.constant 0 : i32
        %cond3A_111 = arith.cmpi ne, %convert_element_type3A_109, %cond3A_110 : i32
        scf.if %cond3A_111 {
          %add3A_117 = arith.constant 2 : i32
          %add3A_118 = arith.addi %add3A_98, %add3A_117 : i32
          %dma_start3A_119 = arith.constant 0 : i32
          %dma_start3A_120 = tpu.memref_slice %arg17[%add3A_118, %dma_start3A_119] : memref<40x250xi32, #tpu.memory_space<vmem>> -> memref<1x250xi32, #tpu.memory_space<vmem>>
          %dma_start3A_121 = tpu.memref_squeeze %dma_start3A_120 : memref<1x250xi32, #tpu.memory_space<vmem>> -> memref<250xi32, #tpu.memory_space<vmem>>
          %dma_start3A_122 = arith.constant 0 : i32
          %dma_start3A_123 = arith.constant 0 : i32
          %dma_start3A_124 = tpu.memref_slice %arg3[%dma_start3A_122, %dma_start3A_123] : memref<10000x64xf32, #tpu.memory_space<hbm>> -> memref<10000x64xf32, #tpu.memory_space<hbm>>
          tpu.enqueue_indirect_dma source(%dma_start3A_124 : memref<10000x64xf32, #tpu.memory_space<hbm>>) target(%arg21 : memref<250x64xf32, #tpu.memory_space<vmem>>) offsets(%dma_start3A_121 : memref<250xi32, #tpu.memory_space<vmem>>) semaphore(%arg26 : memref<!tpu.dma_semaphore, #tpu.memory_space<semaphore_mem>>)
        } else {
        }
        %eq3A_112 = arith.constant 0 : i32
        %eq3A_113 = arith.cmpi eq, %arg0, %eq3A_112 : i32
        %convert_element_type3A_114 = arith.extui %eq3A_113 : i1 to i32
        %cond3A_115 = arith.constant 0 : i32
        %cond3A_116 = arith.cmpi ne, %convert_element_type3A_114, %cond3A_115 : i32
        scf.if %cond3A_116 {
          "tpu.region"() ({
            %run_scoped3A = tpu.sem_alloc : memref<!tpu.dma_semaphore, #tpu.memory_space<semaphore_mem>>
            %dma_start3A_117 = arith.constant 0 : i32
            %dma_start3A_118 = tpu.memref_slice %arg16[%add3A_98, %dma_start3A_117] : memref<40x250xi32, #tpu.memory_space<vmem>> -> memref<1x250xi32, #tpu.memory_space<vmem>>
            %dma_start3A_119 = tpu.memref_squeeze %dma_start3A_118 : memref<1x250xi32, #tpu.memory_space<vmem>> -> memref<250xi32, #tpu.memory_space<vmem>>
            %dma_start3A_120 = arith.constant 0 : i32
            %dma_start3A_121 = arith.constant 0 : i32
            %dma_start3A_122 = tpu.memref_slice %arg24[%dma_start3A_120, %dma_start3A_121] : memref<10240x16xf32, #tpu.memory_space<vmem_shared>> -> memref<10240x16xf32, #tpu.memory_space<vmem_shared>>
            tpu.enqueue_indirect_dma source(%arg22 : memref<250x16xf32, #tpu.memory_space<vmem>>) target(%dma_start3A_122 : memref<10240x16xf32, #tpu.memory_space<vmem_shared>>) offsets(%dma_start3A_119 : memref<250xi32, #tpu.memory_space<vmem>>) semaphore(%run_scoped3A : memref<!tpu.dma_semaphore, #tpu.memory_space<semaphore_mem>>) {add = true}
            %dma_wait3A_123 = arith.constant 0 : i32
            %dma_wait3A_124 = tpu.memref_slice %arg16[%add3A_98, %dma_wait3A_123] : memref<40x250xi32, #tpu.memory_space<vmem>> -> memref<1x250xi32, #tpu.memory_space<vmem>>
            %dma_wait3A_125 = tpu.memref_squeeze %dma_wait3A_124 : memref<1x250xi32, #tpu.memory_space<vmem>> -> memref<250xi32, #tpu.memory_space<vmem>>
            %dma_wait3A_126 = arith.constant 0 : i32
            %dma_wait3A_127 = arith.constant 0 : i32
            %dma_wait3A_128 = tpu.memref_slice %arg24[%dma_wait3A_126, %dma_wait3A_127] : memref<10240x16xf32, #tpu.memory_space<vmem_shared>> -> memref<10240x16xf32, #tpu.memory_space<vmem_shared>>
            tpu.wait_indirect_dma semaphore(%run_scoped3A : memref<!tpu.dma_semaphore, #tpu.memory_space<semaphore_mem>>) src(%arg22 : memref<250x16xf32, #tpu.memory_space<vmem>>) dst(%dma_wait3A_128 : memref<10240x16xf32, #tpu.memory_space<vmem_shared>>)
            tpu.yield
          }) : () -> ()
        } else {
        }
      }
      %scan3A_76 = arith.constant 20 : i32
    } else {
    }
    %barrier3A_15 = arith.constant 0 : index
    tpu.barrier barrier_id(%barrier3A_15)
    %eq3A_16 = arith.constant 0 : i32
    %eq3A_17 = arith.cmpi eq, %arg0, %eq3A_16 : i32
    %convert_element_type3A_18 = arith.extui %eq3A_17 : i1 to i32
    %cond3A_19 = arith.constant 0 : i32
    %cond3A_20 = arith.cmpi ne, %convert_element_type3A_18, %cond3A_19 : i32
    scf.if %cond3A_20 {
      "tpu.region"() ({
        %run_scoped3A = tpu.sem_alloc : memref<!tpu.dma_semaphore, #tpu.memory_space<semaphore_mem>>
        %dma_start3A = arith.constant 0 : i32
        %dma_start3A_58 = tpu.memref_slice %arg10[%mul3A_0, %dma_start3A] : memref<10240x64xf32, #tpu.memory_space<hbm>> -> memref<640x64xf32, #tpu.memory_space<hbm>>
        %dma_start3A_59 = arith.constant 0 : i32
        %dma_start3A_60 = tpu.memref_slice %arg23[%mul3A_0, %dma_start3A_59] : memref<10240x64xf32, #tpu.memory_space<vmem_shared>> -> memref<640x64xf32, #tpu.memory_space<vmem_shared>>
        tpu.enqueue_dma source(%dma_start3A_60 : memref<640x64xf32, #tpu.memory_space<vmem_shared>>) target(%dma_start3A_58 : memref<640x64xf32, #tpu.memory_space<hbm>>) target_semaphore(%run_scoped3A : memref<!tpu.dma_semaphore, #tpu.memory_space<semaphore_mem>>)
        %dma_wait3A = arith.constant 0 : i32
        %dma_wait3A_61 = tpu.memref_slice %arg10[%mul3A_0, %dma_wait3A] : memref<10240x64xf32, #tpu.memory_space<hbm>> -> memref<640x64xf32, #tpu.memory_space<hbm>>
        %dma_wait3A_62 = arith.constant 0 : i32
        %dma_wait3A_63 = tpu.memref_slice %arg23[%mul3A_0, %dma_wait3A_62] : memref<10240x64xf32, #tpu.memory_space<vmem_shared>> -> memref<640x64xf32, #tpu.memory_space<vmem_shared>>
        tpu.wait_dma2 semaphore(%run_scoped3A : memref<!tpu.dma_semaphore, #tpu.memory_space<semaphore_mem>>) src(%dma_wait3A_63 : memref<640x64xf32, #tpu.memory_space<vmem_shared>>) dst(%dma_wait3A_61 : memref<640x64xf32, #tpu.memory_space<hbm>>)
        tpu.yield
      }) : () -> ()
    } else {
    }
    %eq3A_21 = arith.constant 1 : i32
    %eq3A_22 = arith.cmpi eq, %arg0, %eq3A_21 : i32
    %convert_element_type3A_23 = arith.extui %eq3A_22 : i1 to i32
    %cond3A_24 = arith.constant 0 : i32
    %cond3A_25 = arith.cmpi ne, %convert_element_type3A_23, %cond3A_24 : i32
    scf.if %cond3A_25 {
      "tpu.region"() ({
        %run_scoped3A = tpu.sem_alloc : memref<!tpu.dma_semaphore, #tpu.memory_space<semaphore_mem>>
        %dma_start3A = arith.constant 0 : i32
        %dma_start3A_58 = tpu.memref_slice %arg11[%mul3A_0, %dma_start3A] : memref<10240x64xf32, #tpu.memory_space<hbm>> -> memref<640x64xf32, #tpu.memory_space<hbm>>
        %dma_start3A_59 = arith.constant 0 : i32
        %dma_start3A_60 = tpu.memref_slice %arg23[%mul3A_0, %dma_start3A_59] : memref<10240x64xf32, #tpu.memory_space<vmem_shared>> -> memref<640x64xf32, #tpu.memory_space<vmem_shared>>
        tpu.enqueue_dma source(%dma_start3A_60 : memref<640x64xf32, #tpu.memory_space<vmem_shared>>) target(%dma_start3A_58 : memref<640x64xf32, #tpu.memory_space<hbm>>) target_semaphore(%run_scoped3A : memref<!tpu.dma_semaphore, #tpu.memory_space<semaphore_mem>>)
        %dma_wait3A = arith.constant 0 : i32
        %dma_wait3A_61 = tpu.memref_slice %arg11[%mul3A_0, %dma_wait3A] : memref<10240x64xf32, #tpu.memory_space<hbm>> -> memref<640x64xf32, #tpu.memory_space<hbm>>
        %dma_wait3A_62 = arith.constant 0 : i32
        %dma_wait3A_63 = tpu.memref_slice %arg23[%mul3A_0, %dma_wait3A_62] : memref<10240x64xf32, #tpu.memory_space<vmem_shared>> -> memref<640x64xf32, #tpu.memory_space<vmem_shared>>
        tpu.wait_dma2 semaphore(%run_scoped3A : memref<!tpu.dma_semaphore, #tpu.memory_space<semaphore_mem>>) src(%dma_wait3A_63 : memref<640x64xf32, #tpu.memory_space<vmem_shared>>) dst(%dma_wait3A_61 : memref<640x64xf32, #tpu.memory_space<hbm>>)
        tpu.yield
      }) : () -> ()
    } else {
    }
    "tpu.region"() ({
      %run_scoped3A = tpu.sem_alloc : memref<!tpu.dma_semaphore, #tpu.memory_space<semaphore_mem>>
      %dma_start3A = arith.constant 0 : i32
      %dma_start3A_58 = tpu.memref_slice %arg23[%mul3A_0, %dma_start3A] : memref<10240x64xf32, #tpu.memory_space<vmem_shared>> -> memref<640x64xf32, #tpu.memory_space<vmem_shared>>
      %dma_start3A_59 = arith.constant 0 : i32
      %dma_start3A_60 = tpu.memref_slice %arg8[%mul3A_0, %dma_start3A_59] : memref<10240x64xf32, #tpu.memory_space<hbm>> -> memref<640x64xf32, #tpu.memory_space<hbm>>
      tpu.enqueue_dma source(%dma_start3A_60 : memref<640x64xf32, #tpu.memory_space<hbm>>) target(%dma_start3A_58 : memref<640x64xf32, #tpu.memory_space<vmem_shared>>) target_semaphore(%run_scoped3A : memref<!tpu.dma_semaphore, #tpu.memory_space<semaphore_mem>>)
      %dma_wait3A = arith.constant 0 : i32
      %dma_wait3A_61 = tpu.memref_slice %arg23[%mul3A_0, %dma_wait3A] : memref<10240x64xf32, #tpu.memory_space<vmem_shared>> -> memref<640x64xf32, #tpu.memory_space<vmem_shared>>
      %dma_wait3A_62 = arith.constant 0 : i32
      %dma_wait3A_63 = tpu.memref_slice %arg8[%mul3A_0, %dma_wait3A_62] : memref<10240x64xf32, #tpu.memory_space<hbm>> -> memref<640x64xf32, #tpu.memory_space<hbm>>
      tpu.wait_dma2 semaphore(%run_scoped3A : memref<!tpu.dma_semaphore, #tpu.memory_space<semaphore_mem>>) src(%dma_wait3A_63 : memref<640x64xf32, #tpu.memory_space<hbm>>) dst(%dma_wait3A_61 : memref<640x64xf32, #tpu.memory_space<vmem_shared>>)
      tpu.yield
    }) : () -> ()
    %barrier3A_26 = arith.constant 0 : index
    tpu.barrier barrier_id(%barrier3A_26)
    %eq3A_27 = arith.constant 0 : i32
    %eq3A_28 = arith.cmpi eq, %arg0, %eq3A_27 : i32
    %convert_element_type3A_29 = arith.extui %eq3A_28 : i1 to i32
    %cond3A_30 = arith.constant 0 : i32
    %cond3A_31 = arith.cmpi ne, %convert_element_type3A_29, %cond3A_30 : i32
    scf.if %cond3A_31 {
      %dma_start3A = arith.constant 0 : i32
      %dma_start3A_58 = arith.constant 0 : i32
      %dma_start3A_59 = tpu.memref_slice %arg19[%dma_start3A, %dma_start3A_58] : memref<40x250xi32, #tpu.memory_space<vmem>> -> memref<1x250xi32, #tpu.memory_space<vmem>>
      %dma_start3A_60 = tpu.memref_squeeze %dma_start3A_59 : memref<1x250xi32, #tpu.memory_space<vmem>> -> memref<250xi32, #tpu.memory_space<vmem>>
      %dma_start3A_61 = arith.constant 0 : i32
      %dma_start3A_62 = arith.constant 0 : i32
      %dma_start3A_63 = tpu.memref_slice %arg2[%dma_start3A_61, %dma_start3A_62] : memref<10000x64xf32, #tpu.memory_space<hbm>> -> memref<10000x64xf32, #tpu.memory_space<hbm>>
      tpu.enqueue_indirect_dma source(%dma_start3A_63 : memref<10000x64xf32, #tpu.memory_space<hbm>>) target(%arg20 : memref<250x64xf32, #tpu.memory_space<vmem>>) offsets(%dma_start3A_60 : memref<250xi32, #tpu.memory_space<vmem>>) semaphore(%arg25 : memref<!tpu.dma_semaphore, #tpu.memory_space<semaphore_mem>>)
      %dma_start3A_64 = arith.constant 1 : i32
      %dma_start3A_65 = arith.constant 0 : i32
      %dma_start3A_66 = tpu.memref_slice %arg19[%dma_start3A_64, %dma_start3A_65] : memref<40x250xi32, #tpu.memory_space<vmem>> -> memref<1x250xi32, #tpu.memory_space<vmem>>
      %dma_start3A_67 = tpu.memref_squeeze %dma_start3A_66 : memref<1x250xi32, #tpu.memory_space<vmem>> -> memref<250xi32, #tpu.memory_space<vmem>>
      %dma_start3A_68 = arith.constant 0 : i32
      %dma_start3A_69 = arith.constant 0 : i32
      %dma_start3A_70 = tpu.memref_slice %arg2[%dma_start3A_68, %dma_start3A_69] : memref<10000x64xf32, #tpu.memory_space<hbm>> -> memref<10000x64xf32, #tpu.memory_space<hbm>>
      tpu.enqueue_indirect_dma source(%dma_start3A_70 : memref<10000x64xf32, #tpu.memory_space<hbm>>) target(%arg21 : memref<250x64xf32, #tpu.memory_space<vmem>>) offsets(%dma_start3A_67 : memref<250xi32, #tpu.memory_space<vmem>>) semaphore(%arg26 : memref<!tpu.dma_semaphore, #tpu.memory_space<semaphore_mem>>)
      %scan3A_71 = arith.constant 0 : i32
      %scan3A_72 = arith.constant 0 : i32
      %scan3A_73 = arith.constant 20 : i32
      %scan3A_74 = arith.addi %scan3A_72, %scan3A_73 : i32
      %scan3A_75 = arith.constant 1 : i32
      scf.for %scan3A_77 = %scan3A_72 to %scan3A_74 step %scan3A_75  : i32 {
        %mul3A_78 = arith.constant 2 : i32
        %mul3A_79 = arith.muli %mul3A_78, %scan3A_77 : i32
        %add3A = arith.constant 0 : i32
        %add3A_80 = arith.addi %mul3A_79, %add3A : i32
        %dma_wait3A = arith.constant 0 : i32
        %dma_wait3A_81 = tpu.memref_slice %arg19[%add3A_80, %dma_wait3A] : memref<40x250xi32, #tpu.memory_space<vmem>> -> memref<1x250xi32, #tpu.memory_space<vmem>>
        %dma_wait3A_82 = tpu.memref_squeeze %dma_wait3A_81 : memref<1x250xi32, #tpu.memory_space<vmem>> -> memref<250xi32, #tpu.memory_space<vmem>>
        %dma_wait3A_83 = arith.constant 0 : i32
        %dma_wait3A_84 = arith.constant 0 : i32
        %dma_wait3A_85 = tpu.memref_slice %arg2[%dma_wait3A_83, %dma_wait3A_84] : memref<10000x64xf32, #tpu.memory_space<hbm>> -> memref<10000x64xf32, #tpu.memory_space<hbm>>
        tpu.wait_indirect_dma semaphore(%arg25 : memref<!tpu.dma_semaphore, #tpu.memory_space<semaphore_mem>>) src(%dma_wait3A_85 : memref<10000x64xf32, #tpu.memory_space<hbm>>) dst(%arg20 : memref<250x64xf32, #tpu.memory_space<vmem>>)
        "tpu.region"() ({
          %run_scoped3A = tpu.sem_alloc : memref<!tpu.dma_semaphore, #tpu.memory_space<semaphore_mem>>
          %dma_start3A_117 = arith.constant 0 : i32
          %dma_start3A_118 = tpu.memref_slice %arg18[%add3A_80, %dma_start3A_117] : memref<40x250xi32, #tpu.memory_space<vmem>> -> memref<1x250xi32, #tpu.memory_space<vmem>>
          %dma_start3A_119 = tpu.memref_squeeze %dma_start3A_118 : memref<1x250xi32, #tpu.memory_space<vmem>> -> memref<250xi32, #tpu.memory_space<vmem>>
          %dma_start3A_120 = arith.constant 0 : i32
          %dma_start3A_121 = arith.constant 0 : i32
          %dma_start3A_122 = tpu.memref_slice %arg23[%dma_start3A_120, %dma_start3A_121] : memref<10240x64xf32, #tpu.memory_space<vmem_shared>> -> memref<10240x64xf32, #tpu.memory_space<vmem_shared>>
          tpu.enqueue_indirect_dma source(%arg20 : memref<250x64xf32, #tpu.memory_space<vmem>>) target(%dma_start3A_122 : memref<10240x64xf32, #tpu.memory_space<vmem_shared>>) offsets(%dma_start3A_119 : memref<250xi32, #tpu.memory_space<vmem>>) semaphore(%run_scoped3A : memref<!tpu.dma_semaphore, #tpu.memory_space<semaphore_mem>>) {add = true}
          %dma_wait3A_123 = arith.constant 0 : i32
          %dma_wait3A_124 = tpu.memref_slice %arg18[%add3A_80, %dma_wait3A_123] : memref<40x250xi32, #tpu.memory_space<vmem>> -> memref<1x250xi32, #tpu.memory_space<vmem>>
          %dma_wait3A_125 = tpu.memref_squeeze %dma_wait3A_124 : memref<1x250xi32, #tpu.memory_space<vmem>> -> memref<250xi32, #tpu.memory_space<vmem>>
          %dma_wait3A_126 = arith.constant 0 : i32
          %dma_wait3A_127 = arith.constant 0 : i32
          %dma_wait3A_128 = tpu.memref_slice %arg23[%dma_wait3A_126, %dma_wait3A_127] : memref<10240x64xf32, #tpu.memory_space<vmem_shared>> -> memref<10240x64xf32, #tpu.memory_space<vmem_shared>>
          tpu.wait_indirect_dma semaphore(%run_scoped3A : memref<!tpu.dma_semaphore, #tpu.memory_space<semaphore_mem>>) src(%arg20 : memref<250x64xf32, #tpu.memory_space<vmem>>) dst(%dma_wait3A_128 : memref<10240x64xf32, #tpu.memory_space<vmem_shared>>)
          tpu.yield
        }) : () -> ()
        %add3A_86 = arith.constant 1 : i32
        %add3A_87 = arith.addi %scan3A_77, %add3A_86 : i32
        %lt3A = arith.constant 20 : i32
        %lt3A_88 = arith.cmpi slt, %add3A_87, %lt3A : i32
        %convert_element_type3A_89 = arith.extui %lt3A_88 : i1 to i32
        %cond3A_90 = arith.constant 0 : i32
        %cond3A_91 = arith.cmpi ne, %convert_element_type3A_89, %cond3A_90 : i32
        scf.if %cond3A_91 {
          %add3A_117 = arith.constant 2 : i32
          %add3A_118 = arith.addi %add3A_80, %add3A_117 : i32
          %dma_start3A_119 = arith.constant 0 : i32
          %dma_start3A_120 = tpu.memref_slice %arg19[%add3A_118, %dma_start3A_119] : memref<40x250xi32, #tpu.memory_space<vmem>> -> memref<1x250xi32, #tpu.memory_space<vmem>>
          %dma_start3A_121 = tpu.memref_squeeze %dma_start3A_120 : memref<1x250xi32, #tpu.memory_space<vmem>> -> memref<250xi32, #tpu.memory_space<vmem>>
          %dma_start3A_122 = arith.constant 0 : i32
          %dma_start3A_123 = arith.constant 0 : i32
          %dma_start3A_124 = tpu.memref_slice %arg2[%dma_start3A_122, %dma_start3A_123] : memref<10000x64xf32, #tpu.memory_space<hbm>> -> memref<10000x64xf32, #tpu.memory_space<hbm>>
          tpu.enqueue_indirect_dma source(%dma_start3A_124 : memref<10000x64xf32, #tpu.memory_space<hbm>>) target(%arg20 : memref<250x64xf32, #tpu.memory_space<vmem>>) offsets(%dma_start3A_121 : memref<250xi32, #tpu.memory_space<vmem>>) semaphore(%arg25 : memref<!tpu.dma_semaphore, #tpu.memory_space<semaphore_mem>>)
        } else {
        }
        %eq3A_92 = arith.constant 1 : i32
        %eq3A_93 = arith.cmpi eq, %arg0, %eq3A_92 : i32
        %convert_element_type3A_94 = arith.extui %eq3A_93 : i1 to i32
        %cond3A_95 = arith.constant 0 : i32
        %cond3A_96 = arith.cmpi ne, %convert_element_type3A_94, %cond3A_95 : i32
        scf.if %cond3A_96 {
          "tpu.region"() ({
            %run_scoped3A = tpu.sem_alloc : memref<!tpu.dma_semaphore, #tpu.memory_space<semaphore_mem>>
            %dma_start3A_117 = arith.constant 0 : i32
            %dma_start3A_118 = tpu.memref_slice %arg18[%add3A_80, %dma_start3A_117] : memref<40x250xi32, #tpu.memory_space<vmem>> -> memref<1x250xi32, #tpu.memory_space<vmem>>
            %dma_start3A_119 = tpu.memref_squeeze %dma_start3A_118 : memref<1x250xi32, #tpu.memory_space<vmem>> -> memref<250xi32, #tpu.memory_space<vmem>>
            %dma_start3A_120 = arith.constant 0 : i32
            %dma_start3A_121 = arith.constant 0 : i32
            %dma_start3A_122 = tpu.memref_slice %arg24[%dma_start3A_120, %dma_start3A_121] : memref<10240x16xf32, #tpu.memory_space<vmem_shared>> -> memref<10240x16xf32, #tpu.memory_space<vmem_shared>>
            tpu.enqueue_indirect_dma source(%arg22 : memref<250x16xf32, #tpu.memory_space<vmem>>) target(%dma_start3A_122 : memref<10240x16xf32, #tpu.memory_space<vmem_shared>>) offsets(%dma_start3A_119 : memref<250xi32, #tpu.memory_space<vmem>>) semaphore(%run_scoped3A : memref<!tpu.dma_semaphore, #tpu.memory_space<semaphore_mem>>) {add = true}
            %dma_wait3A_123 = arith.constant 0 : i32
            %dma_wait3A_124 = tpu.memref_slice %arg18[%add3A_80, %dma_wait3A_123] : memref<40x250xi32, #tpu.memory_space<vmem>> -> memref<1x250xi32, #tpu.memory_space<vmem>>
            %dma_wait3A_125 = tpu.memref_squeeze %dma_wait3A_124 : memref<1x250xi32, #tpu.memory_space<vmem>> -> memref<250xi32, #tpu.memory_space<vmem>>
            %dma_wait3A_126 = arith.constant 0 : i32
            %dma_wait3A_127 = arith.constant 0 : i32
            %dma_wait3A_128 = tpu.memref_slice %arg24[%dma_wait3A_126, %dma_wait3A_127] : memref<10240x16xf32, #tpu.memory_space<vmem_shared>> -> memref<10240x16xf32, #tpu.memory_space<vmem_shared>>
            tpu.wait_indirect_dma semaphore(%run_scoped3A : memref<!tpu.dma_semaphore, #tpu.memory_space<semaphore_mem>>) src(%arg22 : memref<250x16xf32, #tpu.memory_space<vmem>>) dst(%dma_wait3A_128 : memref<10240x16xf32, #tpu.memory_space<vmem_shared>>)
            tpu.yield
          }) : () -> ()
        } else {
        }
        %add3A_97 = arith.constant 1 : i32
        %add3A_98 = arith.addi %mul3A_79, %add3A_97 : i32
        %dma_wait3A_99 = arith.constant 0 : i32
        %dma_wait3A_100 = tpu.memref_slice %arg19[%add3A_98, %dma_wait3A_99] : memref<40x250xi32, #tpu.memory_space<vmem>> -> memref<1x250xi32, #tpu.memory_space<vmem>>
        %dma_wait3A_101 = tpu.memref_squeeze %dma_wait3A_100 : memref<1x250xi32, #tpu.memory_space<vmem>> -> memref<250xi32, #tpu.memory_space<vmem>>
        %dma_wait3A_102 = arith.constant 0 : i32
        %dma_wait3A_103 = arith.constant 0 : i32
        %dma_wait3A_104 = tpu.memref_slice %arg2[%dma_wait3A_102, %dma_wait3A_103] : memref<10000x64xf32, #tpu.memory_space<hbm>> -> memref<10000x64xf32, #tpu.memory_space<hbm>>
        tpu.wait_indirect_dma semaphore(%arg26 : memref<!tpu.dma_semaphore, #tpu.memory_space<semaphore_mem>>) src(%dma_wait3A_104 : memref<10000x64xf32, #tpu.memory_space<hbm>>) dst(%arg21 : memref<250x64xf32, #tpu.memory_space<vmem>>)
        "tpu.region"() ({
          %run_scoped3A = tpu.sem_alloc : memref<!tpu.dma_semaphore, #tpu.memory_space<semaphore_mem>>
          %dma_start3A_117 = arith.constant 0 : i32
          %dma_start3A_118 = tpu.memref_slice %arg18[%add3A_98, %dma_start3A_117] : memref<40x250xi32, #tpu.memory_space<vmem>> -> memref<1x250xi32, #tpu.memory_space<vmem>>
          %dma_start3A_119 = tpu.memref_squeeze %dma_start3A_118 : memref<1x250xi32, #tpu.memory_space<vmem>> -> memref<250xi32, #tpu.memory_space<vmem>>
          %dma_start3A_120 = arith.constant 0 : i32
          %dma_start3A_121 = arith.constant 0 : i32
          %dma_start3A_122 = tpu.memref_slice %arg23[%dma_start3A_120, %dma_start3A_121] : memref<10240x64xf32, #tpu.memory_space<vmem_shared>> -> memref<10240x64xf32, #tpu.memory_space<vmem_shared>>
          tpu.enqueue_indirect_dma source(%arg21 : memref<250x64xf32, #tpu.memory_space<vmem>>) target(%dma_start3A_122 : memref<10240x64xf32, #tpu.memory_space<vmem_shared>>) offsets(%dma_start3A_119 : memref<250xi32, #tpu.memory_space<vmem>>) semaphore(%run_scoped3A : memref<!tpu.dma_semaphore, #tpu.memory_space<semaphore_mem>>) {add = true}
          %dma_wait3A_123 = arith.constant 0 : i32
          %dma_wait3A_124 = tpu.memref_slice %arg18[%add3A_98, %dma_wait3A_123] : memref<40x250xi32, #tpu.memory_space<vmem>> -> memref<1x250xi32, #tpu.memory_space<vmem>>
          %dma_wait3A_125 = tpu.memref_squeeze %dma_wait3A_124 : memref<1x250xi32, #tpu.memory_space<vmem>> -> memref<250xi32, #tpu.memory_space<vmem>>
          %dma_wait3A_126 = arith.constant 0 : i32
          %dma_wait3A_127 = arith.constant 0 : i32
          %dma_wait3A_128 = tpu.memref_slice %arg23[%dma_wait3A_126, %dma_wait3A_127] : memref<10240x64xf32, #tpu.memory_space<vmem_shared>> -> memref<10240x64xf32, #tpu.memory_space<vmem_shared>>
          tpu.wait_indirect_dma semaphore(%run_scoped3A : memref<!tpu.dma_semaphore, #tpu.memory_space<semaphore_mem>>) src(%arg21 : memref<250x64xf32, #tpu.memory_space<vmem>>) dst(%dma_wait3A_128 : memref<10240x64xf32, #tpu.memory_space<vmem_shared>>)
          tpu.yield
        }) : () -> ()
        %add3A_105 = arith.constant 1 : i32
        %add3A_106 = arith.addi %scan3A_77, %add3A_105 : i32
        %lt3A_107 = arith.constant 20 : i32
        %lt3A_108 = arith.cmpi slt, %add3A_106, %lt3A_107 : i32
        %convert_element_type3A_109 = arith.extui %lt3A_108 : i1 to i32
        %cond3A_110 = arith.constant 0 : i32
        %cond3A_111 = arith.cmpi ne, %convert_element_type3A_109, %cond3A_110 : i32
        scf.if %cond3A_111 {
          %add3A_117 = arith.constant 2 : i32
          %add3A_118 = arith.addi %add3A_98, %add3A_117 : i32
          %dma_start3A_119 = arith.constant 0 : i32
          %dma_start3A_120 = tpu.memref_slice %arg19[%add3A_118, %dma_start3A_119] : memref<40x250xi32, #tpu.memory_space<vmem>> -> memref<1x250xi32, #tpu.memory_space<vmem>>
          %dma_start3A_121 = tpu.memref_squeeze %dma_start3A_120 : memref<1x250xi32, #tpu.memory_space<vmem>> -> memref<250xi32, #tpu.memory_space<vmem>>
          %dma_start3A_122 = arith.constant 0 : i32
          %dma_start3A_123 = arith.constant 0 : i32
          %dma_start3A_124 = tpu.memref_slice %arg2[%dma_start3A_122, %dma_start3A_123] : memref<10000x64xf32, #tpu.memory_space<hbm>> -> memref<10000x64xf32, #tpu.memory_space<hbm>>
          tpu.enqueue_indirect_dma source(%dma_start3A_124 : memref<10000x64xf32, #tpu.memory_space<hbm>>) target(%arg21 : memref<250x64xf32, #tpu.memory_space<vmem>>) offsets(%dma_start3A_121 : memref<250xi32, #tpu.memory_space<vmem>>) semaphore(%arg26 : memref<!tpu.dma_semaphore, #tpu.memory_space<semaphore_mem>>)
        } else {
        }
        %eq3A_112 = arith.constant 1 : i32
        %eq3A_113 = arith.cmpi eq, %arg0, %eq3A_112 : i32
        %convert_element_type3A_114 = arith.extui %eq3A_113 : i1 to i32
        %cond3A_115 = arith.constant 0 : i32
        %cond3A_116 = arith.cmpi ne, %convert_element_type3A_114, %cond3A_115 : i32
        scf.if %cond3A_116 {
          "tpu.region"() ({
            %run_scoped3A = tpu.sem_alloc : memref<!tpu.dma_semaphore, #tpu.memory_space<semaphore_mem>>
            %dma_start3A_117 = arith.constant 0 : i32
            %dma_start3A_118 = tpu.memref_slice %arg18[%add3A_98, %dma_start3A_117] : memref<40x250xi32, #tpu.memory_space<vmem>> -> memref<1x250xi32, #tpu.memory_space<vmem>>
            %dma_start3A_119 = tpu.memref_squeeze %dma_start3A_118 : memref<1x250xi32, #tpu.memory_space<vmem>> -> memref<250xi32, #tpu.memory_space<vmem>>
            %dma_start3A_120 = arith.constant 0 : i32
            %dma_start3A_121 = arith.constant 0 : i32
            %dma_start3A_122 = tpu.memref_slice %arg24[%dma_start3A_120, %dma_start3A_121] : memref<10240x16xf32, #tpu.memory_space<vmem_shared>> -> memref<10240x16xf32, #tpu.memory_space<vmem_shared>>
            tpu.enqueue_indirect_dma source(%arg22 : memref<250x16xf32, #tpu.memory_space<vmem>>) target(%dma_start3A_122 : memref<10240x16xf32, #tpu.memory_space<vmem_shared>>) offsets(%dma_start3A_119 : memref<250xi32, #tpu.memory_space<vmem>>) semaphore(%run_scoped3A : memref<!tpu.dma_semaphore, #tpu.memory_space<semaphore_mem>>) {add = true}
            %dma_wait3A_123 = arith.constant 0 : i32
            %dma_wait3A_124 = tpu.memref_slice %arg18[%add3A_98, %dma_wait3A_123] : memref<40x250xi32, #tpu.memory_space<vmem>> -> memref<1x250xi32, #tpu.memory_space<vmem>>
            %dma_wait3A_125 = tpu.memref_squeeze %dma_wait3A_124 : memref<1x250xi32, #tpu.memory_space<vmem>> -> memref<250xi32, #tpu.memory_space<vmem>>
            %dma_wait3A_126 = arith.constant 0 : i32
            %dma_wait3A_127 = arith.constant 0 : i32
            %dma_wait3A_128 = tpu.memref_slice %arg24[%dma_wait3A_126, %dma_wait3A_127] : memref<10240x16xf32, #tpu.memory_space<vmem_shared>> -> memref<10240x16xf32, #tpu.memory_space<vmem_shared>>
            tpu.wait_indirect_dma semaphore(%run_scoped3A : memref<!tpu.dma_semaphore, #tpu.memory_space<semaphore_mem>>) src(%arg22 : memref<250x16xf32, #tpu.memory_space<vmem>>) dst(%dma_wait3A_128 : memref<10240x16xf32, #tpu.memory_space<vmem_shared>>)
            tpu.yield
          }) : () -> ()
        } else {
        }
      }
      %scan3A_76 = arith.constant 20 : i32
    } else {
    }
    %eq3A_32 = arith.constant 1 : i32
    %eq3A_33 = arith.cmpi eq, %arg0, %eq3A_32 : i32
    %convert_element_type3A_34 = arith.extui %eq3A_33 : i1 to i32
    %cond3A_35 = arith.constant 0 : i32
    %cond3A_36 = arith.cmpi ne, %convert_element_type3A_34, %cond3A_35 : i32
    scf.if %cond3A_36 {
      %dma_start3A = arith.constant 0 : i32
      %dma_start3A_58 = arith.constant 0 : i32
      %dma_start3A_59 = tpu.memref_slice %arg19[%dma_start3A, %dma_start3A_58] : memref<40x250xi32, #tpu.memory_space<vmem>> -> memref<1x250xi32, #tpu.memory_space<vmem>>
      %dma_start3A_60 = tpu.memref_squeeze %dma_start3A_59 : memref<1x250xi32, #tpu.memory_space<vmem>> -> memref<250xi32, #tpu.memory_space<vmem>>
      %dma_start3A_61 = arith.constant 0 : i32
      %dma_start3A_62 = arith.constant 0 : i32
      %dma_start3A_63 = tpu.memref_slice %arg3[%dma_start3A_61, %dma_start3A_62] : memref<10000x64xf32, #tpu.memory_space<hbm>> -> memref<10000x64xf32, #tpu.memory_space<hbm>>
      tpu.enqueue_indirect_dma source(%dma_start3A_63 : memref<10000x64xf32, #tpu.memory_space<hbm>>) target(%arg20 : memref<250x64xf32, #tpu.memory_space<vmem>>) offsets(%dma_start3A_60 : memref<250xi32, #tpu.memory_space<vmem>>) semaphore(%arg25 : memref<!tpu.dma_semaphore, #tpu.memory_space<semaphore_mem>>)
      %dma_start3A_64 = arith.constant 1 : i32
      %dma_start3A_65 = arith.constant 0 : i32
      %dma_start3A_66 = tpu.memref_slice %arg19[%dma_start3A_64, %dma_start3A_65] : memref<40x250xi32, #tpu.memory_space<vmem>> -> memref<1x250xi32, #tpu.memory_space<vmem>>
      %dma_start3A_67 = tpu.memref_squeeze %dma_start3A_66 : memref<1x250xi32, #tpu.memory_space<vmem>> -> memref<250xi32, #tpu.memory_space<vmem>>
      %dma_start3A_68 = arith.constant 0 : i32
      %dma_start3A_69 = arith.constant 0 : i32
      %dma_start3A_70 = tpu.memref_slice %arg3[%dma_start3A_68, %dma_start3A_69] : memref<10000x64xf32, #tpu.memory_space<hbm>> -> memref<10000x64xf32, #tpu.memory_space<hbm>>
      tpu.enqueue_indirect_dma source(%dma_start3A_70 : memref<10000x64xf32, #tpu.memory_space<hbm>>) target(%arg21 : memref<250x64xf32, #tpu.memory_space<vmem>>) offsets(%dma_start3A_67 : memref<250xi32, #tpu.memory_space<vmem>>) semaphore(%arg26 : memref<!tpu.dma_semaphore, #tpu.memory_space<semaphore_mem>>)
      %scan3A_71 = arith.constant 0 : i32
      %scan3A_72 = arith.constant 0 : i32
      %scan3A_73 = arith.constant 20 : i32
      %scan3A_74 = arith.addi %scan3A_72, %scan3A_73 : i32
      %scan3A_75 = arith.constant 1 : i32
      scf.for %scan3A_77 = %scan3A_72 to %scan3A_74 step %scan3A_75  : i32 {
        %mul3A_78 = arith.constant 2 : i32
        %mul3A_79 = arith.muli %mul3A_78, %scan3A_77 : i32
        %add3A = arith.constant 0 : i32
        %add3A_80 = arith.addi %mul3A_79, %add3A : i32
        %dma_wait3A = arith.constant 0 : i32
        %dma_wait3A_81 = tpu.memref_slice %arg19[%add3A_80, %dma_wait3A] : memref<40x250xi32, #tpu.memory_space<vmem>> -> memref<1x250xi32, #tpu.memory_space<vmem>>
        %dma_wait3A_82 = tpu.memref_squeeze %dma_wait3A_81 : memref<1x250xi32, #tpu.memory_space<vmem>> -> memref<250xi32, #tpu.memory_space<vmem>>
        %dma_wait3A_83 = arith.constant 0 : i32
        %dma_wait3A_84 = arith.constant 0 : i32
        %dma_wait3A_85 = tpu.memref_slice %arg3[%dma_wait3A_83, %dma_wait3A_84] : memref<10000x64xf32, #tpu.memory_space<hbm>> -> memref<10000x64xf32, #tpu.memory_space<hbm>>
        tpu.wait_indirect_dma semaphore(%arg25 : memref<!tpu.dma_semaphore, #tpu.memory_space<semaphore_mem>>) src(%dma_wait3A_85 : memref<10000x64xf32, #tpu.memory_space<hbm>>) dst(%arg20 : memref<250x64xf32, #tpu.memory_space<vmem>>)
        "tpu.region"() ({
          %run_scoped3A = tpu.sem_alloc : memref<!tpu.dma_semaphore, #tpu.memory_space<semaphore_mem>>
          %dma_start3A_117 = arith.constant 0 : i32
          %dma_start3A_118 = tpu.memref_slice %arg18[%add3A_80, %dma_start3A_117] : memref<40x250xi32, #tpu.memory_space<vmem>> -> memref<1x250xi32, #tpu.memory_space<vmem>>
          %dma_start3A_119 = tpu.memref_squeeze %dma_start3A_118 : memref<1x250xi32, #tpu.memory_space<vmem>> -> memref<250xi32, #tpu.memory_space<vmem>>
          %dma_start3A_120 = arith.constant 0 : i32
          %dma_start3A_121 = arith.constant 0 : i32
          %dma_start3A_122 = tpu.memref_slice %arg23[%dma_start3A_120, %dma_start3A_121] : memref<10240x64xf32, #tpu.memory_space<vmem_shared>> -> memref<10240x64xf32, #tpu.memory_space<vmem_shared>>
          tpu.enqueue_indirect_dma source(%arg20 : memref<250x64xf32, #tpu.memory_space<vmem>>) target(%dma_start3A_122 : memref<10240x64xf32, #tpu.memory_space<vmem_shared>>) offsets(%dma_start3A_119 : memref<250xi32, #tpu.memory_space<vmem>>) semaphore(%run_scoped3A : memref<!tpu.dma_semaphore, #tpu.memory_space<semaphore_mem>>) {add = true}
          %dma_wait3A_123 = arith.constant 0 : i32
          %dma_wait3A_124 = tpu.memref_slice %arg18[%add3A_80, %dma_wait3A_123] : memref<40x250xi32, #tpu.memory_space<vmem>> -> memref<1x250xi32, #tpu.memory_space<vmem>>
          %dma_wait3A_125 = tpu.memref_squeeze %dma_wait3A_124 : memref<1x250xi32, #tpu.memory_space<vmem>> -> memref<250xi32, #tpu.memory_space<vmem>>
          %dma_wait3A_126 = arith.constant 0 : i32
          %dma_wait3A_127 = arith.constant 0 : i32
          %dma_wait3A_128 = tpu.memref_slice %arg23[%dma_wait3A_126, %dma_wait3A_127] : memref<10240x64xf32, #tpu.memory_space<vmem_shared>> -> memref<10240x64xf32, #tpu.memory_space<vmem_shared>>
          tpu.wait_indirect_dma semaphore(%run_scoped3A : memref<!tpu.dma_semaphore, #tpu.memory_space<semaphore_mem>>) src(%arg20 : memref<250x64xf32, #tpu.memory_space<vmem>>) dst(%dma_wait3A_128 : memref<10240x64xf32, #tpu.memory_space<vmem_shared>>)
          tpu.yield
        }) : () -> ()
        %add3A_86 = arith.constant 1 : i32
        %add3A_87 = arith.addi %scan3A_77, %add3A_86 : i32
        %lt3A = arith.constant 20 : i32
        %lt3A_88 = arith.cmpi slt, %add3A_87, %lt3A : i32
        %convert_element_type3A_89 = arith.extui %lt3A_88 : i1 to i32
        %cond3A_90 = arith.constant 0 : i32
        %cond3A_91 = arith.cmpi ne, %convert_element_type3A_89, %cond3A_90 : i32
        scf.if %cond3A_91 {
          %add3A_117 = arith.constant 2 : i32
          %add3A_118 = arith.addi %add3A_80, %add3A_117 : i32
          %dma_start3A_119 = arith.constant 0 : i32
          %dma_start3A_120 = tpu.memref_slice %arg19[%add3A_118, %dma_start3A_119] : memref<40x250xi32, #tpu.memory_space<vmem>> -> memref<1x250xi32, #tpu.memory_space<vmem>>
          %dma_start3A_121 = tpu.memref_squeeze %dma_start3A_120 : memref<1x250xi32, #tpu.memory_space<vmem>> -> memref<250xi32, #tpu.memory_space<vmem>>
          %dma_start3A_122 = arith.constant 0 : i32
          %dma_start3A_123 = arith.constant 0 : i32
          %dma_start3A_124 = tpu.memref_slice %arg3[%dma_start3A_122, %dma_start3A_123] : memref<10000x64xf32, #tpu.memory_space<hbm>> -> memref<10000x64xf32, #tpu.memory_space<hbm>>
          tpu.enqueue_indirect_dma source(%dma_start3A_124 : memref<10000x64xf32, #tpu.memory_space<hbm>>) target(%arg20 : memref<250x64xf32, #tpu.memory_space<vmem>>) offsets(%dma_start3A_121 : memref<250xi32, #tpu.memory_space<vmem>>) semaphore(%arg25 : memref<!tpu.dma_semaphore, #tpu.memory_space<semaphore_mem>>)
        } else {
        }
        %eq3A_92 = arith.constant 1 : i32
        %eq3A_93 = arith.cmpi eq, %arg0, %eq3A_92 : i32
        %convert_element_type3A_94 = arith.extui %eq3A_93 : i1 to i32
        %cond3A_95 = arith.constant 0 : i32
        %cond3A_96 = arith.cmpi ne, %convert_element_type3A_94, %cond3A_95 : i32
        scf.if %cond3A_96 {
          "tpu.region"() ({
            %run_scoped3A = tpu.sem_alloc : memref<!tpu.dma_semaphore, #tpu.memory_space<semaphore_mem>>
            %dma_start3A_117 = arith.constant 0 : i32
            %dma_start3A_118 = tpu.memref_slice %arg18[%add3A_80, %dma_start3A_117] : memref<40x250xi32, #tpu.memory_space<vmem>> -> memref<1x250xi32, #tpu.memory_space<vmem>>
            %dma_start3A_119 = tpu.memref_squeeze %dma_start3A_118 : memref<1x250xi32, #tpu.memory_space<vmem>> -> memref<250xi32, #tpu.memory_space<vmem>>
            %dma_start3A_120 = arith.constant 0 : i32
            %dma_start3A_121 = arith.constant 0 : i32
            %dma_start3A_122 = tpu.memref_slice %arg24[%dma_start3A_120, %dma_start3A_121] : memref<10240x16xf32, #tpu.memory_space<vmem_shared>> -> memref<10240x16xf32, #tpu.memory_space<vmem_shared>>
            tpu.enqueue_indirect_dma source(%arg22 : memref<250x16xf32, #tpu.memory_space<vmem>>) target(%dma_start3A_122 : memref<10240x16xf32, #tpu.memory_space<vmem_shared>>) offsets(%dma_start3A_119 : memref<250xi32, #tpu.memory_space<vmem>>) semaphore(%run_scoped3A : memref<!tpu.dma_semaphore, #tpu.memory_space<semaphore_mem>>) {add = true}
            %dma_wait3A_123 = arith.constant 0 : i32
            %dma_wait3A_124 = tpu.memref_slice %arg18[%add3A_80, %dma_wait3A_123] : memref<40x250xi32, #tpu.memory_space<vmem>> -> memref<1x250xi32, #tpu.memory_space<vmem>>
            %dma_wait3A_125 = tpu.memref_squeeze %dma_wait3A_124 : memref<1x250xi32, #tpu.memory_space<vmem>> -> memref<250xi32, #tpu.memory_space<vmem>>
            %dma_wait3A_126 = arith.constant 0 : i32
            %dma_wait3A_127 = arith.constant 0 : i32
            %dma_wait3A_128 = tpu.memref_slice %arg24[%dma_wait3A_126, %dma_wait3A_127] : memref<10240x16xf32, #tpu.memory_space<vmem_shared>> -> memref<10240x16xf32, #tpu.memory_space<vmem_shared>>
            tpu.wait_indirect_dma semaphore(%run_scoped3A : memref<!tpu.dma_semaphore, #tpu.memory_space<semaphore_mem>>) src(%arg22 : memref<250x16xf32, #tpu.memory_space<vmem>>) dst(%dma_wait3A_128 : memref<10240x16xf32, #tpu.memory_space<vmem_shared>>)
            tpu.yield
          }) : () -> ()
        } else {
        }
        %add3A_97 = arith.constant 1 : i32
        %add3A_98 = arith.addi %mul3A_79, %add3A_97 : i32
        %dma_wait3A_99 = arith.constant 0 : i32
        %dma_wait3A_100 = tpu.memref_slice %arg19[%add3A_98, %dma_wait3A_99] : memref<40x250xi32, #tpu.memory_space<vmem>> -> memref<1x250xi32, #tpu.memory_space<vmem>>
        %dma_wait3A_101 = tpu.memref_squeeze %dma_wait3A_100 : memref<1x250xi32, #tpu.memory_space<vmem>> -> memref<250xi32, #tpu.memory_space<vmem>>
        %dma_wait3A_102 = arith.constant 0 : i32
        %dma_wait3A_103 = arith.constant 0 : i32
        %dma_wait3A_104 = tpu.memref_slice %arg3[%dma_wait3A_102, %dma_wait3A_103] : memref<10000x64xf32, #tpu.memory_space<hbm>> -> memref<10000x64xf32, #tpu.memory_space<hbm>>
        tpu.wait_indirect_dma semaphore(%arg26 : memref<!tpu.dma_semaphore, #tpu.memory_space<semaphore_mem>>) src(%dma_wait3A_104 : memref<10000x64xf32, #tpu.memory_space<hbm>>) dst(%arg21 : memref<250x64xf32, #tpu.memory_space<vmem>>)
        "tpu.region"() ({
          %run_scoped3A = tpu.sem_alloc : memref<!tpu.dma_semaphore, #tpu.memory_space<semaphore_mem>>
          %dma_start3A_117 = arith.constant 0 : i32
          %dma_start3A_118 = tpu.memref_slice %arg18[%add3A_98, %dma_start3A_117] : memref<40x250xi32, #tpu.memory_space<vmem>> -> memref<1x250xi32, #tpu.memory_space<vmem>>
          %dma_start3A_119 = tpu.memref_squeeze %dma_start3A_118 : memref<1x250xi32, #tpu.memory_space<vmem>> -> memref<250xi32, #tpu.memory_space<vmem>>
          %dma_start3A_120 = arith.constant 0 : i32
          %dma_start3A_121 = arith.constant 0 : i32
          %dma_start3A_122 = tpu.memref_slice %arg23[%dma_start3A_120, %dma_start3A_121] : memref<10240x64xf32, #tpu.memory_space<vmem_shared>> -> memref<10240x64xf32, #tpu.memory_space<vmem_shared>>
          tpu.enqueue_indirect_dma source(%arg21 : memref<250x64xf32, #tpu.memory_space<vmem>>) target(%dma_start3A_122 : memref<10240x64xf32, #tpu.memory_space<vmem_shared>>) offsets(%dma_start3A_119 : memref<250xi32, #tpu.memory_space<vmem>>) semaphore(%run_scoped3A : memref<!tpu.dma_semaphore, #tpu.memory_space<semaphore_mem>>) {add = true}
          %dma_wait3A_123 = arith.constant 0 : i32
          %dma_wait3A_124 = tpu.memref_slice %arg18[%add3A_98, %dma_wait3A_123] : memref<40x250xi32, #tpu.memory_space<vmem>> -> memref<1x250xi32, #tpu.memory_space<vmem>>
          %dma_wait3A_125 = tpu.memref_squeeze %dma_wait3A_124 : memref<1x250xi32, #tpu.memory_space<vmem>> -> memref<250xi32, #tpu.memory_space<vmem>>
          %dma_wait3A_126 = arith.constant 0 : i32
          %dma_wait3A_127 = arith.constant 0 : i32
          %dma_wait3A_128 = tpu.memref_slice %arg23[%dma_wait3A_126, %dma_wait3A_127] : memref<10240x64xf32, #tpu.memory_space<vmem_shared>> -> memref<10240x64xf32, #tpu.memory_space<vmem_shared>>
          tpu.wait_indirect_dma semaphore(%run_scoped3A : memref<!tpu.dma_semaphore, #tpu.memory_space<semaphore_mem>>) src(%arg21 : memref<250x64xf32, #tpu.memory_space<vmem>>) dst(%dma_wait3A_128 : memref<10240x64xf32, #tpu.memory_space<vmem_shared>>)
          tpu.yield
        }) : () -> ()
        %add3A_105 = arith.constant 1 : i32
        %add3A_106 = arith.addi %scan3A_77, %add3A_105 : i32
        %lt3A_107 = arith.constant 20 : i32
        %lt3A_108 = arith.cmpi slt, %add3A_106, %lt3A_107 : i32
        %convert_element_type3A_109 = arith.extui %lt3A_108 : i1 to i32
        %cond3A_110 = arith.constant 0 : i32
        %cond3A_111 = arith.cmpi ne, %convert_element_type3A_109, %cond3A_110 : i32
        scf.if %cond3A_111 {
          %add3A_117 = arith.constant 2 : i32
          %add3A_118 = arith.addi %add3A_98, %add3A_117 : i32
          %dma_start3A_119 = arith.constant 0 : i32
          %dma_start3A_120 = tpu.memref_slice %arg19[%add3A_118, %dma_start3A_119] : memref<40x250xi32, #tpu.memory_space<vmem>> -> memref<1x250xi32, #tpu.memory_space<vmem>>
          %dma_start3A_121 = tpu.memref_squeeze %dma_start3A_120 : memref<1x250xi32, #tpu.memory_space<vmem>> -> memref<250xi32, #tpu.memory_space<vmem>>
          %dma_start3A_122 = arith.constant 0 : i32
          %dma_start3A_123 = arith.constant 0 : i32
          %dma_start3A_124 = tpu.memref_slice %arg3[%dma_start3A_122, %dma_start3A_123] : memref<10000x64xf32, #tpu.memory_space<hbm>> -> memref<10000x64xf32, #tpu.memory_space<hbm>>
          tpu.enqueue_indirect_dma source(%dma_start3A_124 : memref<10000x64xf32, #tpu.memory_space<hbm>>) target(%arg21 : memref<250x64xf32, #tpu.memory_space<vmem>>) offsets(%dma_start3A_121 : memref<250xi32, #tpu.memory_space<vmem>>) semaphore(%arg26 : memref<!tpu.dma_semaphore, #tpu.memory_space<semaphore_mem>>)
        } else {
        }
        %eq3A_112 = arith.constant 1 : i32
        %eq3A_113 = arith.cmpi eq, %arg0, %eq3A_112 : i32
        %convert_element_type3A_114 = arith.extui %eq3A_113 : i1 to i32
        %cond3A_115 = arith.constant 0 : i32
        %cond3A_116 = arith.cmpi ne, %convert_element_type3A_114, %cond3A_115 : i32
        scf.if %cond3A_116 {
          "tpu.region"() ({
            %run_scoped3A = tpu.sem_alloc : memref<!tpu.dma_semaphore, #tpu.memory_space<semaphore_mem>>
            %dma_start3A_117 = arith.constant 0 : i32
            %dma_start3A_118 = tpu.memref_slice %arg18[%add3A_98, %dma_start3A_117] : memref<40x250xi32, #tpu.memory_space<vmem>> -> memref<1x250xi32, #tpu.memory_space<vmem>>
            %dma_start3A_119 = tpu.memref_squeeze %dma_start3A_118 : memref<1x250xi32, #tpu.memory_space<vmem>> -> memref<250xi32, #tpu.memory_space<vmem>>
            %dma_start3A_120 = arith.constant 0 : i32
            %dma_start3A_121 = arith.constant 0 : i32
            %dma_start3A_122 = tpu.memref_slice %arg24[%dma_start3A_120, %dma_start3A_121] : memref<10240x16xf32, #tpu.memory_space<vmem_shared>> -> memref<10240x16xf32, #tpu.memory_space<vmem_shared>>
            tpu.enqueue_indirect_dma source(%arg22 : memref<250x16xf32, #tpu.memory_space<vmem>>) target(%dma_start3A_122 : memref<10240x16xf32, #tpu.memory_space<vmem_shared>>) offsets(%dma_start3A_119 : memref<250xi32, #tpu.memory_space<vmem>>) semaphore(%run_scoped3A : memref<!tpu.dma_semaphore, #tpu.memory_space<semaphore_mem>>) {add = true}
            %dma_wait3A_123 = arith.constant 0 : i32
            %dma_wait3A_124 = tpu.memref_slice %arg18[%add3A_98, %dma_wait3A_123] : memref<40x250xi32, #tpu.memory_space<vmem>> -> memref<1x250xi32, #tpu.memory_space<vmem>>
            %dma_wait3A_125 = tpu.memref_squeeze %dma_wait3A_124 : memref<1x250xi32, #tpu.memory_space<vmem>> -> memref<250xi32, #tpu.memory_space<vmem>>
            %dma_wait3A_126 = arith.constant 0 : i32
            %dma_wait3A_127 = arith.constant 0 : i32
            %dma_wait3A_128 = tpu.memref_slice %arg24[%dma_wait3A_126, %dma_wait3A_127] : memref<10240x16xf32, #tpu.memory_space<vmem_shared>> -> memref<10240x16xf32, #tpu.memory_space<vmem_shared>>
            tpu.wait_indirect_dma semaphore(%run_scoped3A : memref<!tpu.dma_semaphore, #tpu.memory_space<semaphore_mem>>) src(%arg22 : memref<250x16xf32, #tpu.memory_space<vmem>>) dst(%dma_wait3A_128 : memref<10240x16xf32, #tpu.memory_space<vmem_shared>>)
            tpu.yield
          }) : () -> ()
        } else {
        }
      }
      %scan3A_76 = arith.constant 20 : i32
    } else {
    }
    %barrier3A_37 = arith.constant 0 : index
    tpu.barrier barrier_id(%barrier3A_37)
    %eq3A_38 = arith.constant 0 : i32
    %eq3A_39 = arith.cmpi eq, %arg0, %eq3A_38 : i32
    %convert_element_type3A_40 = arith.extui %eq3A_39 : i1 to i32
    %cond3A_41 = arith.constant 0 : i32
    %cond3A_42 = arith.cmpi ne, %convert_element_type3A_40, %cond3A_41 : i32
    scf.if %cond3A_42 {
      "tpu.region"() ({
        %run_scoped3A = tpu.sem_alloc : memref<!tpu.dma_semaphore, #tpu.memory_space<semaphore_mem>>
        %dma_start3A = arith.constant 0 : i32
        %dma_start3A_58 = tpu.memref_slice %arg12[%mul3A_0, %dma_start3A] : memref<10240x64xf32, #tpu.memory_space<hbm>> -> memref<640x64xf32, #tpu.memory_space<hbm>>
        %dma_start3A_59 = arith.constant 0 : i32
        %dma_start3A_60 = tpu.memref_slice %arg23[%mul3A_0, %dma_start3A_59] : memref<10240x64xf32, #tpu.memory_space<vmem_shared>> -> memref<640x64xf32, #tpu.memory_space<vmem_shared>>
        tpu.enqueue_dma source(%dma_start3A_60 : memref<640x64xf32, #tpu.memory_space<vmem_shared>>) target(%dma_start3A_58 : memref<640x64xf32, #tpu.memory_space<hbm>>) target_semaphore(%run_scoped3A : memref<!tpu.dma_semaphore, #tpu.memory_space<semaphore_mem>>)
        %dma_wait3A = arith.constant 0 : i32
        %dma_wait3A_61 = tpu.memref_slice %arg12[%mul3A_0, %dma_wait3A] : memref<10240x64xf32, #tpu.memory_space<hbm>> -> memref<640x64xf32, #tpu.memory_space<hbm>>
        %dma_wait3A_62 = arith.constant 0 : i32
        %dma_wait3A_63 = tpu.memref_slice %arg23[%mul3A_0, %dma_wait3A_62] : memref<10240x64xf32, #tpu.memory_space<vmem_shared>> -> memref<640x64xf32, #tpu.memory_space<vmem_shared>>
        tpu.wait_dma2 semaphore(%run_scoped3A : memref<!tpu.dma_semaphore, #tpu.memory_space<semaphore_mem>>) src(%dma_wait3A_63 : memref<640x64xf32, #tpu.memory_space<vmem_shared>>) dst(%dma_wait3A_61 : memref<640x64xf32, #tpu.memory_space<hbm>>)
        tpu.yield
      }) : () -> ()
    } else {
    }
    %eq3A_43 = arith.constant 1 : i32
    %eq3A_44 = arith.cmpi eq, %arg0, %eq3A_43 : i32
    %convert_element_type3A_45 = arith.extui %eq3A_44 : i1 to i32
    %cond3A_46 = arith.constant 0 : i32
    %cond3A_47 = arith.cmpi ne, %convert_element_type3A_45, %cond3A_46 : i32
    scf.if %cond3A_47 {
      "tpu.region"() ({
        %run_scoped3A = tpu.sem_alloc : memref<!tpu.dma_semaphore, #tpu.memory_space<semaphore_mem>>
        %dma_start3A = arith.constant 0 : i32
        %dma_start3A_58 = tpu.memref_slice %arg13[%mul3A_0, %dma_start3A] : memref<10240x64xf32, #tpu.memory_space<hbm>> -> memref<640x64xf32, #tpu.memory_space<hbm>>
        %dma_start3A_59 = arith.constant 0 : i32
        %dma_start3A_60 = tpu.memref_slice %arg23[%mul3A_0, %dma_start3A_59] : memref<10240x64xf32, #tpu.memory_space<vmem_shared>> -> memref<640x64xf32, #tpu.memory_space<vmem_shared>>
        tpu.enqueue_dma source(%dma_start3A_60 : memref<640x64xf32, #tpu.memory_space<vmem_shared>>) target(%dma_start3A_58 : memref<640x64xf32, #tpu.memory_space<hbm>>) target_semaphore(%run_scoped3A : memref<!tpu.dma_semaphore, #tpu.memory_space<semaphore_mem>>)
        %dma_wait3A = arith.constant 0 : i32
        %dma_wait3A_61 = tpu.memref_slice %arg13[%mul3A_0, %dma_wait3A] : memref<10240x64xf32, #tpu.memory_space<hbm>> -> memref<640x64xf32, #tpu.memory_space<hbm>>
        %dma_wait3A_62 = arith.constant 0 : i32
        %dma_wait3A_63 = tpu.memref_slice %arg23[%mul3A_0, %dma_wait3A_62] : memref<10240x64xf32, #tpu.memory_space<vmem_shared>> -> memref<640x64xf32, #tpu.memory_space<vmem_shared>>
        tpu.wait_dma2 semaphore(%run_scoped3A : memref<!tpu.dma_semaphore, #tpu.memory_space<semaphore_mem>>) src(%dma_wait3A_63 : memref<640x64xf32, #tpu.memory_space<vmem_shared>>) dst(%dma_wait3A_61 : memref<640x64xf32, #tpu.memory_space<hbm>>)
        tpu.yield
      }) : () -> ()
    } else {
    }
    %eq3A_48 = arith.constant 0 : i32
    %eq3A_49 = arith.cmpi eq, %arg0, %eq3A_48 : i32
    %convert_element_type3A_50 = arith.extui %eq3A_49 : i1 to i32
    %cond3A_51 = arith.constant 0 : i32
    %cond3A_52 = arith.cmpi ne, %convert_element_type3A_50, %cond3A_51 : i32
    scf.if %cond3A_52 {
      "tpu.region"() ({
        %run_scoped3A = tpu.sem_alloc : memref<!tpu.dma_semaphore, #tpu.memory_space<semaphore_mem>>
        %dma_start3A = arith.constant 0 : i32
        %dma_start3A_58 = tpu.memref_slice %arg14[%mul3A_0, %dma_start3A] : memref<10240x16xf32, #tpu.memory_space<hbm>> -> memref<640x16xf32, #tpu.memory_space<hbm>>
        %dma_start3A_59 = arith.constant 0 : i32
        %dma_start3A_60 = tpu.memref_slice %arg24[%mul3A_0, %dma_start3A_59] : memref<10240x16xf32, #tpu.memory_space<vmem_shared>> -> memref<640x16xf32, #tpu.memory_space<vmem_shared>>
        tpu.enqueue_dma source(%dma_start3A_60 : memref<640x16xf32, #tpu.memory_space<vmem_shared>>) target(%dma_start3A_58 : memref<640x16xf32, #tpu.memory_space<hbm>>) target_semaphore(%run_scoped3A : memref<!tpu.dma_semaphore, #tpu.memory_space<semaphore_mem>>)
        %dma_wait3A = arith.constant 0 : i32
        %dma_wait3A_61 = tpu.memref_slice %arg14[%mul3A_0, %dma_wait3A] : memref<10240x16xf32, #tpu.memory_space<hbm>> -> memref<640x16xf32, #tpu.memory_space<hbm>>
        %dma_wait3A_62 = arith.constant 0 : i32
        %dma_wait3A_63 = tpu.memref_slice %arg24[%mul3A_0, %dma_wait3A_62] : memref<10240x16xf32, #tpu.memory_space<vmem_shared>> -> memref<640x16xf32, #tpu.memory_space<vmem_shared>>
        tpu.wait_dma2 semaphore(%run_scoped3A : memref<!tpu.dma_semaphore, #tpu.memory_space<semaphore_mem>>) src(%dma_wait3A_63 : memref<640x16xf32, #tpu.memory_space<vmem_shared>>) dst(%dma_wait3A_61 : memref<640x16xf32, #tpu.memory_space<hbm>>)
        tpu.yield
      }) : () -> ()
    } else {
    }
    %eq3A_53 = arith.constant 1 : i32
    %eq3A_54 = arith.cmpi eq, %arg0, %eq3A_53 : i32
    %convert_element_type3A_55 = arith.extui %eq3A_54 : i1 to i32
    %cond3A_56 = arith.constant 0 : i32
    %cond3A_57 = arith.cmpi ne, %convert_element_type3A_55, %cond3A_56 : i32
    scf.if %cond3A_57 {
      "tpu.region"() ({
        %run_scoped3A = tpu.sem_alloc : memref<!tpu.dma_semaphore, #tpu.memory_space<semaphore_mem>>
        %dma_start3A = arith.constant 0 : i32
        %dma_start3A_58 = tpu.memref_slice %arg15[%mul3A_0, %dma_start3A] : memref<10240x16xf32, #tpu.memory_space<hbm>> -> memref<640x16xf32, #tpu.memory_space<hbm>>
        %dma_start3A_59 = arith.constant 0 : i32
        %dma_start3A_60 = tpu.memref_slice %arg24[%mul3A_0, %dma_start3A_59] : memref<10240x16xf32, #tpu.memory_space<vmem_shared>> -> memref<640x16xf32, #tpu.memory_space<vmem_shared>>
        tpu.enqueue_dma source(%dma_start3A_60 : memref<640x16xf32, #tpu.memory_space<vmem_shared>>) target(%dma_start3A_58 : memref<640x16xf32, #tpu.memory_space<hbm>>) target_semaphore(%run_scoped3A : memref<!tpu.dma_semaphore, #tpu.memory_space<semaphore_mem>>)
        %dma_wait3A = arith.constant 0 : i32
        %dma_wait3A_61 = tpu.memref_slice %arg15[%mul3A_0, %dma_wait3A] : memref<10240x16xf32, #tpu.memory_space<hbm>> -> memref<640x16xf32, #tpu.memory_space<hbm>>
        %dma_wait3A_62 = arith.constant 0 : i32
        %dma_wait3A_63 = tpu.memref_slice %arg24[%mul3A_0, %dma_wait3A_62] : memref<10240x16xf32, #tpu.memory_space<vmem_shared>> -> memref<640x16xf32, #tpu.memory_space<vmem_shared>>
        tpu.wait_dma2 semaphore(%run_scoped3A : memref<!tpu.dma_semaphore, #tpu.memory_space<semaphore_mem>>) src(%dma_wait3A_63 : memref<640x16xf32, #tpu.memory_space<vmem_shared>>) dst(%dma_wait3A_61 : memref<640x16xf32, #tpu.memory_space<hbm>>)
        tpu.yield
      }) : () -> ()
    } else {
    }
    return
  }
}

#map = affine_map<(d0, d1) -> (0, 0)>
module attributes {stable_mosaic.version = 14 : i64} {
  func.func @_spmm_body(%arg0: i32, %arg1: i32, %arg2: memref<10000x64xf32, #tpu.memory_space<hbm>>, %arg3: memref<10000x64xf32, #tpu.memory_space<hbm>>, %arg4: memref<640x250xi32, #tpu.memory_space<hbm>>, %arg5: memref<640x250xi32, #tpu.memory_space<hbm>>, %arg6: memref<640x250xi32, #tpu.memory_space<hbm>>, %arg7: memref<640x250xi32, #tpu.memory_space<hbm>>, %arg8: memref<10240x64xf32, #tpu.memory_space<hbm>>, %arg9: memref<10240x16xf32, #tpu.memory_space<hbm>>, %arg10: memref<10240x64xf32, #tpu.memory_space<hbm>>, %arg11: memref<10240x64xf32, #tpu.memory_space<hbm>>, %arg12: memref<10240x64xf32, #tpu.memory_space<hbm>>, %arg13: memref<10240x64xf32, #tpu.memory_space<hbm>>, %arg14: memref<10240x16xf32, #tpu.memory_space<hbm>>, %arg15: memref<10240x16xf32, #tpu.memory_space<hbm>>, %arg16: memref<40x250xi32, #tpu.memory_space<vmem>>, %arg17: memref<40x250xi32, #tpu.memory_space<vmem>>, %arg18: memref<40x250xi32, #tpu.memory_space<vmem>>, %arg19: memref<40x250xi32, #tpu.memory_space<vmem>>, %arg20: memref<250x64xf32, #tpu.memory_space<vmem>>, %arg21: memref<250x64xf32, #tpu.memory_space<vmem>>, %arg22: memref<250x16xf32, #tpu.memory_space<vmem>>, %arg23: memref<10240x64xf32, #tpu.memory_space<vmem_shared>>, %arg24: memref<10240x16xf32, #tpu.memory_space<vmem_shared>>, %arg25: memref<!tpu.dma_semaphore, #tpu.memory_space<semaphore_mem>>, %arg26: memref<!tpu.dma_semaphore, #tpu.memory_space<semaphore_mem>>) attributes {dimension_semantics = [#tpu.dimension_semantics<core_parallel>, #tpu.dimension_semantics<subcore_parallel>], iteration_bounds = array<i64: 2, 16>, scalar_prefetch = 0 : i64, scratch_operands = 11 : i64, tpu.core_type = #tpu.core_type<sc_vector_subcore>, window_params = [{transform_indices = #map}, {transform_indices = #map}, {transform_indices = #map}, {transform_indices = #map}, {transform_indices = #map}, {transform_indices = #map}, {transform_indices = #map}, {transform_indices = #map}, {transform_indices = #map}, {transform_indices = #map}, {transform_indices = #map}, {transform_indices = #map}, {transform_indices = #map}, {transform_indices = #map}]} {
    %mul3A = arith.constant 640 : i32
    %mul3A_0 = arith.muli %arg1, %mul3A : i32
    %scan3A = arith.constant 0 : i32
    %scan3A_1 = arith.constant 0 : i32
    %scan3A_2 = arith.constant 250 : i32
    %scan3A_3 = arith.addi %scan3A_1, %scan3A_2 : i32
    %scan3A_4 = arith.constant 1 : i32
    scf.for %scan3A_58 = %scan3A_1 to %scan3A_3 step %scan3A_4  : i32 {
      %broadcast_in_dim3A = arith.constant 1.000000e+00 : f32
      %broadcast_in_dim3A_59 = vector.broadcast %broadcast_in_dim3A : f32 to vector<16xf32>
      %swap3A = arith.index_cast %scan3A_58 : i32 to index
      %swap3A_60 = arith.constant 0 : index
      %swap3A_61 = tpu.vector_load %arg22[%swap3A, %swap3A_60] {strides = array<i32>} : memref<250x16xf32, #tpu.memory_space<vmem>>, vector<1x16xf32>,
      %swap3A_62 = vector.shape_cast %swap3A_61 : vector<1x16xf32> to vector<16xf32>
      %swap3A_63 = vector.shape_cast %broadcast_in_dim3A_59 : vector<16xf32> to vector<1x16xf32>
      tpu.vector_store %arg22[%swap3A, %swap3A_60], %swap3A_63 {strides = array<i32>} : memref<250x16xf32, #tpu.memory_space<vmem>>, vector<1x16xf32>,
    }
    %scan3A_5 = arith.constant 250 : i32
    "tpu.region"() ({
      %run_scoped3A = tpu.sem_alloc : memref<!tpu.dma_semaphore, #tpu.memory_space<semaphore_mem>>
      %dma_start3A = arith.constant 0 : i32
      %dma_start3A_58 = tpu.memref_slice %arg23[%mul3A_0, %dma_start3A] : memref<10240x64xf32, #tpu.memory_space<vmem_shared>> -> memref<640x64xf32, #tpu.memory_space<vmem_shared>>
      %dma_start3A_59 = arith.constant 0 : i32
      %dma_start3A_60 = tpu.memref_slice %arg8[%mul3A_0, %dma_start3A_59] : memref<10240x64xf32, #tpu.memory_space<hbm>> -> memref<640x64xf32, #tpu.memory_space<hbm>>
      tpu.enqueue_dma source(%dma_start3A_60 : memref<640x64xf32, #tpu.memory_space<hbm>>) target(%dma_start3A_58 : memref<640x64xf32, #tpu.memory_space<vmem_shared>>) target_semaphore(%run_scoped3A : memref<!tpu.dma_semaphore, #tpu.memory_space<semaphore_mem>>)
      %dma_wait3A = arith.constant 0 : i32
      %dma_wait3A_61 = tpu.memref_slice %arg23[%mul3A_0, %dma_wait3A] : memref<10240x64xf32, #tpu.memory_space<vmem_shared>> -> memref<640x64xf32, #tpu.memory_space<vmem_shared>>
      %dma_wait3A_62 = arith.constant 0 : i32
      %dma_wait3A_63 = tpu.memref_slice %arg8[%mul3A_0, %dma_wait3A_62] : memref<10240x64xf32, #tpu.memory_space<hbm>> -> memref<640x64xf32, #tpu.memory_space<hbm>>
      tpu.wait_dma2 semaphore(%run_scoped3A : memref<!tpu.dma_semaphore, #tpu.memory_space<semaphore_mem>>) src(%dma_wait3A_63 : memref<640x64xf32, #tpu.memory_space<hbm>>) dst(%dma_wait3A_61 : memref<640x64xf32, #tpu.memory_space<vmem_shared>>)
      tpu.yield
    }) : () -> ()
    "tpu.region"() ({
      %run_scoped3A = tpu.sem_alloc : memref<!tpu.dma_semaphore, #tpu.memory_space<semaphore_mem>>
      %dma_start3A = arith.constant 0 : i32
      %dma_start3A_58 = tpu.memref_slice %arg24[%mul3A_0, %dma_start3A] : memref<10240x16xf32, #tpu.memory_space<vmem_shared>> -> memref<640x16xf32, #tpu.memory_space<vmem_shared>>
      %dma_start3A_59 = arith.constant 0 : i32
      %dma_start3A_60 = tpu.memref_slice %arg9[%mul3A_0, %dma_start3A_59] : memref<10240x16xf32, #tpu.memory_space<hbm>> -> memref<640x16xf32, #tpu.memory_space<hbm>>
      tpu.enqueue_dma source(%dma_start3A_60 : memref<640x16xf32, #tpu.memory_space<hbm>>) target(%dma_start3A_58 : memref<640x16xf32, #tpu.memory_space<vmem_shared>>) target_semaphore(%run_scoped3A : memref<!tpu.dma_semaphore, #tpu.memory_space<semaphore_mem>>)
      %dma_wait3A = arith.constant 0 : i32
      %dma_wait3A_61 = tpu.memref_slice %arg24[%mul3A_0, %dma_wait3A] : memref<10240x16xf32, #tpu.memory_space<vmem_shared>> -> memref<640x16xf32, #tpu.memory_space<vmem_shared>>
      %dma_wait3A_62 = arith.constant 0 : i32
      %dma_wait3A_63 = tpu.memref_slice %arg9[%mul3A_0, %dma_wait3A_62] : memref<10240x16xf32, #tpu.memory_space<hbm>> -> memref<640x16xf32, #tpu.memory_space<hbm>>
      tpu.wait_dma2 semaphore(%run_scoped3A : memref<!tpu.dma_semaphore, #tpu.memory_space<semaphore_mem>>) src(%dma_wait3A_63 : memref<640x16xf32, #tpu.memory_space<hbm>>) dst(%dma_wait3A_61 : memref<640x16xf32, #tpu.memory_space<vmem_shared>>)
      tpu.yield
    }) : () -> ()
    %mul3A_6 = arith.constant 40 : i32
    %mul3A_7 = arith.muli %arg1, %mul3A_6 : i32
    "tpu.region"() ({
      %run_scoped3A = tpu.sem_alloc : memref<!tpu.dma_semaphore, #tpu.memory_space<semaphore_mem>>
      %dma_start3A = arith.constant 0 : i32
      %dma_start3A_58 = tpu.memref_slice %arg4[%mul3A_7, %dma_start3A] : memref<640x250xi32, #tpu.memory_space<hbm>> -> memref<40x250xi32, #tpu.memory_space<hbm>>
      %dma_start3A_59 = arith.constant 0 : i32
      %dma_start3A_60 = tpu.memref_slice %arg4[%mul3A_7, %dma_start3A_59] : memref<640x250xi32, #tpu.memory_space<hbm>> -> memref<40x250xi32, #tpu.memory_space<hbm>>
      tpu.enqueue_dma source(%dma_start3A_60 : memref<40x250xi32, #tpu.memory_space<hbm>>) target(%arg16 : memref<40x250xi32, #tpu.memory_space<vmem>>) target_semaphore(%run_scoped3A : memref<!tpu.dma_semaphore, #tpu.memory_space<semaphore_mem>>)
      %dma_wait3A = arith.constant 0 : i32
      %dma_wait3A_61 = tpu.memref_slice %arg4[%mul3A_7, %dma_wait3A] : memref<640x250xi32, #tpu.memory_space<hbm>> -> memref<40x250xi32, #tpu.memory_space<hbm>>
      %dma_wait3A_62 = arith.constant 0 : i32
      %dma_wait3A_63 = tpu.memref_slice %arg4[%mul3A_7, %dma_wait3A_62] : memref<640x250xi32, #tpu.memory_space<hbm>> -> memref<40x250xi32, #tpu.memory_space<hbm>>
      tpu.wait_dma2 semaphore(%run_scoped3A : memref<!tpu.dma_semaphore, #tpu.memory_space<semaphore_mem>>) src(%dma_wait3A_63 : memref<40x250xi32, #tpu.memory_space<hbm>>) dst(%arg16 : memref<40x250xi32, #tpu.memory_space<vmem>>)
      tpu.yield
    }) : () -> ()
    "tpu.region"() ({
      %run_scoped3A = tpu.sem_alloc : memref<!tpu.dma_semaphore, #tpu.memory_space<semaphore_mem>>
      %dma_start3A = arith.constant 0 : i32
      %dma_start3A_58 = tpu.memref_slice %arg5[%mul3A_7, %dma_start3A] : memref<640x250xi32, #tpu.memory_space<hbm>> -> memref<40x250xi32, #tpu.memory_space<hbm>>
      %dma_start3A_59 = arith.constant 0 : i32
      %dma_start3A_60 = tpu.memref_slice %arg5[%mul3A_7, %dma_start3A_59] : memref<640x250xi32, #tpu.memory_space<hbm>> -> memref<40x250xi32, #tpu.memory_space<hbm>>
      tpu.enqueue_dma source(%dma_start3A_60 : memref<40x250xi32, #tpu.memory_space<hbm>>) target(%arg17 : memref<40x250xi32, #tpu.memory_space<vmem>>) target_semaphore(%run_scoped3A : memref<!tpu.dma_semaphore, #tpu.memory_space<semaphore_mem>>)
      %dma_wait3A = arith.constant 0 : i32
      %dma_wait3A_61 = tpu.memref_slice %arg5[%mul3A_7, %dma_wait3A] : memref<640x250xi32, #tpu.memory_space<hbm>> -> memref<40x250xi32, #tpu.memory_space<hbm>>
      %dma_wait3A_62 = arith.constant 0 : i32
      %dma_wait3A_63 = tpu.memref_slice %arg5[%mul3A_7, %dma_wait3A_62] : memref<640x250xi32, #tpu.memory_space<hbm>> -> memref<40x250xi32, #tpu.memory_space<hbm>>
      tpu.wait_dma2 semaphore(%run_scoped3A : memref<!tpu.dma_semaphore, #tpu.memory_space<semaphore_mem>>) src(%dma_wait3A_63 : memref<40x250xi32, #tpu.memory_space<hbm>>) dst(%arg17 : memref<40x250xi32, #tpu.memory_space<vmem>>)
      tpu.yield
    }) : () -> ()
    "tpu.region"() ({
      %run_scoped3A = tpu.sem_alloc : memref<!tpu.dma_semaphore, #tpu.memory_space<semaphore_mem>>
      %dma_start3A = arith.constant 0 : i32
      %dma_start3A_58 = tpu.memref_slice %arg6[%mul3A_7, %dma_start3A] : memref<640x250xi32, #tpu.memory_space<hbm>> -> memref<40x250xi32, #tpu.memory_space<hbm>>
      %dma_start3A_59 = arith.constant 0 : i32
      %dma_start3A_60 = tpu.memref_slice %arg6[%mul3A_7, %dma_start3A_59] : memref<640x250xi32, #tpu.memory_space<hbm>> -> memref<40x250xi32, #tpu.memory_space<hbm>>
      tpu.enqueue_dma source(%dma_start3A_60 : memref<40x250xi32, #tpu.memory_space<hbm>>) target(%arg18 : memref<40x250xi32, #tpu.memory_space<vmem>>) target_semaphore(%run_scoped3A : memref<!tpu.dma_semaphore, #tpu.memory_space<semaphore_mem>>)
      %dma_wait3A = arith.constant 0 : i32
      %dma_wait3A_61 = tpu.memref_slice %arg6[%mul3A_7, %dma_wait3A] : memref<640x250xi32, #tpu.memory_space<hbm>> -> memref<40x250xi32, #tpu.memory_space<hbm>>
      %dma_wait3A_62 = arith.constant 0 : i32
      %dma_wait3A_63 = tpu.memref_slice %arg6[%mul3A_7, %dma_wait3A_62] : memref<640x250xi32, #tpu.memory_space<hbm>> -> memref<40x250xi32, #tpu.memory_space<hbm>>
      tpu.wait_dma2 semaphore(%run_scoped3A : memref<!tpu.dma_semaphore, #tpu.memory_space<semaphore_mem>>) src(%dma_wait3A_63 : memref<40x250xi32, #tpu.memory_space<hbm>>) dst(%arg18 : memref<40x250xi32, #tpu.memory_space<vmem>>)
      tpu.yield
    }) : () -> ()
    "tpu.region"() ({
      %run_scoped3A = tpu.sem_alloc : memref<!tpu.dma_semaphore, #tpu.memory_space<semaphore_mem>>
      %dma_start3A = arith.constant 0 : i32
      %dma_start3A_58 = tpu.memref_slice %arg7[%mul3A_7, %dma_start3A] : memref<640x250xi32, #tpu.memory_space<hbm>> -> memref<40x250xi32, #tpu.memory_space<hbm>>
      %dma_start3A_59 = arith.constant 0 : i32
      %dma_start3A_60 = tpu.memref_slice %arg7[%mul3A_7, %dma_start3A_59] : memref<640x250xi32, #tpu.memory_space<hbm>> -> memref<40x250xi32, #tpu.memory_space<hbm>>
      tpu.enqueue_dma source(%dma_start3A_60 : memref<40x250xi32, #tpu.memory_space<hbm>>) target(%arg19 : memref<40x250xi32, #tpu.memory_space<vmem>>) target_semaphore(%run_scoped3A : memref<!tpu.dma_semaphore, #tpu.memory_space<semaphore_mem>>)
      %dma_wait3A = arith.constant 0 : i32
      %dma_wait3A_61 = tpu.memref_slice %arg7[%mul3A_7, %dma_wait3A] : memref<640x250xi32, #tpu.memory_space<hbm>> -> memref<40x250xi32, #tpu.memory_space<hbm>>
      %dma_wait3A_62 = arith.constant 0 : i32
      %dma_wait3A_63 = tpu.memref_slice %arg7[%mul3A_7, %dma_wait3A_62] : memref<640x250xi32, #tpu.memory_space<hbm>> -> memref<40x250xi32, #tpu.memory_space<hbm>>
      tpu.wait_dma2 semaphore(%run_scoped3A : memref<!tpu.dma_semaphore, #tpu.memory_space<semaphore_mem>>) src(%dma_wait3A_63 : memref<40x250xi32, #tpu.memory_space<hbm>>) dst(%arg19 : memref<40x250xi32, #tpu.memory_space<vmem>>)
      tpu.yield
    }) : () -> ()
    %barrier3A = arith.constant 0 : index
    tpu.barrier barrier_id(%barrier3A)
    %eq3A = arith.constant 0 : i32
    %eq3A_8 = arith.cmpi eq, %arg0, %eq3A : i32
    %convert_element_type3A = arith.extui %eq3A_8 : i1 to i32
    %cond3A = arith.constant 0 : i32
    %cond3A_9 = arith.cmpi ne, %convert_element_type3A, %cond3A : i32
    scf.if %cond3A_9 {
      %dma_start3A = arith.constant 0 : i32
      %dma_start3A_58 = arith.constant 0 : i32
      %dma_start3A_59 = tpu.memref_slice %arg17[%dma_start3A, %dma_start3A_58] : memref<40x250xi32, #tpu.memory_space<vmem>> -> memref<1x250xi32, #tpu.memory_space<vmem>>
      %dma_start3A_60 = tpu.memref_squeeze %dma_start3A_59 : memref<1x250xi32, #tpu.memory_space<vmem>> -> memref<250xi32, #tpu.memory_space<vmem>>
      %dma_start3A_61 = arith.constant 0 : i32
      %dma_start3A_62 = arith.constant 0 : i32
      %dma_start3A_63 = tpu.memref_slice %arg2[%dma_start3A_61, %dma_start3A_62] : memref<10000x64xf32, #tpu.memory_space<hbm>> -> memref<10000x64xf32, #tpu.memory_space<hbm>>
      tpu.enqueue_indirect_dma source(%dma_start3A_63 : memref<10000x64xf32, #tpu.memory_space<hbm>>) target(%arg20 : memref<250x64xf32, #tpu.memory_space<vmem>>) offsets(%dma_start3A_60 : memref<250xi32, #tpu.memory_space<vmem>>) semaphore(%arg25 : memref<!tpu.dma_semaphore, #tpu.memory_space<semaphore_mem>>)
      %dma_start3A_64 = arith.constant 1 : i32
      %dma_start3A_65 = arith.constant 0 : i32
      %dma_start3A_66 = tpu.memref_slice %arg17[%dma_start3A_64, %dma_start3A_65] : memref<40x250xi32, #tpu.memory_space<vmem>> -> memref<1x250xi32, #tpu.memory_space<vmem>>
      %dma_start3A_67 = tpu.memref_squeeze %dma_start3A_66 : memref<1x250xi32, #tpu.memory_space<vmem>> -> memref<250xi32, #tpu.memory_space<vmem>>
      %dma_start3A_68 = arith.constant 0 : i32
      %dma_start3A_69 = arith.constant 0 : i32
      %dma_start3A_70 = tpu.memref_slice %arg2[%dma_start3A_68, %dma_start3A_69] : memref<10000x64xf32, #tpu.memory_space<hbm>> -> memref<10000x64xf32, #tpu.memory_space<hbm>>
      tpu.enqueue_indirect_dma source(%dma_start3A_70 : memref<10000x64xf32, #tpu.memory_space<hbm>>) target(%arg21 : memref<250x64xf32, #tpu.memory_space<vmem>>) offsets(%dma_start3A_67 : memref<250xi32, #tpu.memory_space<vmem>>) semaphore(%arg26 : memref<!tpu.dma_semaphore, #tpu.memory_space<semaphore_mem>>)
      %scan3A_71 = arith.constant 0 : i32
      %scan3A_72 = arith.constant 0 : i32
      %scan3A_73 = arith.constant 20 : i32
      %scan3A_74 = arith.addi %scan3A_72, %scan3A_73 : i32
      %scan3A_75 = arith.constant 1 : i32
      scf.for %scan3A_77 = %scan3A_72 to %scan3A_74 step %scan3A_75  : i32 {
        %mul3A_78 = arith.constant 2 : i32
        %mul3A_79 = arith.muli %mul3A_78, %scan3A_77 : i32
        %add3A = arith.constant 0 : i32
        %add3A_80 = arith.addi %mul3A_79, %add3A : i32
        %dma_wait3A = arith.constant 0 : i32
        %dma_wait3A_81 = tpu.memref_slice %arg17[%add3A_80, %dma_wait3A] : memref<40x250xi32, #tpu.memory_space<vmem>> -> memref<1x250xi32, #tpu.memory_space<vmem>>
        %dma_wait3A_82 = tpu.memref_squeeze %dma_wait3A_81 : memref<1x250xi32, #tpu.memory_space<vmem>> -> memref<250xi32, #tpu.memory_space<vmem>>
        %dma_wait3A_83 = arith.constant 0 : i32
        %dma_wait3A_84 = arith.constant 0 : i32
        %dma_wait3A_85 = tpu.memref_slice %arg2[%dma_wait3A_83, %dma_wait3A_84] : memref<10000x64xf32, #tpu.memory_space<hbm>> -> memref<10000x64xf32, #tpu.memory_space<hbm>>
        tpu.wait_indirect_dma semaphore(%arg25 : memref<!tpu.dma_semaphore, #tpu.memory_space<semaphore_mem>>) src(%dma_wait3A_85 : memref<10000x64xf32, #tpu.memory_space<hbm>>) dst(%arg20 : memref<250x64xf32, #tpu.memory_space<vmem>>)
        "tpu.region"() ({
          %run_scoped3A = tpu.sem_alloc : memref<!tpu.dma_semaphore, #tpu.memory_space<semaphore_mem>>
          %dma_start3A_117 = arith.constant 0 : i32
          %dma_start3A_118 = tpu.memref_slice %arg16[%add3A_80, %dma_start3A_117] : memref<40x250xi32, #tpu.memory_space<vmem>> -> memref<1x250xi32, #tpu.memory_space<vmem>>
          %dma_start3A_119 = tpu.memref_squeeze %dma_start3A_118 : memref<1x250xi32, #tpu.memory_space<vmem>> -> memref<250xi32, #tpu.memory_space<vmem>>
          %dma_start3A_120 = arith.constant 0 : i32
          %dma_start3A_121 = arith.constant 0 : i32
          %dma_start3A_122 = tpu.memref_slice %arg23[%dma_start3A_120, %dma_start3A_121] : memref<10240x64xf32, #tpu.memory_space<vmem_shared>> -> memref<10240x64xf32, #tpu.memory_space<vmem_shared>>
          tpu.enqueue_indirect_dma source(%arg20 : memref<250x64xf32, #tpu.memory_space<vmem>>) target(%dma_start3A_122 : memref<10240x64xf32, #tpu.memory_space<vmem_shared>>) offsets(%dma_start3A_119 : memref<250xi32, #tpu.memory_space<vmem>>) semaphore(%run_scoped3A : memref<!tpu.dma_semaphore, #tpu.memory_space<semaphore_mem>>) {add = true}
          %dma_wait3A_123 = arith.constant 0 : i32
          %dma_wait3A_124 = tpu.memref_slice %arg16[%add3A_80, %dma_wait3A_123] : memref<40x250xi32, #tpu.memory_space<vmem>> -> memref<1x250xi32, #tpu.memory_space<vmem>>
          %dma_wait3A_125 = tpu.memref_squeeze %dma_wait3A_124 : memref<1x250xi32, #tpu.memory_space<vmem>> -> memref<250xi32, #tpu.memory_space<vmem>>
          %dma_wait3A_126 = arith.constant 0 : i32
          %dma_wait3A_127 = arith.constant 0 : i32
          %dma_wait3A_128 = tpu.memref_slice %arg23[%dma_wait3A_126, %dma_wait3A_127] : memref<10240x64xf32, #tpu.memory_space<vmem_shared>> -> memref<10240x64xf32, #tpu.memory_space<vmem_shared>>
          tpu.wait_indirect_dma semaphore(%run_scoped3A : memref<!tpu.dma_semaphore, #tpu.memory_space<semaphore_mem>>) src(%arg20 : memref<250x64xf32, #tpu.memory_space<vmem>>) dst(%dma_wait3A_128 : memref<10240x64xf32, #tpu.memory_space<vmem_shared>>)
          tpu.yield
        }) : () -> ()
        %add3A_86 = arith.constant 1 : i32
        %add3A_87 = arith.addi %scan3A_77, %add3A_86 : i32
        %lt3A = arith.constant 20 : i32
        %lt3A_88 = arith.cmpi slt, %add3A_87, %lt3A : i32
        %convert_element_type3A_89 = arith.extui %lt3A_88 : i1 to i32
        %cond3A_90 = arith.constant 0 : i32
        %cond3A_91 = arith.cmpi ne, %convert_element_type3A_89, %cond3A_90 : i32
        scf.if %cond3A_91 {
          %add3A_117 = arith.constant 2 : i32
          %add3A_118 = arith.addi %add3A_80, %add3A_117 : i32
          %dma_start3A_119 = arith.constant 0 : i32
          %dma_start3A_120 = tpu.memref_slice %arg17[%add3A_118, %dma_start3A_119] : memref<40x250xi32, #tpu.memory_space<vmem>> -> memref<1x250xi32, #tpu.memory_space<vmem>>
          %dma_start3A_121 = tpu.memref_squeeze %dma_start3A_120 : memref<1x250xi32, #tpu.memory_space<vmem>> -> memref<250xi32, #tpu.memory_space<vmem>>
          %dma_start3A_122 = arith.constant 0 : i32
          %dma_start3A_123 = arith.constant 0 : i32
          %dma_start3A_124 = tpu.memref_slice %arg2[%dma_start3A_122, %dma_start3A_123] : memref<10000x64xf32, #tpu.memory_space<hbm>> -> memref<10000x64xf32, #tpu.memory_space<hbm>>
          tpu.enqueue_indirect_dma source(%dma_start3A_124 : memref<10000x64xf32, #tpu.memory_space<hbm>>) target(%arg20 : memref<250x64xf32, #tpu.memory_space<vmem>>) offsets(%dma_start3A_121 : memref<250xi32, #tpu.memory_space<vmem>>) semaphore(%arg25 : memref<!tpu.dma_semaphore, #tpu.memory_space<semaphore_mem>>)
        } else {
        }
        %eq3A_92 = arith.constant 0 : i32
        %eq3A_93 = arith.cmpi eq, %arg0, %eq3A_92 : i32
        %convert_element_type3A_94 = arith.extui %eq3A_93 : i1 to i32
        %cond3A_95 = arith.constant 0 : i32
        %cond3A_96 = arith.cmpi ne, %convert_element_type3A_94, %cond3A_95 : i32
        scf.if %cond3A_96 {
          "tpu.region"() ({
            %run_scoped3A = tpu.sem_alloc : memref<!tpu.dma_semaphore, #tpu.memory_space<semaphore_mem>>
            %dma_start3A_117 = arith.constant 0 : i32
            %dma_start3A_118 = tpu.memref_slice %arg16[%add3A_80, %dma_start3A_117] : memref<40x250xi32, #tpu.memory_space<vmem>> -> memref<1x250xi32, #tpu.memory_space<vmem>>
            %dma_start3A_119 = tpu.memref_squeeze %dma_start3A_118 : memref<1x250xi32, #tpu.memory_space<vmem>> -> memref<250xi32, #tpu.memory_space<vmem>>
            %dma_start3A_120 = arith.constant 0 : i32
            %dma_start3A_121 = arith.constant 0 : i32
            %dma_start3A_122 = tpu.memref_slice %arg24[%dma_start3A_120, %dma_start3A_121] : memref<10240x16xf32, #tpu.memory_space<vmem_shared>> -> memref<10240x16xf32, #tpu.memory_space<vmem_shared>>
            tpu.enqueue_indirect_dma source(%arg22 : memref<250x16xf32, #tpu.memory_space<vmem>>) target(%dma_start3A_122 : memref<10240x16xf32, #tpu.memory_space<vmem_shared>>) offsets(%dma_start3A_119 : memref<250xi32, #tpu.memory_space<vmem>>) semaphore(%run_scoped3A : memref<!tpu.dma_semaphore, #tpu.memory_space<semaphore_mem>>) {add = true}
            %dma_wait3A_123 = arith.constant 0 : i32
            %dma_wait3A_124 = tpu.memref_slice %arg16[%add3A_80, %dma_wait3A_123] : memref<40x250xi32, #tpu.memory_space<vmem>> -> memref<1x250xi32, #tpu.memory_space<vmem>>
            %dma_wait3A_125 = tpu.memref_squeeze %dma_wait3A_124 : memref<1x250xi32, #tpu.memory_space<vmem>> -> memref<250xi32, #tpu.memory_space<vmem>>
            %dma_wait3A_126 = arith.constant 0 : i32
            %dma_wait3A_127 = arith.constant 0 : i32
            %dma_wait3A_128 = tpu.memref_slice %arg24[%dma_wait3A_126, %dma_wait3A_127] : memref<10240x16xf32, #tpu.memory_space<vmem_shared>> -> memref<10240x16xf32, #tpu.memory_space<vmem_shared>>
            tpu.wait_indirect_dma semaphore(%run_scoped3A : memref<!tpu.dma_semaphore, #tpu.memory_space<semaphore_mem>>) src(%arg22 : memref<250x16xf32, #tpu.memory_space<vmem>>) dst(%dma_wait3A_128 : memref<10240x16xf32, #tpu.memory_space<vmem_shared>>)
            tpu.yield
          }) : () -> ()
        } else {
        }
        %add3A_97 = arith.constant 1 : i32
        %add3A_98 = arith.addi %mul3A_79, %add3A_97 : i32
        %dma_wait3A_99 = arith.constant 0 : i32
        %dma_wait3A_100 = tpu.memref_slice %arg17[%add3A_98, %dma_wait3A_99] : memref<40x250xi32, #tpu.memory_space<vmem>> -> memref<1x250xi32, #tpu.memory_space<vmem>>
        %dma_wait3A_101 = tpu.memref_squeeze %dma_wait3A_100 : memref<1x250xi32, #tpu.memory_space<vmem>> -> memref<250xi32, #tpu.memory_space<vmem>>
        %dma_wait3A_102 = arith.constant 0 : i32
        %dma_wait3A_103 = arith.constant 0 : i32
        %dma_wait3A_104 = tpu.memref_slice %arg2[%dma_wait3A_102, %dma_wait3A_103] : memref<10000x64xf32, #tpu.memory_space<hbm>> -> memref<10000x64xf32, #tpu.memory_space<hbm>>
        tpu.wait_indirect_dma semaphore(%arg26 : memref<!tpu.dma_semaphore, #tpu.memory_space<semaphore_mem>>) src(%dma_wait3A_104 : memref<10000x64xf32, #tpu.memory_space<hbm>>) dst(%arg21 : memref<250x64xf32, #tpu.memory_space<vmem>>)
        "tpu.region"() ({
          %run_scoped3A = tpu.sem_alloc : memref<!tpu.dma_semaphore, #tpu.memory_space<semaphore_mem>>
          %dma_start3A_117 = arith.constant 0 : i32
          %dma_start3A_118 = tpu.memref_slice %arg16[%add3A_98, %dma_start3A_117] : memref<40x250xi32, #tpu.memory_space<vmem>> -> memref<1x250xi32, #tpu.memory_space<vmem>>
          %dma_start3A_119 = tpu.memref_squeeze %dma_start3A_118 : memref<1x250xi32, #tpu.memory_space<vmem>> -> memref<250xi32, #tpu.memory_space<vmem>>
          %dma_start3A_120 = arith.constant 0 : i32
          %dma_start3A_121 = arith.constant 0 : i32
          %dma_start3A_122 = tpu.memref_slice %arg23[%dma_start3A_120, %dma_start3A_121] : memref<10240x64xf32, #tpu.memory_space<vmem_shared>> -> memref<10240x64xf32, #tpu.memory_space<vmem_shared>>
          tpu.enqueue_indirect_dma source(%arg21 : memref<250x64xf32, #tpu.memory_space<vmem>>) target(%dma_start3A_122 : memref<10240x64xf32, #tpu.memory_space<vmem_shared>>) offsets(%dma_start3A_119 : memref<250xi32, #tpu.memory_space<vmem>>) semaphore(%run_scoped3A : memref<!tpu.dma_semaphore, #tpu.memory_space<semaphore_mem>>) {add = true}
          %dma_wait3A_123 = arith.constant 0 : i32
          %dma_wait3A_124 = tpu.memref_slice %arg16[%add3A_98, %dma_wait3A_123] : memref<40x250xi32, #tpu.memory_space<vmem>> -> memref<1x250xi32, #tpu.memory_space<vmem>>
          %dma_wait3A_125 = tpu.memref_squeeze %dma_wait3A_124 : memref<1x250xi32, #tpu.memory_space<vmem>> -> memref<250xi32, #tpu.memory_space<vmem>>
          %dma_wait3A_126 = arith.constant 0 : i32
          %dma_wait3A_127 = arith.constant 0 : i32
          %dma_wait3A_128 = tpu.memref_slice %arg23[%dma_wait3A_126, %dma_wait3A_127] : memref<10240x64xf32, #tpu.memory_space<vmem_shared>> -> memref<10240x64xf32, #tpu.memory_space<vmem_shared>>
          tpu.wait_indirect_dma semaphore(%run_scoped3A : memref<!tpu.dma_semaphore, #tpu.memory_space<semaphore_mem>>) src(%arg21 : memref<250x64xf32, #tpu.memory_space<vmem>>) dst(%dma_wait3A_128 : memref<10240x64xf32, #tpu.memory_space<vmem_shared>>)
          tpu.yield
        }) : () -> ()
        %add3A_105 = arith.constant 1 : i32
        %add3A_106 = arith.addi %scan3A_77, %add3A_105 : i32
        %lt3A_107 = arith.constant 20 : i32
        %lt3A_108 = arith.cmpi slt, %add3A_106, %lt3A_107 : i32
        %convert_element_type3A_109 = arith.extui %lt3A_108 : i1 to i32
        %cond3A_110 = arith.constant 0 : i32
        %cond3A_111 = arith.cmpi ne, %convert_element_type3A_109, %cond3A_110 : i32
        scf.if %cond3A_111 {
          %add3A_117 = arith.constant 2 : i32
          %add3A_118 = arith.addi %add3A_98, %add3A_117 : i32
          %dma_start3A_119 = arith.constant 0 : i32
          %dma_start3A_120 = tpu.memref_slice %arg17[%add3A_118, %dma_start3A_119] : memref<40x250xi32, #tpu.memory_space<vmem>> -> memref<1x250xi32, #tpu.memory_space<vmem>>
          %dma_start3A_121 = tpu.memref_squeeze %dma_start3A_120 : memref<1x250xi32, #tpu.memory_space<vmem>> -> memref<250xi32, #tpu.memory_space<vmem>>
          %dma_start3A_122 = arith.constant 0 : i32
          %dma_start3A_123 = arith.constant 0 : i32
          %dma_start3A_124 = tpu.memref_slice %arg2[%dma_start3A_122, %dma_start3A_123] : memref<10000x64xf32, #tpu.memory_space<hbm>> -> memref<10000x64xf32, #tpu.memory_space<hbm>>
          tpu.enqueue_indirect_dma source(%dma_start3A_124 : memref<10000x64xf32, #tpu.memory_space<hbm>>) target(%arg21 : memref<250x64xf32, #tpu.memory_space<vmem>>) offsets(%dma_start3A_121 : memref<250xi32, #tpu.memory_space<vmem>>) semaphore(%arg26 : memref<!tpu.dma_semaphore, #tpu.memory_space<semaphore_mem>>)
        } else {
        }
        %eq3A_112 = arith.constant 0 : i32
        %eq3A_113 = arith.cmpi eq, %arg0, %eq3A_112 : i32
        %convert_element_type3A_114 = arith.extui %eq3A_113 : i1 to i32
        %cond3A_115 = arith.constant 0 : i32
        %cond3A_116 = arith.cmpi ne, %convert_element_type3A_114, %cond3A_115 : i32
        scf.if %cond3A_116 {
          "tpu.region"() ({
            %run_scoped3A = tpu.sem_alloc : memref<!tpu.dma_semaphore, #tpu.memory_space<semaphore_mem>>
            %dma_start3A_117 = arith.constant 0 : i32
            %dma_start3A_118 = tpu.memref_slice %arg16[%add3A_98, %dma_start3A_117] : memref<40x250xi32, #tpu.memory_space<vmem>> -> memref<1x250xi32, #tpu.memory_space<vmem>>
            %dma_start3A_119 = tpu.memref_squeeze %dma_start3A_118 : memref<1x250xi32, #tpu.memory_space<vmem>> -> memref<250xi32, #tpu.memory_space<vmem>>
            %dma_start3A_120 = arith.constant 0 : i32
            %dma_start3A_121 = arith.constant 0 : i32
            %dma_start3A_122 = tpu.memref_slice %arg24[%dma_start3A_120, %dma_start3A_121] : memref<10240x16xf32, #tpu.memory_space<vmem_shared>> -> memref<10240x16xf32, #tpu.memory_space<vmem_shared>>
            tpu.enqueue_indirect_dma source(%arg22 : memref<250x16xf32, #tpu.memory_space<vmem>>) target(%dma_start3A_122 : memref<10240x16xf32, #tpu.memory_space<vmem_shared>>) offsets(%dma_start3A_119 : memref<250xi32, #tpu.memory_space<vmem>>) semaphore(%run_scoped3A : memref<!tpu.dma_semaphore, #tpu.memory_space<semaphore_mem>>) {add = true}
            %dma_wait3A_123 = arith.constant 0 : i32
            %dma_wait3A_124 = tpu.memref_slice %arg16[%add3A_98, %dma_wait3A_123] : memref<40x250xi32, #tpu.memory_space<vmem>> -> memref<1x250xi32, #tpu.memory_space<vmem>>
            %dma_wait3A_125 = tpu.memref_squeeze %dma_wait3A_124 : memref<1x250xi32, #tpu.memory_space<vmem>> -> memref<250xi32, #tpu.memory_space<vmem>>
            %dma_wait3A_126 = arith.constant 0 : i32
            %dma_wait3A_127 = arith.constant 0 : i32
            %dma_wait3A_128 = tpu.memref_slice %arg24[%dma_wait3A_126, %dma_wait3A_127] : memref<10240x16xf32, #tpu.memory_space<vmem_shared>> -> memref<10240x16xf32, #tpu.memory_space<vmem_shared>>
            tpu.wait_indirect_dma semaphore(%run_scoped3A : memref<!tpu.dma_semaphore, #tpu.memory_space<semaphore_mem>>) src(%arg22 : memref<250x16xf32, #tpu.memory_space<vmem>>) dst(%dma_wait3A_128 : memref<10240x16xf32, #tpu.memory_space<vmem_shared>>)
            tpu.yield
          }) : () -> ()
        } else {
        }
      }
      %scan3A_76 = arith.constant 20 : i32
    } else {
    }
    %eq3A_10 = arith.constant 1 : i32
    %eq3A_11 = arith.cmpi eq, %arg0, %eq3A_10 : i32
    %convert_element_type3A_12 = arith.extui %eq3A_11 : i1 to i32
    %cond3A_13 = arith.constant 0 : i32
    %cond3A_14 = arith.cmpi ne, %convert_element_type3A_12, %cond3A_13 : i32
    scf.if %cond3A_14 {
      %dma_start3A = arith.constant 0 : i32
      %dma_start3A_58 = arith.constant 0 : i32
      %dma_start3A_59 = tpu.memref_slice %arg17[%dma_start3A, %dma_start3A_58] : memref<40x250xi32, #tpu.memory_space<vmem>> -> memref<1x250xi32, #tpu.memory_space<vmem>>
      %dma_start3A_60 = tpu.memref_squeeze %dma_start3A_59 : memref<1x250xi32, #tpu.memory_space<vmem>> -> memref<250xi32, #tpu.memory_space<vmem>>
      %dma_start3A_61 = arith.constant 0 : i32
      %dma_start3A_62 = arith.constant 0 : i32
      %dma_start3A_63 = tpu.memref_slice %arg3[%dma_start3A_61, %dma_start3A_62] : memref<10000x64xf32, #tpu.memory_space<hbm>> -> memref<10000x64xf32, #tpu.memory_space<hbm>>
      tpu.enqueue_indirect_dma source(%dma_start3A_63 : memref<10000x64xf32, #tpu.memory_space<hbm>>) target(%arg20 : memref<250x64xf32, #tpu.memory_space<vmem>>) offsets(%dma_start3A_60 : memref<250xi32, #tpu.memory_space<vmem>>) semaphore(%arg25 : memref<!tpu.dma_semaphore, #tpu.memory_space<semaphore_mem>>)
      %dma_start3A_64 = arith.constant 1 : i32
      %dma_start3A_65 = arith.constant 0 : i32
      %dma_start3A_66 = tpu.memref_slice %arg17[%dma_start3A_64, %dma_start3A_65] : memref<40x250xi32, #tpu.memory_space<vmem>> -> memref<1x250xi32, #tpu.memory_space<vmem>>
      %dma_start3A_67 = tpu.memref_squeeze %dma_start3A_66 : memref<1x250xi32, #tpu.memory_space<vmem>> -> memref<250xi32, #tpu.memory_space<vmem>>
      %dma_start3A_68 = arith.constant 0 : i32
      %dma_start3A_69 = arith.constant 0 : i32
      %dma_start3A_70 = tpu.memref_slice %arg3[%dma_start3A_68, %dma_start3A_69] : memref<10000x64xf32, #tpu.memory_space<hbm>> -> memref<10000x64xf32, #tpu.memory_space<hbm>>
      tpu.enqueue_indirect_dma source(%dma_start3A_70 : memref<10000x64xf32, #tpu.memory_space<hbm>>) target(%arg21 : memref<250x64xf32, #tpu.memory_space<vmem>>) offsets(%dma_start3A_67 : memref<250xi32, #tpu.memory_space<vmem>>) semaphore(%arg26 : memref<!tpu.dma_semaphore, #tpu.memory_space<semaphore_mem>>)
      %scan3A_71 = arith.constant 0 : i32
      %scan3A_72 = arith.constant 0 : i32
      %scan3A_73 = arith.constant 20 : i32
      %scan3A_74 = arith.addi %scan3A_72, %scan3A_73 : i32
      %scan3A_75 = arith.constant 1 : i32
      scf.for %scan3A_77 = %scan3A_72 to %scan3A_74 step %scan3A_75  : i32 {
        %mul3A_78 = arith.constant 2 : i32
        %mul3A_79 = arith.muli %mul3A_78, %scan3A_77 : i32
        %add3A = arith.constant 0 : i32
        %add3A_80 = arith.addi %mul3A_79, %add3A : i32
        %dma_wait3A = arith.constant 0 : i32
        %dma_wait3A_81 = tpu.memref_slice %arg17[%add3A_80, %dma_wait3A] : memref<40x250xi32, #tpu.memory_space<vmem>> -> memref<1x250xi32, #tpu.memory_space<vmem>>
        %dma_wait3A_82 = tpu.memref_squeeze %dma_wait3A_81 : memref<1x250xi32, #tpu.memory_space<vmem>> -> memref<250xi32, #tpu.memory_space<vmem>>
        %dma_wait3A_83 = arith.constant 0 : i32
        %dma_wait3A_84 = arith.constant 0 : i32
        %dma_wait3A_85 = tpu.memref_slice %arg3[%dma_wait3A_83, %dma_wait3A_84] : memref<10000x64xf32, #tpu.memory_space<hbm>> -> memref<10000x64xf32, #tpu.memory_space<hbm>>
        tpu.wait_indirect_dma semaphore(%arg25 : memref<!tpu.dma_semaphore, #tpu.memory_space<semaphore_mem>>) src(%dma_wait3A_85 : memref<10000x64xf32, #tpu.memory_space<hbm>>) dst(%arg20 : memref<250x64xf32, #tpu.memory_space<vmem>>)
        "tpu.region"() ({
          %run_scoped3A = tpu.sem_alloc : memref<!tpu.dma_semaphore, #tpu.memory_space<semaphore_mem>>
          %dma_start3A_117 = arith.constant 0 : i32
          %dma_start3A_118 = tpu.memref_slice %arg16[%add3A_80, %dma_start3A_117] : memref<40x250xi32, #tpu.memory_space<vmem>> -> memref<1x250xi32, #tpu.memory_space<vmem>>
          %dma_start3A_119 = tpu.memref_squeeze %dma_start3A_118 : memref<1x250xi32, #tpu.memory_space<vmem>> -> memref<250xi32, #tpu.memory_space<vmem>>
          %dma_start3A_120 = arith.constant 0 : i32
          %dma_start3A_121 = arith.constant 0 : i32
          %dma_start3A_122 = tpu.memref_slice %arg23[%dma_start3A_120, %dma_start3A_121] : memref<10240x64xf32, #tpu.memory_space<vmem_shared>> -> memref<10240x64xf32, #tpu.memory_space<vmem_shared>>
          tpu.enqueue_indirect_dma source(%arg20 : memref<250x64xf32, #tpu.memory_space<vmem>>) target(%dma_start3A_122 : memref<10240x64xf32, #tpu.memory_space<vmem_shared>>) offsets(%dma_start3A_119 : memref<250xi32, #tpu.memory_space<vmem>>) semaphore(%run_scoped3A : memref<!tpu.dma_semaphore, #tpu.memory_space<semaphore_mem>>) {add = true}
          %dma_wait3A_123 = arith.constant 0 : i32
          %dma_wait3A_124 = tpu.memref_slice %arg16[%add3A_80, %dma_wait3A_123] : memref<40x250xi32, #tpu.memory_space<vmem>> -> memref<1x250xi32, #tpu.memory_space<vmem>>
          %dma_wait3A_125 = tpu.memref_squeeze %dma_wait3A_124 : memref<1x250xi32, #tpu.memory_space<vmem>> -> memref<250xi32, #tpu.memory_space<vmem>>
          %dma_wait3A_126 = arith.constant 0 : i32
          %dma_wait3A_127 = arith.constant 0 : i32
          %dma_wait3A_128 = tpu.memref_slice %arg23[%dma_wait3A_126, %dma_wait3A_127] : memref<10240x64xf32, #tpu.memory_space<vmem_shared>> -> memref<10240x64xf32, #tpu.memory_space<vmem_shared>>
          tpu.wait_indirect_dma semaphore(%run_scoped3A : memref<!tpu.dma_semaphore, #tpu.memory_space<semaphore_mem>>) src(%arg20 : memref<250x64xf32, #tpu.memory_space<vmem>>) dst(%dma_wait3A_128 : memref<10240x64xf32, #tpu.memory_space<vmem_shared>>)
          tpu.yield
        }) : () -> ()
        %add3A_86 = arith.constant 1 : i32
        %add3A_87 = arith.addi %scan3A_77, %add3A_86 : i32
        %lt3A = arith.constant 20 : i32
        %lt3A_88 = arith.cmpi slt, %add3A_87, %lt3A : i32
        %convert_element_type3A_89 = arith.extui %lt3A_88 : i1 to i32
        %cond3A_90 = arith.constant 0 : i32
        %cond3A_91 = arith.cmpi ne, %convert_element_type3A_89, %cond3A_90 : i32
        scf.if %cond3A_91 {
          %add3A_117 = arith.constant 2 : i32
          %add3A_118 = arith.addi %add3A_80, %add3A_117 : i32
          %dma_start3A_119 = arith.constant 0 : i32
          %dma_start3A_120 = tpu.memref_slice %arg17[%add3A_118, %dma_start3A_119] : memref<40x250xi32, #tpu.memory_space<vmem>> -> memref<1x250xi32, #tpu.memory_space<vmem>>
          %dma_start3A_121 = tpu.memref_squeeze %dma_start3A_120 : memref<1x250xi32, #tpu.memory_space<vmem>> -> memref<250xi32, #tpu.memory_space<vmem>>
          %dma_start3A_122 = arith.constant 0 : i32
          %dma_start3A_123 = arith.constant 0 : i32
          %dma_start3A_124 = tpu.memref_slice %arg3[%dma_start3A_122, %dma_start3A_123] : memref<10000x64xf32, #tpu.memory_space<hbm>> -> memref<10000x64xf32, #tpu.memory_space<hbm>>
          tpu.enqueue_indirect_dma source(%dma_start3A_124 : memref<10000x64xf32, #tpu.memory_space<hbm>>) target(%arg20 : memref<250x64xf32, #tpu.memory_space<vmem>>) offsets(%dma_start3A_121 : memref<250xi32, #tpu.memory_space<vmem>>) semaphore(%arg25 : memref<!tpu.dma_semaphore, #tpu.memory_space<semaphore_mem>>)
        } else {
        }
        %eq3A_92 = arith.constant 0 : i32
        %eq3A_93 = arith.cmpi eq, %arg0, %eq3A_92 : i32
        %convert_element_type3A_94 = arith.extui %eq3A_93 : i1 to i32
        %cond3A_95 = arith.constant 0 : i32
        %cond3A_96 = arith.cmpi ne, %convert_element_type3A_94, %cond3A_95 : i32
        scf.if %cond3A_96 {
          "tpu.region"() ({
            %run_scoped3A = tpu.sem_alloc : memref<!tpu.dma_semaphore, #tpu.memory_space<semaphore_mem>>
            %dma_start3A_117 = arith.constant 0 : i32
            %dma_start3A_118 = tpu.memref_slice %arg16[%add3A_80, %dma_start3A_117] : memref<40x250xi32, #tpu.memory_space<vmem>> -> memref<1x250xi32, #tpu.memory_space<vmem>>
            %dma_start3A_119 = tpu.memref_squeeze %dma_start3A_118 : memref<1x250xi32, #tpu.memory_space<vmem>> -> memref<250xi32, #tpu.memory_space<vmem>>
            %dma_start3A_120 = arith.constant 0 : i32
            %dma_start3A_121 = arith.constant 0 : i32
            %dma_start3A_122 = tpu.memref_slice %arg24[%dma_start3A_120, %dma_start3A_121] : memref<10240x16xf32, #tpu.memory_space<vmem_shared>> -> memref<10240x16xf32, #tpu.memory_space<vmem_shared>>
            tpu.enqueue_indirect_dma source(%arg22 : memref<250x16xf32, #tpu.memory_space<vmem>>) target(%dma_start3A_122 : memref<10240x16xf32, #tpu.memory_space<vmem_shared>>) offsets(%dma_start3A_119 : memref<250xi32, #tpu.memory_space<vmem>>) semaphore(%run_scoped3A : memref<!tpu.dma_semaphore, #tpu.memory_space<semaphore_mem>>) {add = true}
            %dma_wait3A_123 = arith.constant 0 : i32
            %dma_wait3A_124 = tpu.memref_slice %arg16[%add3A_80, %dma_wait3A_123] : memref<40x250xi32, #tpu.memory_space<vmem>> -> memref<1x250xi32, #tpu.memory_space<vmem>>
            %dma_wait3A_125 = tpu.memref_squeeze %dma_wait3A_124 : memref<1x250xi32, #tpu.memory_space<vmem>> -> memref<250xi32, #tpu.memory_space<vmem>>
            %dma_wait3A_126 = arith.constant 0 : i32
            %dma_wait3A_127 = arith.constant 0 : i32
            %dma_wait3A_128 = tpu.memref_slice %arg24[%dma_wait3A_126, %dma_wait3A_127] : memref<10240x16xf32, #tpu.memory_space<vmem_shared>> -> memref<10240x16xf32, #tpu.memory_space<vmem_shared>>
            tpu.wait_indirect_dma semaphore(%run_scoped3A : memref<!tpu.dma_semaphore, #tpu.memory_space<semaphore_mem>>) src(%arg22 : memref<250x16xf32, #tpu.memory_space<vmem>>) dst(%dma_wait3A_128 : memref<10240x16xf32, #tpu.memory_space<vmem_shared>>)
            tpu.yield
          }) : () -> ()
        } else {
        }
        %add3A_97 = arith.constant 1 : i32
        %add3A_98 = arith.addi %mul3A_79, %add3A_97 : i32
        %dma_wait3A_99 = arith.constant 0 : i32
        %dma_wait3A_100 = tpu.memref_slice %arg17[%add3A_98, %dma_wait3A_99] : memref<40x250xi32, #tpu.memory_space<vmem>> -> memref<1x250xi32, #tpu.memory_space<vmem>>
        %dma_wait3A_101 = tpu.memref_squeeze %dma_wait3A_100 : memref<1x250xi32, #tpu.memory_space<vmem>> -> memref<250xi32, #tpu.memory_space<vmem>>
        %dma_wait3A_102 = arith.constant 0 : i32
        %dma_wait3A_103 = arith.constant 0 : i32
        %dma_wait3A_104 = tpu.memref_slice %arg3[%dma_wait3A_102, %dma_wait3A_103] : memref<10000x64xf32, #tpu.memory_space<hbm>> -> memref<10000x64xf32, #tpu.memory_space<hbm>>
        tpu.wait_indirect_dma semaphore(%arg26 : memref<!tpu.dma_semaphore, #tpu.memory_space<semaphore_mem>>) src(%dma_wait3A_104 : memref<10000x64xf32, #tpu.memory_space<hbm>>) dst(%arg21 : memref<250x64xf32, #tpu.memory_space<vmem>>)
        "tpu.region"() ({
          %run_scoped3A = tpu.sem_alloc : memref<!tpu.dma_semaphore, #tpu.memory_space<semaphore_mem>>
          %dma_start3A_117 = arith.constant 0 : i32
          %dma_start3A_118 = tpu.memref_slice %arg16[%add3A_98, %dma_start3A_117] : memref<40x250xi32, #tpu.memory_space<vmem>> -> memref<1x250xi32, #tpu.memory_space<vmem>>
          %dma_start3A_119 = tpu.memref_squeeze %dma_start3A_118 : memref<1x250xi32, #tpu.memory_space<vmem>> -> memref<250xi32, #tpu.memory_space<vmem>>
          %dma_start3A_120 = arith.constant 0 : i32
          %dma_start3A_121 = arith.constant 0 : i32
          %dma_start3A_122 = tpu.memref_slice %arg23[%dma_start3A_120, %dma_start3A_121] : memref<10240x64xf32, #tpu.memory_space<vmem_shared>> -> memref<10240x64xf32, #tpu.memory_space<vmem_shared>>
          tpu.enqueue_indirect_dma source(%arg21 : memref<250x64xf32, #tpu.memory_space<vmem>>) target(%dma_start3A_122 : memref<10240x64xf32, #tpu.memory_space<vmem_shared>>) offsets(%dma_start3A_119 : memref<250xi32, #tpu.memory_space<vmem>>) semaphore(%run_scoped3A : memref<!tpu.dma_semaphore, #tpu.memory_space<semaphore_mem>>) {add = true}
          %dma_wait3A_123 = arith.constant 0 : i32
          %dma_wait3A_124 = tpu.memref_slice %arg16[%add3A_98, %dma_wait3A_123] : memref<40x250xi32, #tpu.memory_space<vmem>> -> memref<1x250xi32, #tpu.memory_space<vmem>>
          %dma_wait3A_125 = tpu.memref_squeeze %dma_wait3A_124 : memref<1x250xi32, #tpu.memory_space<vmem>> -> memref<250xi32, #tpu.memory_space<vmem>>
          %dma_wait3A_126 = arith.constant 0 : i32
          %dma_wait3A_127 = arith.constant 0 : i32
          %dma_wait3A_128 = tpu.memref_slice %arg23[%dma_wait3A_126, %dma_wait3A_127] : memref<10240x64xf32, #tpu.memory_space<vmem_shared>> -> memref<10240x64xf32, #tpu.memory_space<vmem_shared>>
          tpu.wait_indirect_dma semaphore(%run_scoped3A : memref<!tpu.dma_semaphore, #tpu.memory_space<semaphore_mem>>) src(%arg21 : memref<250x64xf32, #tpu.memory_space<vmem>>) dst(%dma_wait3A_128 : memref<10240x64xf32, #tpu.memory_space<vmem_shared>>)
          tpu.yield
        }) : () -> ()
        %add3A_105 = arith.constant 1 : i32
        %add3A_106 = arith.addi %scan3A_77, %add3A_105 : i32
        %lt3A_107 = arith.constant 20 : i32
        %lt3A_108 = arith.cmpi slt, %add3A_106, %lt3A_107 : i32
        %convert_element_type3A_109 = arith.extui %lt3A_108 : i1 to i32
        %cond3A_110 = arith.constant 0 : i32
        %cond3A_111 = arith.cmpi ne, %convert_element_type3A_109, %cond3A_110 : i32
        scf.if %cond3A_111 {
          %add3A_117 = arith.constant 2 : i32
          %add3A_118 = arith.addi %add3A_98, %add3A_117 : i32
          %dma_start3A_119 = arith.constant 0 : i32
          %dma_start3A_120 = tpu.memref_slice %arg17[%add3A_118, %dma_start3A_119] : memref<40x250xi32, #tpu.memory_space<vmem>> -> memref<1x250xi32, #tpu.memory_space<vmem>>
          %dma_start3A_121 = tpu.memref_squeeze %dma_start3A_120 : memref<1x250xi32, #tpu.memory_space<vmem>> -> memref<250xi32, #tpu.memory_space<vmem>>
          %dma_start3A_122 = arith.constant 0 : i32
          %dma_start3A_123 = arith.constant 0 : i32
          %dma_start3A_124 = tpu.memref_slice %arg3[%dma_start3A_122, %dma_start3A_123] : memref<10000x64xf32, #tpu.memory_space<hbm>> -> memref<10000x64xf32, #tpu.memory_space<hbm>>
          tpu.enqueue_indirect_dma source(%dma_start3A_124 : memref<10000x64xf32, #tpu.memory_space<hbm>>) target(%arg21 : memref<250x64xf32, #tpu.memory_space<vmem>>) offsets(%dma_start3A_121 : memref<250xi32, #tpu.memory_space<vmem>>) semaphore(%arg26 : memref<!tpu.dma_semaphore, #tpu.memory_space<semaphore_mem>>)
        } else {
        }
        %eq3A_112 = arith.constant 0 : i32
        %eq3A_113 = arith.cmpi eq, %arg0, %eq3A_112 : i32
        %convert_element_type3A_114 = arith.extui %eq3A_113 : i1 to i32
        %cond3A_115 = arith.constant 0 : i32
        %cond3A_116 = arith.cmpi ne, %convert_element_type3A_114, %cond3A_115 : i32
        scf.if %cond3A_116 {
          "tpu.region"() ({
            %run_scoped3A = tpu.sem_alloc : memref<!tpu.dma_semaphore, #tpu.memory_space<semaphore_mem>>
            %dma_start3A_117 = arith.constant 0 : i32
            %dma_start3A_118 = tpu.memref_slice %arg16[%add3A_98, %dma_start3A_117] : memref<40x250xi32, #tpu.memory_space<vmem>> -> memref<1x250xi32, #tpu.memory_space<vmem>>
            %dma_start3A_119 = tpu.memref_squeeze %dma_start3A_118 : memref<1x250xi32, #tpu.memory_space<vmem>> -> memref<250xi32, #tpu.memory_space<vmem>>
            %dma_start3A_120 = arith.constant 0 : i32
            %dma_start3A_121 = arith.constant 0 : i32
            %dma_start3A_122 = tpu.memref_slice %arg24[%dma_start3A_120, %dma_start3A_121] : memref<10240x16xf32, #tpu.memory_space<vmem_shared>> -> memref<10240x16xf32, #tpu.memory_space<vmem_shared>>
            tpu.enqueue_indirect_dma source(%arg22 : memref<250x16xf32, #tpu.memory_space<vmem>>) target(%dma_start3A_122 : memref<10240x16xf32, #tpu.memory_space<vmem_shared>>) offsets(%dma_start3A_119 : memref<250xi32, #tpu.memory_space<vmem>>) semaphore(%run_scoped3A : memref<!tpu.dma_semaphore, #tpu.memory_space<semaphore_mem>>) {add = true}
            %dma_wait3A_123 = arith.constant 0 : i32
            %dma_wait3A_124 = tpu.memref_slice %arg16[%add3A_98, %dma_wait3A_123] : memref<40x250xi32, #tpu.memory_space<vmem>> -> memref<1x250xi32, #tpu.memory_space<vmem>>
            %dma_wait3A_125 = tpu.memref_squeeze %dma_wait3A_124 : memref<1x250xi32, #tpu.memory_space<vmem>> -> memref<250xi32, #tpu.memory_space<vmem>>
            %dma_wait3A_126 = arith.constant 0 : i32
            %dma_wait3A_127 = arith.constant 0 : i32
            %dma_wait3A_128 = tpu.memref_slice %arg24[%dma_wait3A_126, %dma_wait3A_127] : memref<10240x16xf32, #tpu.memory_space<vmem_shared>> -> memref<10240x16xf32, #tpu.memory_space<vmem_shared>>
            tpu.wait_indirect_dma semaphore(%run_scoped3A : memref<!tpu.dma_semaphore, #tpu.memory_space<semaphore_mem>>) src(%arg22 : memref<250x16xf32, #tpu.memory_space<vmem>>) dst(%dma_wait3A_128 : memref<10240x16xf32, #tpu.memory_space<vmem_shared>>)
            tpu.yield
          }) : () -> ()
        } else {
        }
      }
      %scan3A_76 = arith.constant 20 : i32
    } else {
    }
    %barrier3A_15 = arith.constant 0 : index
    tpu.barrier barrier_id(%barrier3A_15)
    %eq3A_16 = arith.constant 0 : i32
    %eq3A_17 = arith.cmpi eq, %arg0, %eq3A_16 : i32
    %convert_element_type3A_18 = arith.extui %eq3A_17 : i1 to i32
    %cond3A_19 = arith.constant 0 : i32
    %cond3A_20 = arith.cmpi ne, %convert_element_type3A_18, %cond3A_19 : i32
    scf.if %cond3A_20 {
      "tpu.region"() ({
        %run_scoped3A = tpu.sem_alloc : memref<!tpu.dma_semaphore, #tpu.memory_space<semaphore_mem>>
        %dma_start3A = arith.constant 0 : i32
        %dma_start3A_58 = tpu.memref_slice %arg10[%mul3A_0, %dma_start3A] : memref<10240x64xf32, #tpu.memory_space<hbm>> -> memref<640x64xf32, #tpu.memory_space<hbm>>
        %dma_start3A_59 = arith.constant 0 : i32
        %dma_start3A_60 = tpu.memref_slice %arg23[%mul3A_0, %dma_start3A_59] : memref<10240x64xf32, #tpu.memory_space<vmem_shared>> -> memref<640x64xf32, #tpu.memory_space<vmem_shared>>
        tpu.enqueue_dma source(%dma_start3A_60 : memref<640x64xf32, #tpu.memory_space<vmem_shared>>) target(%dma_start3A_58 : memref<640x64xf32, #tpu.memory_space<hbm>>) target_semaphore(%run_scoped3A : memref<!tpu.dma_semaphore, #tpu.memory_space<semaphore_mem>>)
        %dma_wait3A = arith.constant 0 : i32
        %dma_wait3A_61 = tpu.memref_slice %arg10[%mul3A_0, %dma_wait3A] : memref<10240x64xf32, #tpu.memory_space<hbm>> -> memref<640x64xf32, #tpu.memory_space<hbm>>
        %dma_wait3A_62 = arith.constant 0 : i32
        %dma_wait3A_63 = tpu.memref_slice %arg23[%mul3A_0, %dma_wait3A_62] : memref<10240x64xf32, #tpu.memory_space<vmem_shared>> -> memref<640x64xf32, #tpu.memory_space<vmem_shared>>
        tpu.wait_dma2 semaphore(%run_scoped3A : memref<!tpu.dma_semaphore, #tpu.memory_space<semaphore_mem>>) src(%dma_wait3A_63 : memref<640x64xf32, #tpu.memory_space<vmem_shared>>) dst(%dma_wait3A_61 : memref<640x64xf32, #tpu.memory_space<hbm>>)
        tpu.yield
      }) : () -> ()
    } else {
    }
    %eq3A_21 = arith.constant 1 : i32
    %eq3A_22 = arith.cmpi eq, %arg0, %eq3A_21 : i32
    %convert_element_type3A_23 = arith.extui %eq3A_22 : i1 to i32
    %cond3A_24 = arith.constant 0 : i32
    %cond3A_25 = arith.cmpi ne, %convert_element_type3A_23, %cond3A_24 : i32
    scf.if %cond3A_25 {
      "tpu.region"() ({
        %run_scoped3A = tpu.sem_alloc : memref<!tpu.dma_semaphore, #tpu.memory_space<semaphore_mem>>
        %dma_start3A = arith.constant 0 : i32
        %dma_start3A_58 = tpu.memref_slice %arg11[%mul3A_0, %dma_start3A] : memref<10240x64xf32, #tpu.memory_space<hbm>> -> memref<640x64xf32, #tpu.memory_space<hbm>>
        %dma_start3A_59 = arith.constant 0 : i32
        %dma_start3A_60 = tpu.memref_slice %arg23[%mul3A_0, %dma_start3A_59] : memref<10240x64xf32, #tpu.memory_space<vmem_shared>> -> memref<640x64xf32, #tpu.memory_space<vmem_shared>>
        tpu.enqueue_dma source(%dma_start3A_60 : memref<640x64xf32, #tpu.memory_space<vmem_shared>>) target(%dma_start3A_58 : memref<640x64xf32, #tpu.memory_space<hbm>>) target_semaphore(%run_scoped3A : memref<!tpu.dma_semaphore, #tpu.memory_space<semaphore_mem>>)
        %dma_wait3A = arith.constant 0 : i32
        %dma_wait3A_61 = tpu.memref_slice %arg11[%mul3A_0, %dma_wait3A] : memref<10240x64xf32, #tpu.memory_space<hbm>> -> memref<640x64xf32, #tpu.memory_space<hbm>>
        %dma_wait3A_62 = arith.constant 0 : i32
        %dma_wait3A_63 = tpu.memref_slice %arg23[%mul3A_0, %dma_wait3A_62] : memref<10240x64xf32, #tpu.memory_space<vmem_shared>> -> memref<640x64xf32, #tpu.memory_space<vmem_shared>>
        tpu.wait_dma2 semaphore(%run_scoped3A : memref<!tpu.dma_semaphore, #tpu.memory_space<semaphore_mem>>) src(%dma_wait3A_63 : memref<640x64xf32, #tpu.memory_space<vmem_shared>>) dst(%dma_wait3A_61 : memref<640x64xf32, #tpu.memory_space<hbm>>)
        tpu.yield
      }) : () -> ()
    } else {
    }
    "tpu.region"() ({
      %run_scoped3A = tpu.sem_alloc : memref<!tpu.dma_semaphore, #tpu.memory_space<semaphore_mem>>
      %dma_start3A = arith.constant 0 : i32
      %dma_start3A_58 = tpu.memref_slice %arg23[%mul3A_0, %dma_start3A] : memref<10240x64xf32, #tpu.memory_space<vmem_shared>> -> memref<640x64xf32, #tpu.memory_space<vmem_shared>>
      %dma_start3A_59 = arith.constant 0 : i32
      %dma_start3A_60 = tpu.memref_slice %arg8[%mul3A_0, %dma_start3A_59] : memref<10240x64xf32, #tpu.memory_space<hbm>> -> memref<640x64xf32, #tpu.memory_space<hbm>>
      tpu.enqueue_dma source(%dma_start3A_60 : memref<640x64xf32, #tpu.memory_space<hbm>>) target(%dma_start3A_58 : memref<640x64xf32, #tpu.memory_space<vmem_shared>>) target_semaphore(%run_scoped3A : memref<!tpu.dma_semaphore, #tpu.memory_space<semaphore_mem>>)
      %dma_wait3A = arith.constant 0 : i32
      %dma_wait3A_61 = tpu.memref_slice %arg23[%mul3A_0, %dma_wait3A] : memref<10240x64xf32, #tpu.memory_space<vmem_shared>> -> memref<640x64xf32, #tpu.memory_space<vmem_shared>>
      %dma_wait3A_62 = arith.constant 0 : i32
      %dma_wait3A_63 = tpu.memref_slice %arg8[%mul3A_0, %dma_wait3A_62] : memref<10240x64xf32, #tpu.memory_space<hbm>> -> memref<640x64xf32, #tpu.memory_space<hbm>>
      tpu.wait_dma2 semaphore(%run_scoped3A : memref<!tpu.dma_semaphore, #tpu.memory_space<semaphore_mem>>) src(%dma_wait3A_63 : memref<640x64xf32, #tpu.memory_space<hbm>>) dst(%dma_wait3A_61 : memref<640x64xf32, #tpu.memory_space<vmem_shared>>)
      tpu.yield
    }) : () -> ()
    %barrier3A_26 = arith.constant 0 : index
    tpu.barrier barrier_id(%barrier3A_26)
    %eq3A_27 = arith.constant 0 : i32
    %eq3A_28 = arith.cmpi eq, %arg0, %eq3A_27 : i32
    %convert_element_type3A_29 = arith.extui %eq3A_28 : i1 to i32
    %cond3A_30 = arith.constant 0 : i32
    %cond3A_31 = arith.cmpi ne, %convert_element_type3A_29, %cond3A_30 : i32
    scf.if %cond3A_31 {
      %dma_start3A = arith.constant 0 : i32
      %dma_start3A_58 = arith.constant 0 : i32
      %dma_start3A_59 = tpu.memref_slice %arg19[%dma_start3A, %dma_start3A_58] : memref<40x250xi32, #tpu.memory_space<vmem>> -> memref<1x250xi32, #tpu.memory_space<vmem>>
      %dma_start3A_60 = tpu.memref_squeeze %dma_start3A_59 : memref<1x250xi32, #tpu.memory_space<vmem>> -> memref<250xi32, #tpu.memory_space<vmem>>
      %dma_start3A_61 = arith.constant 0 : i32
      %dma_start3A_62 = arith.constant 0 : i32
      %dma_start3A_63 = tpu.memref_slice %arg2[%dma_start3A_61, %dma_start3A_62] : memref<10000x64xf32, #tpu.memory_space<hbm>> -> memref<10000x64xf32, #tpu.memory_space<hbm>>
      tpu.enqueue_indirect_dma source(%dma_start3A_63 : memref<10000x64xf32, #tpu.memory_space<hbm>>) target(%arg20 : memref<250x64xf32, #tpu.memory_space<vmem>>) offsets(%dma_start3A_60 : memref<250xi32, #tpu.memory_space<vmem>>) semaphore(%arg25 : memref<!tpu.dma_semaphore, #tpu.memory_space<semaphore_mem>>)
      %dma_start3A_64 = arith.constant 1 : i32
      %dma_start3A_65 = arith.constant 0 : i32
      %dma_start3A_66 = tpu.memref_slice %arg19[%dma_start3A_64, %dma_start3A_65] : memref<40x250xi32, #tpu.memory_space<vmem>> -> memref<1x250xi32, #tpu.memory_space<vmem>>
      %dma_start3A_67 = tpu.memref_squeeze %dma_start3A_66 : memref<1x250xi32, #tpu.memory_space<vmem>> -> memref<250xi32, #tpu.memory_space<vmem>>
      %dma_start3A_68 = arith.constant 0 : i32
      %dma_start3A_69 = arith.constant 0 : i32
      %dma_start3A_70 = tpu.memref_slice %arg2[%dma_start3A_68, %dma_start3A_69] : memref<10000x64xf32, #tpu.memory_space<hbm>> -> memref<10000x64xf32, #tpu.memory_space<hbm>>
      tpu.enqueue_indirect_dma source(%dma_start3A_70 : memref<10000x64xf32, #tpu.memory_space<hbm>>) target(%arg21 : memref<250x64xf32, #tpu.memory_space<vmem>>) offsets(%dma_start3A_67 : memref<250xi32, #tpu.memory_space<vmem>>) semaphore(%arg26 : memref<!tpu.dma_semaphore, #tpu.memory_space<semaphore_mem>>)
      %scan3A_71 = arith.constant 0 : i32
      %scan3A_72 = arith.constant 0 : i32
      %scan3A_73 = arith.constant 20 : i32
      %scan3A_74 = arith.addi %scan3A_72, %scan3A_73 : i32
      %scan3A_75 = arith.constant 1 : i32
      scf.for %scan3A_77 = %scan3A_72 to %scan3A_74 step %scan3A_75  : i32 {
        %mul3A_78 = arith.constant 2 : i32
        %mul3A_79 = arith.muli %mul3A_78, %scan3A_77 : i32
        %add3A = arith.constant 0 : i32
        %add3A_80 = arith.addi %mul3A_79, %add3A : i32
        %dma_wait3A = arith.constant 0 : i32
        %dma_wait3A_81 = tpu.memref_slice %arg19[%add3A_80, %dma_wait3A] : memref<40x250xi32, #tpu.memory_space<vmem>> -> memref<1x250xi32, #tpu.memory_space<vmem>>
        %dma_wait3A_82 = tpu.memref_squeeze %dma_wait3A_81 : memref<1x250xi32, #tpu.memory_space<vmem>> -> memref<250xi32, #tpu.memory_space<vmem>>
        %dma_wait3A_83 = arith.constant 0 : i32
        %dma_wait3A_84 = arith.constant 0 : i32
        %dma_wait3A_85 = tpu.memref_slice %arg2[%dma_wait3A_83, %dma_wait3A_84] : memref<10000x64xf32, #tpu.memory_space<hbm>> -> memref<10000x64xf32, #tpu.memory_space<hbm>>
        tpu.wait_indirect_dma semaphore(%arg25 : memref<!tpu.dma_semaphore, #tpu.memory_space<semaphore_mem>>) src(%dma_wait3A_85 : memref<10000x64xf32, #tpu.memory_space<hbm>>) dst(%arg20 : memref<250x64xf32, #tpu.memory_space<vmem>>)
        "tpu.region"() ({
          %run_scoped3A = tpu.sem_alloc : memref<!tpu.dma_semaphore, #tpu.memory_space<semaphore_mem>>
          %dma_start3A_117 = arith.constant 0 : i32
          %dma_start3A_118 = tpu.memref_slice %arg18[%add3A_80, %dma_start3A_117] : memref<40x250xi32, #tpu.memory_space<vmem>> -> memref<1x250xi32, #tpu.memory_space<vmem>>
          %dma_start3A_119 = tpu.memref_squeeze %dma_start3A_118 : memref<1x250xi32, #tpu.memory_space<vmem>> -> memref<250xi32, #tpu.memory_space<vmem>>
          %dma_start3A_120 = arith.constant 0 : i32
          %dma_start3A_121 = arith.constant 0 : i32
          %dma_start3A_122 = tpu.memref_slice %arg23[%dma_start3A_120, %dma_start3A_121] : memref<10240x64xf32, #tpu.memory_space<vmem_shared>> -> memref<10240x64xf32, #tpu.memory_space<vmem_shared>>
          tpu.enqueue_indirect_dma source(%arg20 : memref<250x64xf32, #tpu.memory_space<vmem>>) target(%dma_start3A_122 : memref<10240x64xf32, #tpu.memory_space<vmem_shared>>) offsets(%dma_start3A_119 : memref<250xi32, #tpu.memory_space<vmem>>) semaphore(%run_scoped3A : memref<!tpu.dma_semaphore, #tpu.memory_space<semaphore_mem>>) {add = true}
          %dma_wait3A_123 = arith.constant 0 : i32
          %dma_wait3A_124 = tpu.memref_slice %arg18[%add3A_80, %dma_wait3A_123] : memref<40x250xi32, #tpu.memory_space<vmem>> -> memref<1x250xi32, #tpu.memory_space<vmem>>
          %dma_wait3A_125 = tpu.memref_squeeze %dma_wait3A_124 : memref<1x250xi32, #tpu.memory_space<vmem>> -> memref<250xi32, #tpu.memory_space<vmem>>
          %dma_wait3A_126 = arith.constant 0 : i32
          %dma_wait3A_127 = arith.constant 0 : i32
          %dma_wait3A_128 = tpu.memref_slice %arg23[%dma_wait3A_126, %dma_wait3A_127] : memref<10240x64xf32, #tpu.memory_space<vmem_shared>> -> memref<10240x64xf32, #tpu.memory_space<vmem_shared>>
          tpu.wait_indirect_dma semaphore(%run_scoped3A : memref<!tpu.dma_semaphore, #tpu.memory_space<semaphore_mem>>) src(%arg20 : memref<250x64xf32, #tpu.memory_space<vmem>>) dst(%dma_wait3A_128 : memref<10240x64xf32, #tpu.memory_space<vmem_shared>>)
          tpu.yield
        }) : () -> ()
        %add3A_86 = arith.constant 1 : i32
        %add3A_87 = arith.addi %scan3A_77, %add3A_86 : i32
        %lt3A = arith.constant 20 : i32
        %lt3A_88 = arith.cmpi slt, %add3A_87, %lt3A : i32
        %convert_element_type3A_89 = arith.extui %lt3A_88 : i1 to i32
        %cond3A_90 = arith.constant 0 : i32
        %cond3A_91 = arith.cmpi ne, %convert_element_type3A_89, %cond3A_90 : i32
        scf.if %cond3A_91 {
          %add3A_117 = arith.constant 2 : i32
          %add3A_118 = arith.addi %add3A_80, %add3A_117 : i32
          %dma_start3A_119 = arith.constant 0 : i32
          %dma_start3A_120 = tpu.memref_slice %arg19[%add3A_118, %dma_start3A_119] : memref<40x250xi32, #tpu.memory_space<vmem>> -> memref<1x250xi32, #tpu.memory_space<vmem>>
          %dma_start3A_121 = tpu.memref_squeeze %dma_start3A_120 : memref<1x250xi32, #tpu.memory_space<vmem>> -> memref<250xi32, #tpu.memory_space<vmem>>
          %dma_start3A_122 = arith.constant 0 : i32
          %dma_start3A_123 = arith.constant 0 : i32
          %dma_start3A_124 = tpu.memref_slice %arg2[%dma_start3A_122, %dma_start3A_123] : memref<10000x64xf32, #tpu.memory_space<hbm>> -> memref<10000x64xf32, #tpu.memory_space<hbm>>
          tpu.enqueue_indirect_dma source(%dma_start3A_124 : memref<10000x64xf32, #tpu.memory_space<hbm>>) target(%arg20 : memref<250x64xf32, #tpu.memory_space<vmem>>) offsets(%dma_start3A_121 : memref<250xi32, #tpu.memory_space<vmem>>) semaphore(%arg25 : memref<!tpu.dma_semaphore, #tpu.memory_space<semaphore_mem>>)
        } else {
        }
        %eq3A_92 = arith.constant 1 : i32
        %eq3A_93 = arith.cmpi eq, %arg0, %eq3A_92 : i32
        %convert_element_type3A_94 = arith.extui %eq3A_93 : i1 to i32
        %cond3A_95 = arith.constant 0 : i32
        %cond3A_96 = arith.cmpi ne, %convert_element_type3A_94, %cond3A_95 : i32
        scf.if %cond3A_96 {
          "tpu.region"() ({
            %run_scoped3A = tpu.sem_alloc : memref<!tpu.dma_semaphore, #tpu.memory_space<semaphore_mem>>
            %dma_start3A_117 = arith.constant 0 : i32
            %dma_start3A_118 = tpu.memref_slice %arg18[%add3A_80, %dma_start3A_117] : memref<40x250xi32, #tpu.memory_space<vmem>> -> memref<1x250xi32, #tpu.memory_space<vmem>>
            %dma_start3A_119 = tpu.memref_squeeze %dma_start3A_118 : memref<1x250xi32, #tpu.memory_space<vmem>> -> memref<250xi32, #tpu.memory_space<vmem>>
            %dma_start3A_120 = arith.constant 0 : i32
            %dma_start3A_121 = arith.constant 0 : i32
            %dma_start3A_122 = tpu.memref_slice %arg24[%dma_start3A_120, %dma_start3A_121] : memref<10240x16xf32, #tpu.memory_space<vmem_shared>> -> memref<10240x16xf32, #tpu.memory_space<vmem_shared>>
            tpu.enqueue_indirect_dma source(%arg22 : memref<250x16xf32, #tpu.memory_space<vmem>>) target(%dma_start3A_122 : memref<10240x16xf32, #tpu.memory_space<vmem_shared>>) offsets(%dma_start3A_119 : memref<250xi32, #tpu.memory_space<vmem>>) semaphore(%run_scoped3A : memref<!tpu.dma_semaphore, #tpu.memory_space<semaphore_mem>>) {add = true}
            %dma_wait3A_123 = arith.constant 0 : i32
            %dma_wait3A_124 = tpu.memref_slice %arg18[%add3A_80, %dma_wait3A_123] : memref<40x250xi32, #tpu.memory_space<vmem>> -> memref<1x250xi32, #tpu.memory_space<vmem>>
            %dma_wait3A_125 = tpu.memref_squeeze %dma_wait3A_124 : memref<1x250xi32, #tpu.memory_space<vmem>> -> memref<250xi32, #tpu.memory_space<vmem>>
            %dma_wait3A_126 = arith.constant 0 : i32
            %dma_wait3A_127 = arith.constant 0 : i32
            %dma_wait3A_128 = tpu.memref_slice %arg24[%dma_wait3A_126, %dma_wait3A_127] : memref<10240x16xf32, #tpu.memory_space<vmem_shared>> -> memref<10240x16xf32, #tpu.memory_space<vmem_shared>>
            tpu.wait_indirect_dma semaphore(%run_scoped3A : memref<!tpu.dma_semaphore, #tpu.memory_space<semaphore_mem>>) src(%arg22 : memref<250x16xf32, #tpu.memory_space<vmem>>) dst(%dma_wait3A_128 : memref<10240x16xf32, #tpu.memory_space<vmem_shared>>)
            tpu.yield
          }) : () -> ()
        } else {
        }
        %add3A_97 = arith.constant 1 : i32
        %add3A_98 = arith.addi %mul3A_79, %add3A_97 : i32
        %dma_wait3A_99 = arith.constant 0 : i32
        %dma_wait3A_100 = tpu.memref_slice %arg19[%add3A_98, %dma_wait3A_99] : memref<40x250xi32, #tpu.memory_space<vmem>> -> memref<1x250xi32, #tpu.memory_space<vmem>>
        %dma_wait3A_101 = tpu.memref_squeeze %dma_wait3A_100 : memref<1x250xi32, #tpu.memory_space<vmem>> -> memref<250xi32, #tpu.memory_space<vmem>>
        %dma_wait3A_102 = arith.constant 0 : i32
        %dma_wait3A_103 = arith.constant 0 : i32
        %dma_wait3A_104 = tpu.memref_slice %arg2[%dma_wait3A_102, %dma_wait3A_103] : memref<10000x64xf32, #tpu.memory_space<hbm>> -> memref<10000x64xf32, #tpu.memory_space<hbm>>
        tpu.wait_indirect_dma semaphore(%arg26 : memref<!tpu.dma_semaphore, #tpu.memory_space<semaphore_mem>>) src(%dma_wait3A_104 : memref<10000x64xf32, #tpu.memory_space<hbm>>) dst(%arg21 : memref<250x64xf32, #tpu.memory_space<vmem>>)
        "tpu.region"() ({
          %run_scoped3A = tpu.sem_alloc : memref<!tpu.dma_semaphore, #tpu.memory_space<semaphore_mem>>
          %dma_start3A_117 = arith.constant 0 : i32
          %dma_start3A_118 = tpu.memref_slice %arg18[%add3A_98, %dma_start3A_117] : memref<40x250xi32, #tpu.memory_space<vmem>> -> memref<1x250xi32, #tpu.memory_space<vmem>>
          %dma_start3A_119 = tpu.memref_squeeze %dma_start3A_118 : memref<1x250xi32, #tpu.memory_space<vmem>> -> memref<250xi32, #tpu.memory_space<vmem>>
          %dma_start3A_120 = arith.constant 0 : i32
          %dma_start3A_121 = arith.constant 0 : i32
          %dma_start3A_122 = tpu.memref_slice %arg23[%dma_start3A_120, %dma_start3A_121] : memref<10240x64xf32, #tpu.memory_space<vmem_shared>> -> memref<10240x64xf32, #tpu.memory_space<vmem_shared>>
          tpu.enqueue_indirect_dma source(%arg21 : memref<250x64xf32, #tpu.memory_space<vmem>>) target(%dma_start3A_122 : memref<10240x64xf32, #tpu.memory_space<vmem_shared>>) offsets(%dma_start3A_119 : memref<250xi32, #tpu.memory_space<vmem>>) semaphore(%run_scoped3A : memref<!tpu.dma_semaphore, #tpu.memory_space<semaphore_mem>>) {add = true}
          %dma_wait3A_123 = arith.constant 0 : i32
          %dma_wait3A_124 = tpu.memref_slice %arg18[%add3A_98, %dma_wait3A_123] : memref<40x250xi32, #tpu.memory_space<vmem>> -> memref<1x250xi32, #tpu.memory_space<vmem>>
          %dma_wait3A_125 = tpu.memref_squeeze %dma_wait3A_124 : memref<1x250xi32, #tpu.memory_space<vmem>> -> memref<250xi32, #tpu.memory_space<vmem>>
          %dma_wait3A_126 = arith.constant 0 : i32
          %dma_wait3A_127 = arith.constant 0 : i32
          %dma_wait3A_128 = tpu.memref_slice %arg23[%dma_wait3A_126, %dma_wait3A_127] : memref<10240x64xf32, #tpu.memory_space<vmem_shared>> -> memref<10240x64xf32, #tpu.memory_space<vmem_shared>>
          tpu.wait_indirect_dma semaphore(%run_scoped3A : memref<!tpu.dma_semaphore, #tpu.memory_space<semaphore_mem>>) src(%arg21 : memref<250x64xf32, #tpu.memory_space<vmem>>) dst(%dma_wait3A_128 : memref<10240x64xf32, #tpu.memory_space<vmem_shared>>)
          tpu.yield
        }) : () -> ()
        %add3A_105 = arith.constant 1 : i32
        %add3A_106 = arith.addi %scan3A_77, %add3A_105 : i32
        %lt3A_107 = arith.constant 20 : i32
        %lt3A_108 = arith.cmpi slt, %add3A_106, %lt3A_107 : i32
        %convert_element_type3A_109 = arith.extui %lt3A_108 : i1 to i32
        %cond3A_110 = arith.constant 0 : i32
        %cond3A_111 = arith.cmpi ne, %convert_element_type3A_109, %cond3A_110 : i32
        scf.if %cond3A_111 {
          %add3A_117 = arith.constant 2 : i32
          %add3A_118 = arith.addi %add3A_98, %add3A_117 : i32
          %dma_start3A_119 = arith.constant 0 : i32
          %dma_start3A_120 = tpu.memref_slice %arg19[%add3A_118, %dma_start3A_119] : memref<40x250xi32, #tpu.memory_space<vmem>> -> memref<1x250xi32, #tpu.memory_space<vmem>>
          %dma_start3A_121 = tpu.memref_squeeze %dma_start3A_120 : memref<1x250xi32, #tpu.memory_space<vmem>> -> memref<250xi32, #tpu.memory_space<vmem>>
          %dma_start3A_122 = arith.constant 0 : i32
          %dma_start3A_123 = arith.constant 0 : i32
          %dma_start3A_124 = tpu.memref_slice %arg2[%dma_start3A_122, %dma_start3A_123] : memref<10000x64xf32, #tpu.memory_space<hbm>> -> memref<10000x64xf32, #tpu.memory_space<hbm>>
          tpu.enqueue_indirect_dma source(%dma_start3A_124 : memref<10000x64xf32, #tpu.memory_space<hbm>>) target(%arg21 : memref<250x64xf32, #tpu.memory_space<vmem>>) offsets(%dma_start3A_121 : memref<250xi32, #tpu.memory_space<vmem>>) semaphore(%arg26 : memref<!tpu.dma_semaphore, #tpu.memory_space<semaphore_mem>>)
        } else {
        }
        %eq3A_112 = arith.constant 1 : i32
        %eq3A_113 = arith.cmpi eq, %arg0, %eq3A_112 : i32
        %convert_element_type3A_114 = arith.extui %eq3A_113 : i1 to i32
        %cond3A_115 = arith.constant 0 : i32
        %cond3A_116 = arith.cmpi ne, %convert_element_type3A_114, %cond3A_115 : i32
        scf.if %cond3A_116 {
          "tpu.region"() ({
            %run_scoped3A = tpu.sem_alloc : memref<!tpu.dma_semaphore, #tpu.memory_space<semaphore_mem>>
            %dma_start3A_117 = arith.constant 0 : i32
            %dma_start3A_118 = tpu.memref_slice %arg18[%add3A_98, %dma_start3A_117] : memref<40x250xi32, #tpu.memory_space<vmem>> -> memref<1x250xi32, #tpu.memory_space<vmem>>
            %dma_start3A_119 = tpu.memref_squeeze %dma_start3A_118 : memref<1x250xi32, #tpu.memory_space<vmem>> -> memref<250xi32, #tpu.memory_space<vmem>>
            %dma_start3A_120 = arith.constant 0 : i32
            %dma_start3A_121 = arith.constant 0 : i32
            %dma_start3A_122 = tpu.memref_slice %arg24[%dma_start3A_120, %dma_start3A_121] : memref<10240x16xf32, #tpu.memory_space<vmem_shared>> -> memref<10240x16xf32, #tpu.memory_space<vmem_shared>>
            tpu.enqueue_indirect_dma source(%arg22 : memref<250x16xf32, #tpu.memory_space<vmem>>) target(%dma_start3A_122 : memref<10240x16xf32, #tpu.memory_space<vmem_shared>>) offsets(%dma_start3A_119 : memref<250xi32, #tpu.memory_space<vmem>>) semaphore(%run_scoped3A : memref<!tpu.dma_semaphore, #tpu.memory_space<semaphore_mem>>) {add = true}
            %dma_wait3A_123 = arith.constant 0 : i32
            %dma_wait3A_124 = tpu.memref_slice %arg18[%add3A_98, %dma_wait3A_123] : memref<40x250xi32, #tpu.memory_space<vmem>> -> memref<1x250xi32, #tpu.memory_space<vmem>>
            %dma_wait3A_125 = tpu.memref_squeeze %dma_wait3A_124 : memref<1x250xi32, #tpu.memory_space<vmem>> -> memref<250xi32, #tpu.memory_space<vmem>>
            %dma_wait3A_126 = arith.constant 0 : i32
            %dma_wait3A_127 = arith.constant 0 : i32
            %dma_wait3A_128 = tpu.memref_slice %arg24[%dma_wait3A_126, %dma_wait3A_127] : memref<10240x16xf32, #tpu.memory_space<vmem_shared>> -> memref<10240x16xf32, #tpu.memory_space<vmem_shared>>
            tpu.wait_indirect_dma semaphore(%run_scoped3A : memref<!tpu.dma_semaphore, #tpu.memory_space<semaphore_mem>>) src(%arg22 : memref<250x16xf32, #tpu.memory_space<vmem>>) dst(%dma_wait3A_128 : memref<10240x16xf32, #tpu.memory_space<vmem_shared>>)
            tpu.yield
          }) : () -> ()
        } else {
        }
      }
      %scan3A_76 = arith.constant 20 : i32
    } else {
    }
    %eq3A_32 = arith.constant 1 : i32
    %eq3A_33 = arith.cmpi eq, %arg0, %eq3A_32 : i32
    %convert_element_type3A_34 = arith.extui %eq3A_33 : i1 to i32
    %cond3A_35 = arith.constant 0 : i32
    %cond3A_36 = arith.cmpi ne, %convert_element_type3A_34, %cond3A_35 : i32
    scf.if %cond3A_36 {
      %dma_start3A = arith.constant 0 : i32
      %dma_start3A_58 = arith.constant 0 : i32
      %dma_start3A_59 = tpu.memref_slice %arg19[%dma_start3A, %dma_start3A_58] : memref<40x250xi32, #tpu.memory_space<vmem>> -> memref<1x250xi32, #tpu.memory_space<vmem>>
      %dma_start3A_60 = tpu.memref_squeeze %dma_start3A_59 : memref<1x250xi32, #tpu.memory_space<vmem>> -> memref<250xi32, #tpu.memory_space<vmem>>
      %dma_start3A_61 = arith.constant 0 : i32
      %dma_start3A_62 = arith.constant 0 : i32
      %dma_start3A_63 = tpu.memref_slice %arg3[%dma_start3A_61, %dma_start3A_62] : memref<10000x64xf32, #tpu.memory_space<hbm>> -> memref<10000x64xf32, #tpu.memory_space<hbm>>
      tpu.enqueue_indirect_dma source(%dma_start3A_63 : memref<10000x64xf32, #tpu.memory_space<hbm>>) target(%arg20 : memref<250x64xf32, #tpu.memory_space<vmem>>) offsets(%dma_start3A_60 : memref<250xi32, #tpu.memory_space<vmem>>) semaphore(%arg25 : memref<!tpu.dma_semaphore, #tpu.memory_space<semaphore_mem>>)
      %dma_start3A_64 = arith.constant 1 : i32
      %dma_start3A_65 = arith.constant 0 : i32
      %dma_start3A_66 = tpu.memref_slice %arg19[%dma_start3A_64, %dma_start3A_65] : memref<40x250xi32, #tpu.memory_space<vmem>> -> memref<1x250xi32, #tpu.memory_space<vmem>>
      %dma_start3A_67 = tpu.memref_squeeze %dma_start3A_66 : memref<1x250xi32, #tpu.memory_space<vmem>> -> memref<250xi32, #tpu.memory_space<vmem>>
      %dma_start3A_68 = arith.constant 0 : i32
      %dma_start3A_69 = arith.constant 0 : i32
      %dma_start3A_70 = tpu.memref_slice %arg3[%dma_start3A_68, %dma_start3A_69] : memref<10000x64xf32, #tpu.memory_space<hbm>> -> memref<10000x64xf32, #tpu.memory_space<hbm>>
      tpu.enqueue_indirect_dma source(%dma_start3A_70 : memref<10000x64xf32, #tpu.memory_space<hbm>>) target(%arg21 : memref<250x64xf32, #tpu.memory_space<vmem>>) offsets(%dma_start3A_67 : memref<250xi32, #tpu.memory_space<vmem>>) semaphore(%arg26 : memref<!tpu.dma_semaphore, #tpu.memory_space<semaphore_mem>>)
      %scan3A_71 = arith.constant 0 : i32
      %scan3A_72 = arith.constant 0 : i32
      %scan3A_73 = arith.constant 20 : i32
      %scan3A_74 = arith.addi %scan3A_72, %scan3A_73 : i32
      %scan3A_75 = arith.constant 1 : i32
      scf.for %scan3A_77 = %scan3A_72 to %scan3A_74 step %scan3A_75  : i32 {
        %mul3A_78 = arith.constant 2 : i32
        %mul3A_79 = arith.muli %mul3A_78, %scan3A_77 : i32
        %add3A = arith.constant 0 : i32
        %add3A_80 = arith.addi %mul3A_79, %add3A : i32
        %dma_wait3A = arith.constant 0 : i32
        %dma_wait3A_81 = tpu.memref_slice %arg19[%add3A_80, %dma_wait3A] : memref<40x250xi32, #tpu.memory_space<vmem>> -> memref<1x250xi32, #tpu.memory_space<vmem>>
        %dma_wait3A_82 = tpu.memref_squeeze %dma_wait3A_81 : memref<1x250xi32, #tpu.memory_space<vmem>> -> memref<250xi32, #tpu.memory_space<vmem>>
        %dma_wait3A_83 = arith.constant 0 : i32
        %dma_wait3A_84 = arith.constant 0 : i32
        %dma_wait3A_85 = tpu.memref_slice %arg3[%dma_wait3A_83, %dma_wait3A_84] : memref<10000x64xf32, #tpu.memory_space<hbm>> -> memref<10000x64xf32, #tpu.memory_space<hbm>>
        tpu.wait_indirect_dma semaphore(%arg25 : memref<!tpu.dma_semaphore, #tpu.memory_space<semaphore_mem>>) src(%dma_wait3A_85 : memref<10000x64xf32, #tpu.memory_space<hbm>>) dst(%arg20 : memref<250x64xf32, #tpu.memory_space<vmem>>)
        "tpu.region"() ({
          %run_scoped3A = tpu.sem_alloc : memref<!tpu.dma_semaphore, #tpu.memory_space<semaphore_mem>>
          %dma_start3A_117 = arith.constant 0 : i32
          %dma_start3A_118 = tpu.memref_slice %arg18[%add3A_80, %dma_start3A_117] : memref<40x250xi32, #tpu.memory_space<vmem>> -> memref<1x250xi32, #tpu.memory_space<vmem>>
          %dma_start3A_119 = tpu.memref_squeeze %dma_start3A_118 : memref<1x250xi32, #tpu.memory_space<vmem>> -> memref<250xi32, #tpu.memory_space<vmem>>
          %dma_start3A_120 = arith.constant 0 : i32
          %dma_start3A_121 = arith.constant 0 : i32
          %dma_start3A_122 = tpu.memref_slice %arg23[%dma_start3A_120, %dma_start3A_121] : memref<10240x64xf32, #tpu.memory_space<vmem_shared>> -> memref<10240x64xf32, #tpu.memory_space<vmem_shared>>
          tpu.enqueue_indirect_dma source(%arg20 : memref<250x64xf32, #tpu.memory_space<vmem>>) target(%dma_start3A_122 : memref<10240x64xf32, #tpu.memory_space<vmem_shared>>) offsets(%dma_start3A_119 : memref<250xi32, #tpu.memory_space<vmem>>) semaphore(%run_scoped3A : memref<!tpu.dma_semaphore, #tpu.memory_space<semaphore_mem>>) {add = true}
          %dma_wait3A_123 = arith.constant 0 : i32
          %dma_wait3A_124 = tpu.memref_slice %arg18[%add3A_80, %dma_wait3A_123] : memref<40x250xi32, #tpu.memory_space<vmem>> -> memref<1x250xi32, #tpu.memory_space<vmem>>
          %dma_wait3A_125 = tpu.memref_squeeze %dma_wait3A_124 : memref<1x250xi32, #tpu.memory_space<vmem>> -> memref<250xi32, #tpu.memory_space<vmem>>
          %dma_wait3A_126 = arith.constant 0 : i32
          %dma_wait3A_127 = arith.constant 0 : i32
          %dma_wait3A_128 = tpu.memref_slice %arg23[%dma_wait3A_126, %dma_wait3A_127] : memref<10240x64xf32, #tpu.memory_space<vmem_shared>> -> memref<10240x64xf32, #tpu.memory_space<vmem_shared>>
          tpu.wait_indirect_dma semaphore(%run_scoped3A : memref<!tpu.dma_semaphore, #tpu.memory_space<semaphore_mem>>) src(%arg20 : memref<250x64xf32, #tpu.memory_space<vmem>>) dst(%dma_wait3A_128 : memref<10240x64xf32, #tpu.memory_space<vmem_shared>>)
          tpu.yield
        }) : () -> ()
        %add3A_86 = arith.constant 1 : i32
        %add3A_87 = arith.addi %scan3A_77, %add3A_86 : i32
        %lt3A = arith.constant 20 : i32
        %lt3A_88 = arith.cmpi slt, %add3A_87, %lt3A : i32
        %convert_element_type3A_89 = arith.extui %lt3A_88 : i1 to i32
        %cond3A_90 = arith.constant 0 : i32
        %cond3A_91 = arith.cmpi ne, %convert_element_type3A_89, %cond3A_90 : i32
        scf.if %cond3A_91 {
          %add3A_117 = arith.constant 2 : i32
          %add3A_118 = arith.addi %add3A_80, %add3A_117 : i32
          %dma_start3A_119 = arith.constant 0 : i32
          %dma_start3A_120 = tpu.memref_slice %arg19[%add3A_118, %dma_start3A_119] : memref<40x250xi32, #tpu.memory_space<vmem>> -> memref<1x250xi32, #tpu.memory_space<vmem>>
          %dma_start3A_121 = tpu.memref_squeeze %dma_start3A_120 : memref<1x250xi32, #tpu.memory_space<vmem>> -> memref<250xi32, #tpu.memory_space<vmem>>
          %dma_start3A_122 = arith.constant 0 : i32
          %dma_start3A_123 = arith.constant 0 : i32
          %dma_start3A_124 = tpu.memref_slice %arg3[%dma_start3A_122, %dma_start3A_123] : memref<10000x64xf32, #tpu.memory_space<hbm>> -> memref<10000x64xf32, #tpu.memory_space<hbm>>
          tpu.enqueue_indirect_dma source(%dma_start3A_124 : memref<10000x64xf32, #tpu.memory_space<hbm>>) target(%arg20 : memref<250x64xf32, #tpu.memory_space<vmem>>) offsets(%dma_start3A_121 : memref<250xi32, #tpu.memory_space<vmem>>) semaphore(%arg25 : memref<!tpu.dma_semaphore, #tpu.memory_space<semaphore_mem>>)
        } else {
        }
        %eq3A_92 = arith.constant 1 : i32
        %eq3A_93 = arith.cmpi eq, %arg0, %eq3A_92 : i32
        %convert_element_type3A_94 = arith.extui %eq3A_93 : i1 to i32
        %cond3A_95 = arith.constant 0 : i32
        %cond3A_96 = arith.cmpi ne, %convert_element_type3A_94, %cond3A_95 : i32
        scf.if %cond3A_96 {
          "tpu.region"() ({
            %run_scoped3A = tpu.sem_alloc : memref<!tpu.dma_semaphore, #tpu.memory_space<semaphore_mem>>
            %dma_start3A_117 = arith.constant 0 : i32
            %dma_start3A_118 = tpu.memref_slice %arg18[%add3A_80, %dma_start3A_117] : memref<40x250xi32, #tpu.memory_space<vmem>> -> memref<1x250xi32, #tpu.memory_space<vmem>>
            %dma_start3A_119 = tpu.memref_squeeze %dma_start3A_118 : memref<1x250xi32, #tpu.memory_space<vmem>> -> memref<250xi32, #tpu.memory_space<vmem>>
            %dma_start3A_120 = arith.constant 0 : i32
            %dma_start3A_121 = arith.constant 0 : i32
            %dma_start3A_122 = tpu.memref_slice %arg24[%dma_start3A_120, %dma_start3A_121] : memref<10240x16xf32, #tpu.memory_space<vmem_shared>> -> memref<10240x16xf32, #tpu.memory_space<vmem_shared>>
            tpu.enqueue_indirect_dma source(%arg22 : memref<250x16xf32, #tpu.memory_space<vmem>>) target(%dma_start3A_122 : memref<10240x16xf32, #tpu.memory_space<vmem_shared>>) offsets(%dma_start3A_119 : memref<250xi32, #tpu.memory_space<vmem>>) semaphore(%run_scoped3A : memref<!tpu.dma_semaphore, #tpu.memory_space<semaphore_mem>>) {add = true}
            %dma_wait3A_123 = arith.constant 0 : i32
            %dma_wait3A_124 = tpu.memref_slice %arg18[%add3A_80, %dma_wait3A_123] : memref<40x250xi32, #tpu.memory_space<vmem>> -> memref<1x250xi32, #tpu.memory_space<vmem>>
            %dma_wait3A_125 = tpu.memref_squeeze %dma_wait3A_124 : memref<1x250xi32, #tpu.memory_space<vmem>> -> memref<250xi32, #tpu.memory_space<vmem>>
            %dma_wait3A_126 = arith.constant 0 : i32
            %dma_wait3A_127 = arith.constant 0 : i32
            %dma_wait3A_128 = tpu.memref_slice %arg24[%dma_wait3A_126, %dma_wait3A_127] : memref<10240x16xf32, #tpu.memory_space<vmem_shared>> -> memref<10240x16xf32, #tpu.memory_space<vmem_shared>>
            tpu.wait_indirect_dma semaphore(%run_scoped3A : memref<!tpu.dma_semaphore, #tpu.memory_space<semaphore_mem>>) src(%arg22 : memref<250x16xf32, #tpu.memory_space<vmem>>) dst(%dma_wait3A_128 : memref<10240x16xf32, #tpu.memory_space<vmem_shared>>)
            tpu.yield
          }) : () -> ()
        } else {
        }
        %add3A_97 = arith.constant 1 : i32
        %add3A_98 = arith.addi %mul3A_79, %add3A_97 : i32
        %dma_wait3A_99 = arith.constant 0 : i32
        %dma_wait3A_100 = tpu.memref_slice %arg19[%add3A_98, %dma_wait3A_99] : memref<40x250xi32, #tpu.memory_space<vmem>> -> memref<1x250xi32, #tpu.memory_space<vmem>>
        %dma_wait3A_101 = tpu.memref_squeeze %dma_wait3A_100 : memref<1x250xi32, #tpu.memory_space<vmem>> -> memref<250xi32, #tpu.memory_space<vmem>>
        %dma_wait3A_102 = arith.constant 0 : i32
        %dma_wait3A_103 = arith.constant 0 : i32
        %dma_wait3A_104 = tpu.memref_slice %arg3[%dma_wait3A_102, %dma_wait3A_103] : memref<10000x64xf32, #tpu.memory_space<hbm>> -> memref<10000x64xf32, #tpu.memory_space<hbm>>
        tpu.wait_indirect_dma semaphore(%arg26 : memref<!tpu.dma_semaphore, #tpu.memory_space<semaphore_mem>>) src(%dma_wait3A_104 : memref<10000x64xf32, #tpu.memory_space<hbm>>) dst(%arg21 : memref<250x64xf32, #tpu.memory_space<vmem>>)
        "tpu.region"() ({
          %run_scoped3A = tpu.sem_alloc : memref<!tpu.dma_semaphore, #tpu.memory_space<semaphore_mem>>
          %dma_start3A_117 = arith.constant 0 : i32
          %dma_start3A_118 = tpu.memref_slice %arg18[%add3A_98, %dma_start3A_117] : memref<40x250xi32, #tpu.memory_space<vmem>> -> memref<1x250xi32, #tpu.memory_space<vmem>>
          %dma_start3A_119 = tpu.memref_squeeze %dma_start3A_118 : memref<1x250xi32, #tpu.memory_space<vmem>> -> memref<250xi32, #tpu.memory_space<vmem>>
          %dma_start3A_120 = arith.constant 0 : i32
          %dma_start3A_121 = arith.constant 0 : i32
          %dma_start3A_122 = tpu.memref_slice %arg23[%dma_start3A_120, %dma_start3A_121] : memref<10240x64xf32, #tpu.memory_space<vmem_shared>> -> memref<10240x64xf32, #tpu.memory_space<vmem_shared>>
          tpu.enqueue_indirect_dma source(%arg21 : memref<250x64xf32, #tpu.memory_space<vmem>>) target(%dma_start3A_122 : memref<10240x64xf32, #tpu.memory_space<vmem_shared>>) offsets(%dma_start3A_119 : memref<250xi32, #tpu.memory_space<vmem>>) semaphore(%run_scoped3A : memref<!tpu.dma_semaphore, #tpu.memory_space<semaphore_mem>>) {add = true}
          %dma_wait3A_123 = arith.constant 0 : i32
          %dma_wait3A_124 = tpu.memref_slice %arg18[%add3A_98, %dma_wait3A_123] : memref<40x250xi32, #tpu.memory_space<vmem>> -> memref<1x250xi32, #tpu.memory_space<vmem>>
          %dma_wait3A_125 = tpu.memref_squeeze %dma_wait3A_124 : memref<1x250xi32, #tpu.memory_space<vmem>> -> memref<250xi32, #tpu.memory_space<vmem>>
          %dma_wait3A_126 = arith.constant 0 : i32
          %dma_wait3A_127 = arith.constant 0 : i32
          %dma_wait3A_128 = tpu.memref_slice %arg23[%dma_wait3A_126, %dma_wait3A_127] : memref<10240x64xf32, #tpu.memory_space<vmem_shared>> -> memref<10240x64xf32, #tpu.memory_space<vmem_shared>>
          tpu.wait_indirect_dma semaphore(%run_scoped3A : memref<!tpu.dma_semaphore, #tpu.memory_space<semaphore_mem>>) src(%arg21 : memref<250x64xf32, #tpu.memory_space<vmem>>) dst(%dma_wait3A_128 : memref<10240x64xf32, #tpu.memory_space<vmem_shared>>)
          tpu.yield
        }) : () -> ()
        %add3A_105 = arith.constant 1 : i32
        %add3A_106 = arith.addi %scan3A_77, %add3A_105 : i32
        %lt3A_107 = arith.constant 20 : i32
        %lt3A_108 = arith.cmpi slt, %add3A_106, %lt3A_107 : i32
        %convert_element_type3A_109 = arith.extui %lt3A_108 : i1 to i32
        %cond3A_110 = arith.constant 0 : i32
        %cond3A_111 = arith.cmpi ne, %convert_element_type3A_109, %cond3A_110 : i32
        scf.if %cond3A_111 {
          %add3A_117 = arith.constant 2 : i32
          %add3A_118 = arith.addi %add3A_98, %add3A_117 : i32
          %dma_start3A_119 = arith.constant 0 : i32
          %dma_start3A_120 = tpu.memref_slice %arg19[%add3A_118, %dma_start3A_119] : memref<40x250xi32, #tpu.memory_space<vmem>> -> memref<1x250xi32, #tpu.memory_space<vmem>>
          %dma_start3A_121 = tpu.memref_squeeze %dma_start3A_120 : memref<1x250xi32, #tpu.memory_space<vmem>> -> memref<250xi32, #tpu.memory_space<vmem>>
          %dma_start3A_122 = arith.constant 0 : i32
          %dma_start3A_123 = arith.constant 0 : i32
          %dma_start3A_124 = tpu.memref_slice %arg3[%dma_start3A_122, %dma_start3A_123] : memref<10000x64xf32, #tpu.memory_space<hbm>> -> memref<10000x64xf32, #tpu.memory_space<hbm>>
          tpu.enqueue_indirect_dma source(%dma_start3A_124 : memref<10000x64xf32, #tpu.memory_space<hbm>>) target(%arg21 : memref<250x64xf32, #tpu.memory_space<vmem>>) offsets(%dma_start3A_121 : memref<250xi32, #tpu.memory_space<vmem>>) semaphore(%arg26 : memref<!tpu.dma_semaphore, #tpu.memory_space<semaphore_mem>>)
        } else {
        }
        %eq3A_112 = arith.constant 1 : i32
        %eq3A_113 = arith.cmpi eq, %arg0, %eq3A_112 : i32
        %convert_element_type3A_114 = arith.extui %eq3A_113 : i1 to i32
        %cond3A_115 = arith.constant 0 : i32
        %cond3A_116 = arith.cmpi ne, %convert_element_type3A_114, %cond3A_115 : i32
        scf.if %cond3A_116 {
          "tpu.region"() ({
            %run_scoped3A = tpu.sem_alloc : memref<!tpu.dma_semaphore, #tpu.memory_space<semaphore_mem>>
            %dma_start3A_117 = arith.constant 0 : i32
            %dma_start3A_118 = tpu.memref_slice %arg18[%add3A_98, %dma_start3A_117] : memref<40x250xi32, #tpu.memory_space<vmem>> -> memref<1x250xi32, #tpu.memory_space<vmem>>
            %dma_start3A_119 = tpu.memref_squeeze %dma_start3A_118 : memref<1x250xi32, #tpu.memory_space<vmem>> -> memref<250xi32, #tpu.memory_space<vmem>>
            %dma_start3A_120 = arith.constant 0 : i32
            %dma_start3A_121 = arith.constant 0 : i32
            %dma_start3A_122 = tpu.memref_slice %arg24[%dma_start3A_120, %dma_start3A_121] : memref<10240x16xf32, #tpu.memory_space<vmem_shared>> -> memref<10240x16xf32, #tpu.memory_space<vmem_shared>>
            tpu.enqueue_indirect_dma source(%arg22 : memref<250x16xf32, #tpu.memory_space<vmem>>) target(%dma_start3A_122 : memref<10240x16xf32, #tpu.memory_space<vmem_shared>>) offsets(%dma_start3A_119 : memref<250xi32, #tpu.memory_space<vmem>>) semaphore(%run_scoped3A : memref<!tpu.dma_semaphore, #tpu.memory_space<semaphore_mem>>) {add = true}
            %dma_wait3A_123 = arith.constant 0 : i32
            %dma_wait3A_124 = tpu.memref_slice %arg18[%add3A_98, %dma_wait3A_123] : memref<40x250xi32, #tpu.memory_space<vmem>> -> memref<1x250xi32, #tpu.memory_space<vmem>>
            %dma_wait3A_125 = tpu.memref_squeeze %dma_wait3A_124 : memref<1x250xi32, #tpu.memory_space<vmem>> -> memref<250xi32, #tpu.memory_space<vmem>>
            %dma_wait3A_126 = arith.constant 0 : i32
            %dma_wait3A_127 = arith.constant 0 : i32
            %dma_wait3A_128 = tpu.memref_slice %arg24[%dma_wait3A_126, %dma_wait3A_127] : memref<10240x16xf32, #tpu.memory_space<vmem_shared>> -> memref<10240x16xf32, #tpu.memory_space<vmem_shared>>
            tpu.wait_indirect_dma semaphore(%run_scoped3A : memref<!tpu.dma_semaphore, #tpu.memory_space<semaphore_mem>>) src(%arg22 : memref<250x16xf32, #tpu.memory_space<vmem>>) dst(%dma_wait3A_128 : memref<10240x16xf32, #tpu.memory_space<vmem_shared>>)
            tpu.yield
          }) : () -> ()
        } else {
        }
      }
      %scan3A_76 = arith.constant 20 : i32
    } else {
    }
    %barrier3A_37 = arith.constant 0 : index
    tpu.barrier barrier_id(%barrier3A_37)
    %eq3A_38 = arith.constant 0 : i32
    %eq3A_39 = arith.cmpi eq, %arg0, %eq3A_38 : i32
    %convert_element_type3A_40 = arith.extui %eq3A_39 : i1 to i32
    %cond3A_41 = arith.constant 0 : i32
    %cond3A_42 = arith.cmpi ne, %convert_element_type3A_40, %cond3A_41 : i32
    scf.if %cond3A_42 {
      "tpu.region"() ({
        %run_scoped3A = tpu.sem_alloc : memref<!tpu.dma_semaphore, #tpu.memory_space<semaphore_mem>>
        %dma_start3A = arith.constant 0 : i32
        %dma_start3A_58 = tpu.memref_slice %arg12[%mul3A_0, %dma_start3A] : memref<10240x64xf32, #tpu.memory_space<hbm>> -> memref<640x64xf32, #tpu.memory_space<hbm>>
        %dma_start3A_59 = arith.constant 0 : i32
        %dma_start3A_60 = tpu.memref_slice %arg23[%mul3A_0, %dma_start3A_59] : memref<10240x64xf32, #tpu.memory_space<vmem_shared>> -> memref<640x64xf32, #tpu.memory_space<vmem_shared>>
        tpu.enqueue_dma source(%dma_start3A_60 : memref<640x64xf32, #tpu.memory_space<vmem_shared>>) target(%dma_start3A_58 : memref<640x64xf32, #tpu.memory_space<hbm>>) target_semaphore(%run_scoped3A : memref<!tpu.dma_semaphore, #tpu.memory_space<semaphore_mem>>)
        %dma_wait3A = arith.constant 0 : i32
        %dma_wait3A_61 = tpu.memref_slice %arg12[%mul3A_0, %dma_wait3A] : memref<10240x64xf32, #tpu.memory_space<hbm>> -> memref<640x64xf32, #tpu.memory_space<hbm>>
        %dma_wait3A_62 = arith.constant 0 : i32
        %dma_wait3A_63 = tpu.memref_slice %arg23[%mul3A_0, %dma_wait3A_62] : memref<10240x64xf32, #tpu.memory_space<vmem_shared>> -> memref<640x64xf32, #tpu.memory_space<vmem_shared>>
        tpu.wait_dma2 semaphore(%run_scoped3A : memref<!tpu.dma_semaphore, #tpu.memory_space<semaphore_mem>>) src(%dma_wait3A_63 : memref<640x64xf32, #tpu.memory_space<vmem_shared>>) dst(%dma_wait3A_61 : memref<640x64xf32, #tpu.memory_space<hbm>>)
        tpu.yield
      }) : () -> ()
    } else {
    }
    %eq3A_43 = arith.constant 1 : i32
    %eq3A_44 = arith.cmpi eq, %arg0, %eq3A_43 : i32
    %convert_element_type3A_45 = arith.extui %eq3A_44 : i1 to i32
    %cond3A_46 = arith.constant 0 : i32
    %cond3A_47 = arith.cmpi ne, %convert_element_type3A_45, %cond3A_46 : i32
    scf.if %cond3A_47 {
      "tpu.region"() ({
        %run_scoped3A = tpu.sem_alloc : memref<!tpu.dma_semaphore, #tpu.memory_space<semaphore_mem>>
        %dma_start3A = arith.constant 0 : i32
        %dma_start3A_58 = tpu.memref_slice %arg13[%mul3A_0, %dma_start3A] : memref<10240x64xf32, #tpu.memory_space<hbm>> -> memref<640x64xf32, #tpu.memory_space<hbm>>
        %dma_start3A_59 = arith.constant 0 : i32
        %dma_start3A_60 = tpu.memref_slice %arg23[%mul3A_0, %dma_start3A_59] : memref<10240x64xf32, #tpu.memory_space<vmem_shared>> -> memref<640x64xf32, #tpu.memory_space<vmem_shared>>
        tpu.enqueue_dma source(%dma_start3A_60 : memref<640x64xf32, #tpu.memory_space<vmem_shared>>) target(%dma_start3A_58 : memref<640x64xf32, #tpu.memory_space<hbm>>) target_semaphore(%run_scoped3A : memref<!tpu.dma_semaphore, #tpu.memory_space<semaphore_mem>>)
        %dma_wait3A = arith.constant 0 : i32
        %dma_wait3A_61 = tpu.memref_slice %arg13[%mul3A_0, %dma_wait3A] : memref<10240x64xf32, #tpu.memory_space<hbm>> -> memref<640x64xf32, #tpu.memory_space<hbm>>
        %dma_wait3A_62 = arith.constant 0 : i32
        %dma_wait3A_63 = tpu.memref_slice %arg23[%mul3A_0, %dma_wait3A_62] : memref<10240x64xf32, #tpu.memory_space<vmem_shared>> -> memref<640x64xf32, #tpu.memory_space<vmem_shared>>
        tpu.wait_dma2 semaphore(%run_scoped3A : memref<!tpu.dma_semaphore, #tpu.memory_space<semaphore_mem>>) src(%dma_wait3A_63 : memref<640x64xf32, #tpu.memory_space<vmem_shared>>) dst(%dma_wait3A_61 : memref<640x64xf32, #tpu.memory_space<hbm>>)
        tpu.yield
      }) : () -> ()
    } else {
    }
    %eq3A_48 = arith.constant 0 : i32
    %eq3A_49 = arith.cmpi eq, %arg0, %eq3A_48 : i32
    %convert_element_type3A_50 = arith.extui %eq3A_49 : i1 to i32
    %cond3A_51 = arith.constant 0 : i32
    %cond3A_52 = arith.cmpi ne, %convert_element_type3A_50, %cond3A_51 : i32
    scf.if %cond3A_52 {
      "tpu.region"() ({
        %run_scoped3A = tpu.sem_alloc : memref<!tpu.dma_semaphore, #tpu.memory_space<semaphore_mem>>
        %dma_start3A = arith.constant 0 : i32
        %dma_start3A_58 = tpu.memref_slice %arg14[%mul3A_0, %dma_start3A] : memref<10240x16xf32, #tpu.memory_space<hbm>> -> memref<640x16xf32, #tpu.memory_space<hbm>>
        %dma_start3A_59 = arith.constant 0 : i32
        %dma_start3A_60 = tpu.memref_slice %arg24[%mul3A_0, %dma_start3A_59] : memref<10240x16xf32, #tpu.memory_space<vmem_shared>> -> memref<640x16xf32, #tpu.memory_space<vmem_shared>>
        tpu.enqueue_dma source(%dma_start3A_60 : memref<640x16xf32, #tpu.memory_space<vmem_shared>>) target(%dma_start3A_58 : memref<640x16xf32, #tpu.memory_space<hbm>>) target_semaphore(%run_scoped3A : memref<!tpu.dma_semaphore, #tpu.memory_space<semaphore_mem>>)
        %dma_wait3A = arith.constant 0 : i32
        %dma_wait3A_61 = tpu.memref_slice %arg14[%mul3A_0, %dma_wait3A] : memref<10240x16xf32, #tpu.memory_space<hbm>> -> memref<640x16xf32, #tpu.memory_space<hbm>>
        %dma_wait3A_62 = arith.constant 0 : i32
        %dma_wait3A_63 = tpu.memref_slice %arg24[%mul3A_0, %dma_wait3A_62] : memref<10240x16xf32, #tpu.memory_space<vmem_shared>> -> memref<640x16xf32, #tpu.memory_space<vmem_shared>>
        tpu.wait_dma2 semaphore(%run_scoped3A : memref<!tpu.dma_semaphore, #tpu.memory_space<semaphore_mem>>) src(%dma_wait3A_63 : memref<640x16xf32, #tpu.memory_space<vmem_shared>>) dst(%dma_wait3A_61 : memref<640x16xf32, #tpu.memory_space<hbm>>)
        tpu.yield
      }) : () -> ()
    } else {
    }
    %eq3A_53 = arith.constant 1 : i32
    %eq3A_54 = arith.cmpi eq, %arg0, %eq3A_53 : i32
    %convert_element_type3A_55 = arith.extui %eq3A_54 : i1 to i32
    %cond3A_56 = arith.constant 0 : i32
    %cond3A_57 = arith.cmpi ne, %convert_element_type3A_55, %cond3A_56 : i32
    scf.if %cond3A_57 {
      "tpu.region"() ({
        %run_scoped3A = tpu.sem_alloc : memref<!tpu.dma_semaphore, #tpu.memory_space<semaphore_mem>>
        %dma_start3A = arith.constant 0 : i32
        %dma_start3A_58 = tpu.memref_slice %arg15[%mul3A_0, %dma_start3A] : memref<10240x16xf32, #tpu.memory_space<hbm>> -> memref<640x16xf32, #tpu.memory_space<hbm>>
        %dma_start3A_59 = arith.constant 0 : i32
        %dma_start3A_60 = tpu.memref_slice %arg24[%mul3A_0, %dma_start3A_59] : memref<10240x16xf32, #tpu.memory_space<vmem_shared>> -> memref<640x16xf32, #tpu.memory_space<vmem_shared>>
        tpu.enqueue_dma source(%dma_start3A_60 : memref<640x16xf32, #tpu.memory_space<vmem_shared>>) target(%dma_start3A_58 : memref<640x16xf32, #tpu.memory_space<hbm>>) target_semaphore(%run_scoped3A : memref<!tpu.dma_semaphore, #tpu.memory_space<semaphore_mem>>)
        %dma_wait3A = arith.constant 0 : i32
        %dma_wait3A_61 = tpu.memref_slice %arg15[%mul3A_0, %dma_wait3A] : memref<10240x16xf32, #tpu.memory_space<hbm>> -> memref<640x16xf32, #tpu.memory_space<hbm>>
        %dma_wait3A_62 = arith.constant 0 : i32
        %dma_wait3A_63 = tpu.memref_slice %arg24[%mul3A_0, %dma_wait3A_62] : memref<10240x16xf32, #tpu.memory_space<vmem_shared>> -> memref<640x16xf32, #tpu.memory_space<vmem_shared>>
        tpu.wait_dma2 semaphore(%run_scoped3A : memref<!tpu.dma_semaphore, #tpu.memory_space<semaphore_mem>>) src(%dma_wait3A_63 : memref<640x16xf32, #tpu.memory_space<vmem_shared>>) dst(%dma_wait3A_61 : memref<640x16xf32, #tpu.memory_space<hbm>>)
        tpu.yield
      }) : () -> ()
    } else {
    }
    return
  }
}

module attributes {stable_mosaic.version = 14 : i64} {
  func.func @_norm_block(%arg0: i32, %arg1: memref<2x2xf32, #tpu.memory_space<vmem>>, %arg2: memref<2000x64xf32, #tpu.memory_space<vmem>>, %arg3: memref<2000x64xf32, #tpu.memory_space<vmem>>, %arg4: memref<2000x64xf32, #tpu.memory_space<vmem>>, %arg5: memref<2000x64xf32, #tpu.memory_space<vmem>>, %arg6: memref<2000x16xf32, #tpu.memory_space<vmem>>, %arg7: memref<2000x16xf32, #tpu.memory_space<vmem>>, %arg8: memref<2000x128xf32, #tpu.memory_space<vmem>>) attributes {dimension_semantics = [#tpu.dimension_semantics<arbitrary>], iteration_bounds = array<i64: 5>, scalar_prefetch = 0 : i64, scratch_operands = 0 : i64, tpu.core_type = #tpu.core_type<tc>, window_params = [{pipeline_mode = #tpu.pipeline_mode<synchronous>, transform_indices = @transform_0, window_bounds = array<i64: 2, 2>}, {transform_indices = @transform_1, window_bounds = array<i64: 2000, 64>}, {transform_indices = @transform_2, window_bounds = array<i64: 2000, 64>}, {transform_indices = @transform_3, window_bounds = array<i64: 2000, 64>}, {transform_indices = @transform_4, window_bounds = array<i64: 2000, 64>}, {transform_indices = @transform_5, window_bounds = array<i64: 2000, 16>}, {transform_indices = @transform_6, window_bounds = array<i64: 2000, 16>}, {transform_indices = @transform_7, window_bounds = array<i64: 2000, 128>}]} {
    %get3A = arith.constant 0 : index
    %get3A_0 = arith.constant 0 : index
    %get3A_1 = vector.load %arg1[%get3A, %get3A_0] : memref<2x2xf32, #tpu.memory_space<vmem>>, vector<2x2xf32>
    %slice3A = vector.extract_strided_slice %get3A_1 {offsets = [1, 0], sizes = [1, 2], strides = [1, 1]} : vector<2x2xf32> to vector<1x2xf32>
    %squeeze3A = vector.shape_cast %slice3A : vector<1x2xf32> to vector<2xf32>
    %reduce_max3A = vector.shape_cast %squeeze3A : vector<2xf32> to vector<1x2xf32>
    %reduce_max3A_2 = arith.constant dense<0xFF800000> : vector<1xf32>
    %reduce_max3A_3 = vector.multi_reduction <maximumf>, %reduce_max3A, %reduce_max3A_2 [1] : vector<1x2xf32> to vector<1xf32>
    %reduce_max3A_4 = vector.shape_cast %reduce_max3A_3 : vector<1xf32> to vector<1x1xf32>
    %reduce_max3A_5 = vector.extract %reduce_max3A_4[0, 0] : f32 from vector<1x1xf32>
    %sub3A = vector.broadcast %reduce_max3A_5 : f32 to vector<2xf32>
    %sub3A_6 = arith.subf %squeeze3A, %sub3A : vector<2xf32>
    %exp3A = math.exp %sub3A_6 : vector<2xf32>
    %reduce_sum3A = vector.shape_cast %exp3A : vector<2xf32> to vector<1x2xf32>
    %reduce_sum3A_7 = arith.constant dense<0.000000e+00> : vector<1xf32>
    %reduce_sum3A_8 = vector.multi_reduction <add>, %reduce_sum3A, %reduce_sum3A_7 [1] : vector<1x2xf32> to vector<1xf32>
    %reduce_sum3A_9 = vector.shape_cast %reduce_sum3A_8 : vector<1xf32> to vector<1x1xf32>
    %reduce_sum3A_10 = vector.extract %reduce_sum3A_9[0, 0] : f32 from vector<1x1xf32>
    %div3A = vector.broadcast %reduce_sum3A_10 : f32 to vector<2xf32>
    %div3A_11 = arith.divf %exp3A, %div3A : vector<2xf32>
    %slice3A_12 = vector.extract_strided_slice %div3A_11 {offsets = [0], sizes = [1], strides = [1]} : vector<2xf32> to vector<1xf32>
    %squeeze3A_13 = vector.extract %slice3A_12[0] : f32 from vector<1xf32>
    %get3A_14 = arith.constant 0 : index
    %get3A_15 = arith.constant 0 : index
    %get3A_16 = vector.load %arg6[%get3A_14, %get3A_15] : memref<2000x16xf32, #tpu.memory_space<vmem>>, vector<2000x1xf32>
    %max3A = arith.constant 1.000000e+00 : f32
    %max3A_17 = vector.broadcast %max3A : f32 to vector<2000x1xf32>
    %max3A_18 = arith.maximumf %get3A_16, %max3A_17 : vector<2000x1xf32>
    %div3A_19 = vector.broadcast %squeeze3A_13 : f32 to vector<2000x1xf32>
    %div3A_20 = arith.divf %div3A_19, %max3A_18 : vector<2000x1xf32>
    %slice3A_21 = vector.extract_strided_slice %div3A_11 {offsets = [1], sizes = [1], strides = [1]} : vector<2xf32> to vector<1xf32>
    %squeeze3A_22 = vector.extract %slice3A_21[0] : f32 from vector<1xf32>
    %get3A_23 = arith.constant 0 : index
    %get3A_24 = arith.constant 0 : index
    %get3A_25 = vector.load %arg7[%get3A_23, %get3A_24] : memref<2000x16xf32, #tpu.memory_space<vmem>>, vector<2000x1xf32>
    %max3A_26 = arith.constant 1.000000e+00 : f32
    %max3A_27 = vector.broadcast %max3A_26 : f32 to vector<2000x1xf32>
    %max3A_28 = arith.maximumf %get3A_25, %max3A_27 : vector<2000x1xf32>
    %div3A_29 = vector.broadcast %squeeze3A_22 : f32 to vector<2000x1xf32>
    %div3A_30 = arith.divf %div3A_29, %max3A_28 : vector<2000x1xf32>
    %get3A_31 = arith.constant 0 : index
    %get3A_32 = arith.constant 0 : index
    %get3A_33 = vector.load %arg2[%get3A_31, %get3A_32] : memref<2000x64xf32, #tpu.memory_space<vmem>>, vector<2000x64xf32>
    %mul3A = vector.broadcast %div3A_20 : vector<2000x1xf32> to vector<2000x64xf32>
    %mul3A_34 = arith.mulf %get3A_33, %mul3A : vector<2000x64xf32>
    %get3A_35 = arith.constant 0 : index
    %get3A_36 = arith.constant 0 : index
    %get3A_37 = vector.load %arg4[%get3A_35, %get3A_36] : memref<2000x64xf32, #tpu.memory_space<vmem>>, vector<2000x64xf32>
    %mul3A_38 = vector.broadcast %div3A_30 : vector<2000x1xf32> to vector<2000x64xf32>
    %mul3A_39 = arith.mulf %get3A_37, %mul3A_38 : vector<2000x64xf32>
    %add3A = arith.addf %mul3A_34, %mul3A_39 : vector<2000x64xf32>
    %get3A_40 = arith.constant 0 : index
    %get3A_41 = arith.constant 0 : index
    %get3A_42 = vector.load %arg3[%get3A_40, %get3A_41] : memref<2000x64xf32, #tpu.memory_space<vmem>>, vector<2000x64xf32>
    %mul3A_43 = vector.broadcast %div3A_20 : vector<2000x1xf32> to vector<2000x64xf32>
    %mul3A_44 = arith.mulf %get3A_42, %mul3A_43 : vector<2000x64xf32>
    %get3A_45 = arith.constant 0 : index
    %get3A_46 = arith.constant 0 : index
    %get3A_47 = vector.load %arg5[%get3A_45, %get3A_46] : memref<2000x64xf32, #tpu.memory_space<vmem>>, vector<2000x64xf32>
    %mul3A_48 = vector.broadcast %div3A_30 : vector<2000x1xf32> to vector<2000x64xf32>
    %mul3A_49 = arith.mulf %get3A_47, %mul3A_48 : vector<2000x64xf32>
    %add3A_50 = arith.addf %mul3A_44, %mul3A_49 : vector<2000x64xf32>
    %mul3A_51 = arith.mulf %add3A, %add3A : vector<2000x64xf32>
    %reduce_sum3A_52 = arith.constant dense<0.000000e+00> : vector<2000xf32>
    %reduce_sum3A_53 = vector.multi_reduction <add>, %mul3A_51, %reduce_sum3A_52 [1] : vector<2000x64xf32> to vector<2000xf32>
    %broadcast_in_dim3A = vector.shape_cast %reduce_sum3A_53 : vector<2000xf32> to vector<2000x1xf32>
    %mul3A_54 = arith.mulf %add3A_50, %add3A_50 : vector<2000x64xf32>
    %reduce_sum3A_55 = arith.constant dense<0.000000e+00> : vector<2000xf32>
    %reduce_sum3A_56 = vector.multi_reduction <add>, %mul3A_54, %reduce_sum3A_55 [1] : vector<2000x64xf32> to vector<2000xf32>
    %broadcast_in_dim3A_57 = vector.shape_cast %reduce_sum3A_56 : vector<2000xf32> to vector<2000x1xf32>
    %add3A_58 = arith.addf %broadcast_in_dim3A, %broadcast_in_dim3A_57 : vector<2000x1xf32>
    %sqrt3A = math.sqrt %add3A_58 : vector<2000x1xf32>
    %max3A_59 = arith.constant 9.99999996E-13 : f32
    %max3A_60 = vector.broadcast %max3A_59 : f32 to vector<2000x1xf32>
    %max3A_61 = arith.maximumf %sqrt3A, %max3A_60 : vector<2000x1xf32>
    %div3A_62 = arith.constant 1.000000e+00 : f32
    %div3A_63 = vector.broadcast %div3A_62 : f32 to vector<2000x1xf32>
    %div3A_64 = arith.divf %div3A_63, %max3A_61 : vector<2000x1xf32>
    %mul3A_65 = vector.broadcast %div3A_64 : vector<2000x1xf32> to vector<2000x64xf32>
    %mul3A_66 = arith.mulf %add3A, %mul3A_65 : vector<2000x64xf32>
    %mul3A_67 = vector.broadcast %div3A_64 : vector<2000x1xf32> to vector<2000x64xf32>
    %mul3A_68 = arith.mulf %add3A_50, %mul3A_67 : vector<2000x64xf32>
    %concatenate3A = tpu.concatenate %mul3A_66, %mul3A_68 in 1 : vector<2000x64xf32>, vector<2000x64xf32> -> vector<2000x128xf32>
    %swap3A = arith.constant 0 : index
    %swap3A_69 = arith.constant 0 : index
    %swap3A_70 = vector.load %arg8[%swap3A, %swap3A_69] : memref<2000x128xf32, #tpu.memory_space<vmem>>, vector<2000x128xf32>
    tpu.vector_store %arg8[%swap3A, %swap3A_69], %concatenate3A {strides = array<i32>} : memref<2000x128xf32, #tpu.memory_space<vmem>>, vector<2000x128xf32>,
    return
  }
  func.func @transform_0(%arg0: i32) -> (i32, i32) {
    %c0_i32 = arith.constant 0 : i32
    %c0_i32_0 = arith.constant 0 : i32
    %c0_i32_1 = arith.constant 0 : i32
    return %c0_i32, %c0_i32_0 : i32, i32
  }
  func.func @transform_1(%arg0: i32) -> (i32, i32) {
    %c0_i32 = arith.constant 0 : i32
    %c0_i32_0 = arith.constant 0 : i32
    return %arg0, %c0_i32 : i32, i32
  }
  func.func @transform_2(%arg0: i32) -> (i32, i32) {
    %c0_i32 = arith.constant 0 : i32
    %c0_i32_0 = arith.constant 0 : i32
    return %arg0, %c0_i32 : i32, i32
  }
  func.func @transform_3(%arg0: i32) -> (i32, i32) {
    %c0_i32 = arith.constant 0 : i32
    %c0_i32_0 = arith.constant 0 : i32
    return %arg0, %c0_i32 : i32, i32
  }
  func.func @transform_4(%arg0: i32) -> (i32, i32) {
    %c0_i32 = arith.constant 0 : i32
    %c0_i32_0 = arith.constant 0 : i32
    return %arg0, %c0_i32 : i32, i32
  }
  func.func @transform_5(%arg0: i32) -> (i32, i32) {
    %c0_i32 = arith.constant 0 : i32
    %c0_i32_0 = arith.constant 0 : i32
    return %arg0, %c0_i32 : i32, i32
  }
  func.func @transform_6(%arg0: i32) -> (i32, i32) {
    %c0_i32 = arith.constant 0 : i32
    %c0_i32_0 = arith.constant 0 : i32
    return %arg0, %c0_i32 : i32, i32
  }
  func.func @transform_7(%arg0: i32) -> (i32, i32) {
    %c0_i32 = arith.constant 0 : i32
    %c0_i32_0 = arith.constant 0 : i32
    return %arg0, %c0_i32 : i32, i32
  }
}

module attributes {stable_mosaic.version = 14 : i64} {
  func.func @_mlp_block(%arg0: i32, %arg1: memref<2x2xf32, #tpu.memory_space<vmem>>, %arg2: memref<64x256xf32, #tpu.memory_space<vmem>>, %arg3: memref<64x256xf32, #tpu.memory_space<vmem>>, %arg4: memref<1x256xf32, #tpu.memory_space<vmem>>, %arg5: memref<256x128xf32, #tpu.memory_space<vmem>>, %arg6: memref<1x128xf32, #tpu.memory_space<vmem>>, %arg7: memref<2000x64xf32, #tpu.memory_space<vmem>>, %arg8: memref<2000x64xf32, #tpu.memory_space<vmem>>, %arg9: memref<2000x64xf32, #tpu.memory_space<vmem>>, %arg10: memref<2000x64xf32, #tpu.memory_space<vmem>>, %arg11: memref<2000x16xf32, #tpu.memory_space<vmem>>, %arg12: memref<2000x16xf32, #tpu.memory_space<vmem>>, %arg13: memref<2000x64xf32, #tpu.memory_space<vmem>>, %arg14: memref<2000x64xf32, #tpu.memory_space<vmem>>) attributes {dimension_semantics = [#tpu.dimension_semantics<arbitrary>], iteration_bounds = array<i64: 5>, scalar_prefetch = 0 : i64, scratch_operands = 0 : i64, tpu.core_type = #tpu.core_type<tc>, window_params = [{pipeline_mode = #tpu.pipeline_mode<synchronous>, transform_indices = @transform_0, window_bounds = array<i64: 2, 2>}, {pipeline_mode = #tpu.pipeline_mode<synchronous>, transform_indices = @transform_1, window_bounds = array<i64: 64, 256>}, {pipeline_mode = #tpu.pipeline_mode<synchronous>, transform_indices = @transform_2, window_bounds = array<i64: 64, 256>}, {pipeline_mode = #tpu.pipeline_mode<synchronous>, transform_indices = @transform_3, window_bounds = array<i64: 1, 256>}, {pipeline_mode = #tpu.pipeline_mode<synchronous>, transform_indices = @transform_4, window_bounds = array<i64: 256, 128>}, {pipeline_mode = #tpu.pipeline_mode<synchronous>, transform_indices = @transform_5, window_bounds = array<i64: 1, 128>}, {transform_indices = @transform_6, window_bounds = array<i64: 2000, 64>}, {transform_indices = @transform_7, window_bounds = array<i64: 2000, 64>}, {transform_indices = @transform_8, window_bounds = array<i64: 2000, 64>}, {transform_indices = @transform_9, window_bounds = array<i64: 2000, 64>}, {transform_indices = @transform_10, window_bounds = array<i64: 2000, 16>}, {transform_indices = @transform_11, window_bounds = array<i64: 2000, 16>}, {transform_indices = @transform_12, window_bounds = array<i64: 2000, 64>}, {transform_indices = @transform_13, window_bounds = array<i64: 2000, 64>}]} {
    %get3A = arith.constant 0 : index
    %get3A_0 = arith.constant 0 : index
    %get3A_1 = vector.load %arg1[%get3A, %get3A_0] : memref<2x2xf32, #tpu.memory_space<vmem>>, vector<2x2xf32>
    %slice3A = vector.extract_strided_slice %get3A_1 {offsets = [0, 0], sizes = [1, 2], strides = [1, 1]} : vector<2x2xf32> to vector<1x2xf32>
    %squeeze3A = vector.shape_cast %slice3A : vector<1x2xf32> to vector<2xf32>
    %reduce_max3A = vector.shape_cast %squeeze3A : vector<2xf32> to vector<1x2xf32>
    %reduce_max3A_2 = arith.constant dense<0xFF800000> : vector<1xf32>
    %reduce_max3A_3 = vector.multi_reduction <maximumf>, %reduce_max3A, %reduce_max3A_2 [1] : vector<1x2xf32> to vector<1xf32>
    %reduce_max3A_4 = vector.shape_cast %reduce_max3A_3 : vector<1xf32> to vector<1x1xf32>
    %reduce_max3A_5 = vector.extract %reduce_max3A_4[0, 0] : f32 from vector<1x1xf32>
    %sub3A = vector.broadcast %reduce_max3A_5 : f32 to vector<2xf32>
    %sub3A_6 = arith.subf %squeeze3A, %sub3A : vector<2xf32>
    %exp3A = math.exp %sub3A_6 : vector<2xf32>
    %reduce_sum3A = vector.shape_cast %exp3A : vector<2xf32> to vector<1x2xf32>
    %reduce_sum3A_7 = arith.constant dense<0.000000e+00> : vector<1xf32>
    %reduce_sum3A_8 = vector.multi_reduction <add>, %reduce_sum3A, %reduce_sum3A_7 [1] : vector<1x2xf32> to vector<1xf32>
    %reduce_sum3A_9 = vector.shape_cast %reduce_sum3A_8 : vector<1xf32> to vector<1x1xf32>
    %reduce_sum3A_10 = vector.extract %reduce_sum3A_9[0, 0] : f32 from vector<1x1xf32>
    %div3A = vector.broadcast %reduce_sum3A_10 : f32 to vector<2xf32>
    %div3A_11 = arith.divf %exp3A, %div3A : vector<2xf32>
    %get3A_12 = arith.constant 0 : index
    %get3A_13 = arith.constant 0 : index
    %get3A_14 = vector.load %arg11[%get3A_12, %get3A_13] : memref<2000x16xf32, #tpu.memory_space<vmem>>, vector<2000x1xf32>
    %get3A_15 = arith.constant 0 : index
    %get3A_16 = arith.constant 0 : index
    %get3A_17 = vector.load %arg12[%get3A_15, %get3A_16] : memref<2000x16xf32, #tpu.memory_space<vmem>>, vector<2000x1xf32>
    %slice3A_18 = vector.extract_strided_slice %div3A_11 {offsets = [0], sizes = [1], strides = [1]} : vector<2xf32> to vector<1xf32>
    %squeeze3A_19 = vector.extract %slice3A_18[0] : f32 from vector<1xf32>
    %max3A = arith.constant 1.000000e+00 : f32
    %max3A_20 = vector.broadcast %max3A : f32 to vector<2000x1xf32>
    %max3A_21 = arith.maximumf %get3A_14, %max3A_20 : vector<2000x1xf32>
    %div3A_22 = vector.broadcast %squeeze3A_19 : f32 to vector<2000x1xf32>
    %div3A_23 = arith.divf %div3A_22, %max3A_21 : vector<2000x1xf32>
    %slice3A_24 = vector.extract_strided_slice %div3A_11 {offsets = [1], sizes = [1], strides = [1]} : vector<2xf32> to vector<1xf32>
    %squeeze3A_25 = vector.extract %slice3A_24[0] : f32 from vector<1xf32>
    %max3A_26 = arith.constant 1.000000e+00 : f32
    %max3A_27 = vector.broadcast %max3A_26 : f32 to vector<2000x1xf32>
    %max3A_28 = arith.maximumf %get3A_17, %max3A_27 : vector<2000x1xf32>
    %div3A_29 = vector.broadcast %squeeze3A_25 : f32 to vector<2000x1xf32>
    %div3A_30 = arith.divf %div3A_29, %max3A_28 : vector<2000x1xf32>
    %get3A_31 = arith.constant 0 : index
    %get3A_32 = arith.constant 0 : index
    %get3A_33 = vector.load %arg7[%get3A_31, %get3A_32] : memref<2000x64xf32, #tpu.memory_space<vmem>>, vector<2000x64xf32>
    %mul3A = vector.broadcast %div3A_23 : vector<2000x1xf32> to vector<2000x64xf32>
    %mul3A_34 = arith.mulf %get3A_33, %mul3A : vector<2000x64xf32>
    %get3A_35 = arith.constant 0 : index
    %get3A_36 = arith.constant 0 : index
    %get3A_37 = vector.load %arg9[%get3A_35, %get3A_36] : memref<2000x64xf32, #tpu.memory_space<vmem>>, vector<2000x64xf32>
    %mul3A_38 = vector.broadcast %div3A_30 : vector<2000x1xf32> to vector<2000x64xf32>
    %mul3A_39 = arith.mulf %get3A_37, %mul3A_38 : vector<2000x64xf32>
    %add3A = arith.addf %mul3A_34, %mul3A_39 : vector<2000x64xf32>
    %get3A_40 = arith.constant 0 : index
    %get3A_41 = arith.constant 0 : index
    %get3A_42 = vector.load %arg8[%get3A_40, %get3A_41] : memref<2000x64xf32, #tpu.memory_space<vmem>>, vector<2000x64xf32>
    %mul3A_43 = vector.broadcast %div3A_23 : vector<2000x1xf32> to vector<2000x64xf32>
    %mul3A_44 = arith.mulf %get3A_42, %mul3A_43 : vector<2000x64xf32>
    %get3A_45 = arith.constant 0 : index
    %get3A_46 = arith.constant 0 : index
    %get3A_47 = vector.load %arg10[%get3A_45, %get3A_46] : memref<2000x64xf32, #tpu.memory_space<vmem>>, vector<2000x64xf32>
    %mul3A_48 = vector.broadcast %div3A_30 : vector<2000x1xf32> to vector<2000x64xf32>
    %mul3A_49 = arith.mulf %get3A_47, %mul3A_48 : vector<2000x64xf32>
    %add3A_50 = arith.addf %mul3A_44, %mul3A_49 : vector<2000x64xf32>
    %get3A_51 = arith.constant 0 : index
    %get3A_52 = arith.constant 0 : index
    %get3A_53 = vector.load %arg2[%get3A_51, %get3A_52] : memref<64x256xf32, #tpu.memory_space<vmem>>, vector<64x256xf32>
    %dot_general3A = arith.constant dense<0.000000e+00> : vector<2000x256xf32>
    %dot_general3A_54 = tpu.matmul %add3A, %get3A_53, %dot_general3A {dimension_numbers = #tpu.dot_dimension_numbers<[1], [0], [0], [1], [0, 0, 1, 1], [], []>, transpose_lhs_hint = false} : vector<2000x64xf32>, vector<64x256xf32>, vector<2000x256xf32> -> vector<2000x256xf32>
    %get3A_55 = arith.constant 0 : index
    %get3A_56 = arith.constant 0 : index
    %get3A_57 = vector.load %arg3[%get3A_55, %get3A_56] : memref<64x256xf32, #tpu.memory_space<vmem>>, vector<64x256xf32>
    %dot_general3A_58 = arith.constant dense<0.000000e+00> : vector<2000x256xf32>
    %dot_general3A_59 = tpu.matmul %add3A_50, %get3A_57, %dot_general3A_58 {dimension_numbers = #tpu.dot_dimension_numbers<[1], [0], [0], [1], [0, 0, 1, 1], [], []>, transpose_lhs_hint = false} : vector<2000x64xf32>, vector<64x256xf32>, vector<2000x256xf32> -> vector<2000x256xf32>
    %add3A_60 = arith.addf %dot_general3A_54, %dot_general3A_59 : vector<2000x256xf32>
    %slice3A_61 = vector.extract_strided_slice %div3A_11 {offsets = [0], sizes = [1], strides = [1]} : vector<2xf32> to vector<1xf32>
    %squeeze3A_62 = vector.extract %slice3A_61[0] : f32 from vector<1xf32>
    %min3A = arith.constant 1.000000e+00 : f32
    %min3A_63 = vector.broadcast %min3A : f32 to vector<2000x1xf32>
    %min3A_64 = arith.minimumf %get3A_14, %min3A_63 : vector<2000x1xf32>
    %mul3A_65 = vector.broadcast %squeeze3A_62 : f32 to vector<2000x1xf32>
    %mul3A_66 = arith.mulf %mul3A_65, %min3A_64 : vector<2000x1xf32>
    %slice3A_67 = vector.extract_strided_slice %div3A_11 {offsets = [1], sizes = [1], strides = [1]} : vector<2xf32> to vector<1xf32>
    %squeeze3A_68 = vector.extract %slice3A_67[0] : f32 from vector<1xf32>
    %min3A_69 = arith.constant 1.000000e+00 : f32
    %min3A_70 = vector.broadcast %min3A_69 : f32 to vector<2000x1xf32>
    %min3A_71 = arith.minimumf %get3A_17, %min3A_70 : vector<2000x1xf32>
    %mul3A_72 = vector.broadcast %squeeze3A_68 : f32 to vector<2000x1xf32>
    %mul3A_73 = arith.mulf %mul3A_72, %min3A_71 : vector<2000x1xf32>
    %add3A_74 = arith.addf %mul3A_66, %mul3A_73 : vector<2000x1xf32>
    %get3A_75 = arith.constant 0 : index
    %get3A_76 = arith.constant 0 : index
    %get3A_77 = vector.load %arg4[%get3A_75, %get3A_76] : memref<1x256xf32, #tpu.memory_space<vmem>>, vector<1x256xf32>
    %mul3A_78 = vector.broadcast %add3A_74 : vector<2000x1xf32> to vector<2000x256xf32>
    %mul3A_79 = vector.broadcast %get3A_77 : vector<1x256xf32> to vector<2000x256xf32>
    %mul3A_80 = arith.mulf %mul3A_78, %mul3A_79 : vector<2000x256xf32>
    %add3A_81 = arith.addf %add3A_60, %mul3A_80 : vector<2000x256xf32>
    %ge3A = arith.constant 0.000000e+00 : f32
    %ge3A_82 = vector.broadcast %ge3A : f32 to vector<2000x256xf32>
    %ge3A_83 = arith.cmpf oge, %add3A_81, %ge3A_82 : vector<2000x256xf32>
    %mul3A_84 = arith.constant 2.000000e-01 : f32
    %mul3A_85 = vector.broadcast %mul3A_84 : f32 to vector<2000x256xf32>
    %mul3A_86 = arith.mulf %mul3A_85, %add3A_81 : vector<2000x256xf32>
    %select_n3A = arith.select %ge3A_83, %add3A_81, %mul3A_86 : vector<2000x256xi1>, vector<2000x256xf32>
    %get3A_87 = arith.constant 0 : index
    %get3A_88 = arith.constant 0 : index
    %get3A_89 = vector.load %arg5[%get3A_87, %get3A_88] : memref<256x128xf32, #tpu.memory_space<vmem>>, vector<256x128xf32>
    %dot_general3A_90 = arith.constant dense<0.000000e+00> : vector<2000x128xf32>
    %dot_general3A_91 = tpu.matmul %select_n3A, %get3A_89, %dot_general3A_90 {dimension_numbers = #tpu.dot_dimension_numbers<[1], [0], [0], [1], [0, 0, 1, 1], [], []>, transpose_lhs_hint = false} : vector<2000x256xf32>, vector<256x128xf32>, vector<2000x128xf32> -> vector<2000x128xf32>
    %get3A_92 = arith.constant 0 : index
    %get3A_93 = arith.constant 0 : index
    %get3A_94 = vector.load %arg6[%get3A_92, %get3A_93] : memref<1x128xf32, #tpu.memory_space<vmem>>, vector<1x128xf32>
    %add3A_95 = vector.broadcast %get3A_94 : vector<1x128xf32> to vector<2000x128xf32>
    %add3A_96 = arith.addf %dot_general3A_91, %add3A_95 : vector<2000x128xf32>
    %slice3A_97 = vector.extract_strided_slice %add3A_96 {offsets = [0, 0], sizes = [2000, 64], strides = [1, 1]} : vector<2000x128xf32> to vector<2000x64xf32>
    %swap3A = arith.constant 0 : index
    %swap3A_98 = arith.constant 0 : index
    %swap3A_99 = vector.load %arg13[%swap3A, %swap3A_98] : memref<2000x64xf32, #tpu.memory_space<vmem>>, vector<2000x64xf32>
    tpu.vector_store %arg13[%swap3A, %swap3A_98], %slice3A_97 {strides = array<i32>} : memref<2000x64xf32, #tpu.memory_space<vmem>>, vector<2000x64xf32>,
    %slice3A_100 = vector.extract_strided_slice %add3A_96 {offsets = [0, 64], sizes = [2000, 64], strides = [1, 1]} : vector<2000x128xf32> to vector<2000x64xf32>
    %swap3A_101 = arith.constant 0 : index
    %swap3A_102 = arith.constant 0 : index
    %swap3A_103 = vector.load %arg14[%swap3A_101, %swap3A_102] : memref<2000x64xf32, #tpu.memory_space<vmem>>, vector<2000x64xf32>
    tpu.vector_store %arg14[%swap3A_101, %swap3A_102], %slice3A_100 {strides = array<i32>} : memref<2000x64xf32, #tpu.memory_space<vmem>>, vector<2000x64xf32>,
    return
  }
  func.func @transform_0(%arg0: i32) -> (i32, i32) {
    %c0_i32 = arith.constant 0 : i32
    %c0_i32_0 = arith.constant 0 : i32
    %c0_i32_1 = arith.constant 0 : i32
    return %c0_i32, %c0_i32_0 : i32, i32
  }
  func.func @transform_1(%arg0: i32) -> (i32, i32) {
    %c0_i32 = arith.constant 0 : i32
    %c0_i32_0 = arith.constant 0 : i32
    %c0_i32_1 = arith.constant 0 : i32
    return %c0_i32, %c0_i32_0 : i32, i32
  }
  func.func @transform_2(%arg0: i32) -> (i32, i32) {
    %c0_i32 = arith.constant 0 : i32
    %c0_i32_0 = arith.constant 0 : i32
    %c0_i32_1 = arith.constant 0 : i32
    return %c0_i32, %c0_i32_0 : i32, i32
  }
  func.func @transform_3(%arg0: i32) -> (i32, i32) {
    %c0_i32 = arith.constant 0 : i32
    %c0_i32_0 = arith.constant 0 : i32
    %c0_i32_1 = arith.constant 0 : i32
    return %c0_i32, %c0_i32_0 : i32, i32
  }
  func.func @transform_4(%arg0: i32) -> (i32, i32) {
    %c0_i32 = arith.constant 0 : i32
    %c0_i32_0 = arith.constant 0 : i32
    %c0_i32_1 = arith.constant 0 : i32
    return %c0_i32, %c0_i32_0 : i32, i32
  }
  func.func @transform_5(%arg0: i32) -> (i32, i32) {
    %c0_i32 = arith.constant 0 : i32
    %c0_i32_0 = arith.constant 0 : i32
    %c0_i32_1 = arith.constant 0 : i32
    return %c0_i32, %c0_i32_0 : i32, i32
  }
  func.func @transform_6(%arg0: i32) -> (i32, i32) {
    %c0_i32 = arith.constant 0 : i32
    %c0_i32_0 = arith.constant 0 : i32
    return %arg0, %c0_i32 : i32, i32
  }
  func.func @transform_7(%arg0: i32) -> (i32, i32) {
    %c0_i32 = arith.constant 0 : i32
    %c0_i32_0 = arith.constant 0 : i32
    return %arg0, %c0_i32 : i32, i32
  }
  func.func @transform_8(%arg0: i32) -> (i32, i32) {
    %c0_i32 = arith.constant 0 : i32
    %c0_i32_0 = arith.constant 0 : i32
    return %arg0, %c0_i32 : i32, i32
  }
  func.func @transform_9(%arg0: i32) -> (i32, i32) {
    %c0_i32 = arith.constant 0 : i32
    %c0_i32_0 = arith.constant 0 : i32
    return %arg0, %c0_i32 : i32, i32
  }
  func.func @transform_10(%arg0: i32) -> (i32, i32) {
    %c0_i32 = arith.constant 0 : i32
    %c0_i32_0 = arith.constant 0 : i32
    return %arg0, %c0_i32 : i32, i32
  }
  func.func @transform_11(%arg0: i32) -> (i32, i32) {
    %c0_i32 = arith.constant 0 : i32
    %c0_i32_0 = arith.constant 0 : i32
    return %arg0, %c0_i32 : i32, i32
  }
  func.func @transform_12(%arg0: i32) -> (i32, i32) {
    %c0_i32 = arith.constant 0 : i32
    %c0_i32_0 = arith.constant 0 : i32
    return %arg0, %c0_i32 : i32, i32
  }
  func.func @transform_13(%arg0: i32) -> (i32, i32) {
    %c0_i32 = arith.constant 0 : i32
    %c0_i32_0 = arith.constant 0 : i32
    return %arg0, %c0_i32 : i32, i32
  }
}

</mosaic_0001>

<sc_bundles>
// kernel: kernel.6.cloned.1.call-start
scs
__scs_entry_jumppad:
0x0: {  	(pc) =	sbr.rel $0x88, $3  }
0x1: {  	(tag) =	ssettag $0x0;
	lr =	simm.s32 $0x1  }
0x2: {  	[smem:$0x3F97] =	sst lr;
	_ =	strace $0xD0000000  }
0x3: {  	_ = 	snop  }
0x4: {  	_ = 	snop  }
0x5: {  	_ = 	snop  }
0x6: {  	_ = 	snop  }
0x7: {  	_ = 	snop  }
__scs_overlays_trampoline_lowered:
0x8: {  	[smem:$0x3FA6] =	sst s0  }
0x9: {  	[smem:$0x3FA7] =	sst s1  }
0xa: {  	[smem:$0x3FA8] =	sst s2  }
0xb: {  	[smem:$0x3FA9] =	sst s3  }
0xc: {  	[smem:$0x3FAA] =	sst s4  }
0xd: {  	[smem:$0x3FAB] =	sst s5  }
0xe: {  	[smem:$0x3FAC] =	sst s6  }
0xf: {  	[smem:$0x3FAD] =	sst s7  }
0x10: {  	[smem:$0x3FAE] =	sst s8  }
0x11: {  	[smem:$0x3FAF] =	sst s9;
	s0 =	simm.s32 @!p0 $0x0  }
0x12: {  	s1 =	sld [smem:$0x3F95];
	s0 =	simm.s32 @p0 $0x1  }
0x13: {  	[smem:$0x3FB0] =	sst s0;
	s0 =	simm.s32 @!p1 $0x0  }
0x14: {  	s2 =	sld [smem:$0x3F94];
	s0 =	simm.s32 @p1 $0x1  }
0x15: {  	[smem:$0x3FB1] =	sst s0;
	s0 =	simm.s32 @!p2 $0x0  }
0x16: {  	s3 =	sld [smem:$0x3FDB];
	s0 =	simm.s32 @p2 $0x1  }
0x17: {  	s4 =	simm.s32 $0x1BF5;
	[smem:$0x3FB3] =	sst s0  }
0x18: {  	s0 =	sld [smem:$0x3F96];
	_ =	swait.ge [sflag:s4], $0x0  }
0x19: {  	s7 =	sld [smem:$0x3F97]  }
0x1a: {  	s8 =	sadd.s32 $0xFFFFE003, lr  }
0x1b: {  	s9 =	sadd.s32 $0xFFFFFEF7, lr;
	s5 =	simm.s32 $0xFFFFFFFF;
	p2 =	slt.u32 s8, $0xFFFFF086  }
0x1c: {  	p1 =	slt.u32 s9, $0xF7A;
	s5 =	simm.s32 @!p2 $0x0  }
0x1d: {  	s5 =	simm.s32 @p1 $0x1;
	p0 =	seq.s32 s7, s2  }
0x1e: {  	s7 =	smul.u32 @!p0 $0xF7A, s2;
	p2 =	seq.s32 @!p0 s5, $0x0  }
0x1f: {  	s9 =	smul.u32 $0xF7A, s1;
	s8 =	simm.s32 @!p0 $0x1BF5;
	p2 =	por !p2, p0  }
0x20: {  	[sflag:s8] =	ssyncset.s32 @!p0 $0xFFFFF086;
	s6 =	sadd.s32 @!p0 s3, s7;
	s7 =	simm.s32 @!p0 $0x108  }
0x21: {  	s3 =	sadd.s32 s3, s9;
	s6 =	sadd.s32 @!p0 $0x88, s6;
	s7 =	simm.s32 @p2 $0x1082  }
0x22: {  	[simem:s7], [sflag:s8] =	dma.local @!p0 [hbm:s6], $0xF7A  }
0x23: {  	s9 =	sor.u32 $0xD0000000, s2;
	s6 =	simm.s32 $0x108;
	_ =	swait.ge @!p0 [sflag:s8], $0x0  }
0x24: {  	s3 =	sadd.s32 $0x88, s3;
	s6 =	simm.s32 @!p1 $0x1082;
	[sflag:s4] =	ssyncset.s32 $0xFFFFF086  }
0x25: {  	[simem:s6], [sflag:s4] =	dma.local [hbm:s3], $0xF7A  }
0x26: {  	[smem:$0x3F97] =	sst s1;
	(tag) =	ssettag s2;
	_ =	strace s9  }
0x27: {  	s1 =	sld [smem:$0x3FA7]  }
0x28: {  	s2 =	sld [smem:$0x3FA8]  }
0x29: {  	s4 =	sld [smem:$0x3FAA]  }
0x2a: {  	p0 =	seq.s32 s5, $0x0;
	s5 =	sld [smem:$0x3FAB]  }
0x2b: {  	s6 =	sld [smem:$0x3FAC]  }
0x2c: {  	s7 =	sld [smem:$0x3FAD]  }
0x2d: {  	s3 =	simm.s32 $0x108;
	s8 =	sld [smem:$0x3FAE]  }
0x2e: {  	s3 =	simm.s32 @!p0 $0x1082;
	s9 =	sld [smem:$0x3FAF]  }
0x2f: {  	lr =	sadd.s32 s0, s3;
	s0 =	sld [smem:$0x3FA6]  }
0x30: {  	s3 =	sld [smem:$0x3FA9]  }
0x31: {  	[smem:$0x3FB2] =	sst s10  }
0x32: {  	s10 =	sld [smem:$0x3FB0];
	_ =	sdelay $0x3  }
0x33: {  	p0 =	seq.s32 s10, $0x1;
	s10 =	sld [smem:$0x3FB2];
	_ =	sdelay $0x3  }
0x34: {  	[smem:$0x3FB2] =	sst s10  }
0x35: {  	s10 =	sld [smem:$0x3FB1];
	_ =	sdelay $0x3  }
0x36: {  	p1 =	seq.s32 s10, $0x1;
	s10 =	sld [smem:$0x3FB2];
	_ =	sdelay $0x3  }
0x37: {  	[smem:$0x3FB2] =	sst s10  }
0x38: {  	s10 =	sld [smem:$0x3FB3]  }
0x39: {  	_ = 	snop;
	(pc) =	sbr.ind lr, $3  }
0x3a: {  	_ = 	snop  }
0x3b: {  	_ = 	snop  }
0x3c: {  	p2 =	seq.s32 s10, $0x1;
	s10 =	sld [smem:$0x3FB2]  }
0x3d: {  	_ =	shalt  }
0x3e: {  	_ =	shalt  }
0x3f: {  	_ =	shalt  }
0x40: {  	_ =	shalt  }
0x41: {  	_ =	shalt  }
0x42: {  	_ =	shalt  }
0x43: {  	_ =	shalt  }
0x44: {  	_ =	shalt  }
0x45: {  	_ =	shalt  }
0x46: {  	_ =	shalt  }
0x47: {  	_ =	shalt  }
0x48: {  	_ =	shalt  }
0x49: {  	_ =	shalt  }
0x4a: {  	_ =	shalt  }
0x4b: {  	_ =	shalt  }
0x4c: {  	_ =	shalt  }
0x4d: {  	_ =	shalt  }
0x4e: {  	_ =	shalt  }
0x4f: {  	_ =	shalt  }
0x50: {  	_ =	shalt  }
0x51: {  	_ =	shalt  }
0x52: {  	_ =	shalt  }
0x53: {  	_ =	shalt  }
0x54: {  	_ =	shalt  }
0x55: {  	_ =	shalt  }
0x56: {  	_ =	shalt  }
0x57: {  	_ =	shalt  }
0x58: {  	_ =	shalt  }
0x59: {  	_ =	shalt  }
0x5a: {  	_ =	shalt  }
0x5b: {  	_ =	shalt  }
0x5c: {  	_ =	shalt  }
0x5d: {  	_ =	shalt  }
0x5e: {  	_ =	shalt  }
0x5f: {  	_ =	shalt  }
0x60: {  	_ =	shalt  }
0x61: {  	_ =	shalt  }
0x62: {  	_ =	shalt  }
0x63: {  	_ =	shalt  }
0x64: {  	_ =	shalt  }
0x65: {  	_ =	shalt  }
0x66: {  	_ =	shalt  }
0x67: {  	_ =	shalt  }
0x68: {  	_ =	shalt  }
0x69: {  	_ =	shalt  }
0x6a: {  	_ =	shalt  }
0x6b: {  	_ =	shalt  }
0x6c: {  	_ =	shalt  }
0x6d: {  	_ =	shalt  }
0x6e: {  	_ =	shalt  }
0x6f: {  	_ =	shalt  }
0x70: {  	_ =	shalt  }
0x71: {  	_ =	shalt  }
0x72: {  	_ =	shalt  }
0x73: {  	_ =	shalt  }
0x74: {  	_ =	shalt  }
0x75: {  	_ =	shalt  }
0x76: {  	_ =	shalt  }
0x77: {  	_ =	shalt  }
0x78: {  	_ =	shalt  }
0x79: {  	_ =	shalt  }
0x7a: {  	_ =	shalt  }
0x7b: {  	_ =	shalt  }
0x7c: {  	_ =	shalt  }
0x7d: {  	_ =	shalt  }
0x7e: {  	_ =	shalt  }
0x7f: {  	_ =	shalt  }
0x80: {  	_ =	shalt  }
0x81: {  	_ =	shalt  }
0x82: {  	_ =	shalt  }
0x83: {  	_ =	shalt  }
0x84: {  	_ =	shalt  }
0x85: {  	_ =	shalt  }
0x86: {  	_ =	shalt  }
0x87: {  	_ =	shalt  }
.Lfunc_end0:
.L_simem_size_0:
called_computation_lowered:
.L_overlay_start_0:
0x88: {  	s2 =	sld [smem:$0x3FD9]  }
0x89: {  	s3 =	sld [smem:$0x3FFE];
	_ =	sdelay $0x1  }
0x8a: {  	s1 =	srdreg.scid  }
0x8b: {  	s0 =	sand.u32 $0x1, s1  }
0x8c: {  	s17 =	sshll.u32 s0, $0xA;
	s2 =	sadd.s32 s3, s2  }
0x8d: {  	s2 =	sadd.s32 s2, s17  }
0x8e: {  	[smem:$0x3FBE] =	sst s2  }
0x8f: {  	_ = 	snop  }
0x90: {  	s2 =	sld [smem:$0x3FD0];
	(tm) =	ssettm $0x1  }
0x91: {  	s18 =	sld [smem:$0x3FFB];
	_ =	sdelay $0x3  }
0x92: {  	_ =	strace s18  }
0x93: {  	s3 =	sld [smem:$0x3FFC];
	_ =	sdelay $0x3  }
0x94: {  	_ =	strace s3  }
0x95: {  	s3 =	sld [smem:$0x3FFD];
	_ =	sdelay $0x3  }
0x96: {  	_ =	strace s3  }
0x97: {  	_ =	strace $0x8FFFFFFF  }
0x98: {  	s19 =	sld [smem:$0x3FDB];
	_ =	sdelay $0x1  }
0x99: {  	s4 =	simm.s32 $_scs_section_size  }
0x9a: {  	s5 =	simm.s32 $_size__tile_overlayer_lowered;
	s6 =	simm.s32 $_tile_overlayer_lowered  }
0x9b: {  	s22 =	simm.s32 $0x1BFF;
	s21 =	sshll.u32 s6, $0x1;
	s3 =	sadd.s32 s4, s19  }
0x9c: {  	s7 =	simm.s32 $0x0;
	s20 =	sshll.u32 s5, $0x1;
	s5 =	sadd.s32 s21, s3  }
0x9d: {  	[timem:s7], [sflag:s22] =	dma.local [hbm:s5], s20  }
0x9e: {  	_ =	swait.ge [sflag:s22], s20  }
0x9f: {  	s4 =	ssub.s32 $0x0, s20;
	[sflag:s22] =	ssyncset.done $0x0  }
0xa0: {  	[sflag:s22] =	ssyncadd.s32 s4;
	_ =	sdelay $0x1  }
0xa1: {  	s23 =	simm.s32 $0x1B8B  }
0xa2: {  	_ =	swait.ge [sflag:s23], $0x1  }
0xa3: {  	[sflag:s23] =	ssyncset.done $0x0  }
0xa4: {  	s25 =	simm.s32 $0x1B8E;
	s24 =	sld [smem:$0x3FFE];
	[sflag:s23] =	ssyncadd.s32 $0xFFFFFFFF  }
0xa5: {  	s26 =	simm.s32 $execute0_lowered;
	[smem:$0x3FD2] =	sst s25  }
0xa6: {  	s5 =	sshll.u32 s26, $0x1;
	_ =	strace $0x80000046;
	[dreg:$0x1] =	wrdreg $0xFFFFFFFF  }
0xa7: {  	s28 =	simm.s32 $_size_execute0_lowered;
	s3 =	sadd.s32 s3, s5;
	[dreg:$0x0] =	wrdreg $0x0  }
0xa8: {  	s5 =	sshll.u32 s28, $0x1;
	[dreg:$0x2] =	wrdreg s3  }
0xa9: {  	[dreg:$0x3] =	wrdreg s5  }
0xaa: {  	[dreg:$0x4] =	wrdreg $0xC0  }
0xab: {  	_ =	task [dreg:s7], $0x5FFFF  }
0xac: {  	[dreg:$0x1] =	wrdreg $0xFFFFFFFF  }
0xad: {  	[dreg:$0x0] =	wrdreg $0x60  }
0xae: {  	[dreg:$0x2] =	wrdreg s24  }
0xaf: {  	[dreg:$0x3] =	wrdreg s2  }
0xb0: {  	[dreg:$0x4] =	wrdreg $0x12CA00  }
0xb1: {  	[dreg:$0x5] =	wrdreg $0x1CCA00  }
0xb2: {  	[dreg:$0x6] =	wrdreg $0x9  }
0xb3: {  	_ =	task.clear_ibuf [dreg:s7], $0x7FFFF;
	_ =	strace $0x90000046  }
0xb4: {  	s29 =	simm.s32 $0x9;
	_ =	strace $0x80000048  }
0xb5: {  	_ =	swait.ge [sflag:s29], $0x1  }
0xb6: {  	[sflag:s29] =	ssyncadd.s32 $0xFFFFFFFF  }
0xb7: {  	_ =	strace $0x90000048  }
0xb8: {  	_ =	sfence  }
0xb9: {  	s30 =	sld [smem:$0x0];
	_ =	sdelay $0x2  }
0xba: {  	s31 =	sshll.u32 s1, $0xD;
	s1 =	sshrl.u32 s1, $0x2  }
0xbb: {  	s3 =	sand.u32 $0x4000, s31;
	s1 =	sadd.s32 s1, s30  }
0xbc: {  	s0 =	sor.u32 s3, s0;
	s1 =	sshll.u32 s1, $0x11  }
0xbd: {  	s0 =	sor.u32 s1, s0  }
0xbe: {  	s0 =	sadd.s32 $0x8F2B, s0  }
0xbf: {  	[sflag:s0] =	ssyncadd.remote.s32 $0x1  }
0xc0: {  	_ =	sfence.sel $0xFFFF  }
0xc1: {  	[dreg:$0x0] =	wrdreg $0xFFFFFFFF;
	(pc) =	sbr.abs _section_cstart, $3  }
0xc2: {  	[dreg:$0x1] =	wrdreg $0xFFFFFFFF  }
0xc3: {  	_ =	task.clear_ibuf [dreg:s7], $0x2FFFF;
	_ =	strace $0x9FFFFFFF  }
0xc4: {  	(tm) =	ssettm $0x7FFFFFFF  }
0xc5: {  	_ =	shalt  }
tec
execute0_lowered:
.L_overlay_start_1:
0x0: {  	(tag) =	ssettag $0x1  }
0x1: {  	s0 =	rddreg [dreg:$0x0]  }
0x2: {  	s1 =	rddreg [dreg:$0x1]  }
0x3: {  	s2 =	rddreg [dreg:$0x2]  }
0x4: {  	s3 =	rddreg [dreg:$0x3];
	s4 =	simm.s32 $0x0;
	s7 =	stileid.u32  }
0x5: {  	s11 =	srdreg.scid;
	s30 =	simm.s32 $0xFA;
	s31 =	simm.s32 $0xA000  }
0x6: {  	s28 =	simm.s32 $0x0;
	[smem:$0x7FF] =	sst s4;
	s8 =	smul.u32 $0x2800, s7  }
0x7: {  	s9 =	smul.u32 $0x500, s7;
	s5 =	sadd.s32 $0x15000, s0;
	s6 =	sadd.s32 $0x1600, s0  }
0x8: {  	s12 =	sadd.s32 $0x87A00, s0;
	s19 =	sadd.s32 $0x73A00, s0;
	s11 =	sand.u32 $0x1, s11  }
0x9: {  	s20 =	sadd.s32 $0x5FA00, s0;
	_ =	strace $0x80000047;
	[dreg:$0x5] =	wrdreg s12  }
0xa: {  	s13 =	smul.u32 $0xA000, s7;
	s14 =	sadd.s32 $0x4BA00, s0;
	[dreg:$0x6] =	wrdreg s19  }
0xb: {  	s22 =	sadd.s32 $0x46A00, s0;
	s25 =	sshll.u32 s7, $0x6;
	[dreg:$0x7] =	wrdreg s20  }
0xc: {  	s7 =	simm.s32 $0x2800;
	s21 =	ssub.s32 $0x2, s11;
	[dreg:$0x8] =	wrdreg s14  }
0xd: {  	[dreg:$0x9] =	wrdreg s22;
	s17 =	sor.u32 $0x1C03, s25;
	p0 =	sne.s32 s11, $0x0  }
0xe: {  	s25 =	simm.s32 $0x3;
	s18 =	sshrl.u32 s8, $0x3;
	s9 =	sadd.s32 s9, s0  }
0xf: {  	s23 =	sshrl.u32 s21, $0x1;
	s14 =	sshrl.u32 s13, $0x3;
	s26 =	sadd.s32 s13, s2  }
0x10: {  	s19 =	sadd.s32 s8, s3;
	s8 =	simm.s32 $0x1;
	s10 =	sadd.s32 s18, s0  }
.Ltmp0:
0x11: {  	s0 =	sadd.s32 $0x41A00, s0;
	s24 =	ssub.s32 s21, s23;
	(pc) =	sbr.rel .LBB2_1-.Ltmp0, $4  }
0x12: {  	s16 =	sadd.s32 s1, s14;
	s29 =	sadd.s32 $0x37A00, s9;
	s21 =	sadd.s32 $0x32A00, s9  }
0x13: {  	s22 =	sadd.s32 $0x2DA00, s9;
	s23 =	sadd.s32 $0x28A00, s9;
	s1 =	simm.s32 $0xDE80  }
0x14: {  	s9 =	simm.s32 $0x11D00;
	[dreg:$0xa] =	wrdreg s0;
	s20 =	sadd.s32 $0x3CA00, s10  }
0x15: {  	v0 =	vimm.f32 $1.000000000e+00;
	s24 =	smax.u32 s24, $0x1;
	s10 =	simm.s32 $0x2;
	s0 =	simm.s32 $0x4  }
.LBB2_16:
0x16: {  	[sflag:s25] =	ssyncadd.s32 $0xFFFFF060  }
0x17: {  	_ =	swait.ge [sflag:s8], $0x3E80  }
0x18: {  	[sflag:s8] =	ssyncset.done $0x0  }
0x19: {  	s7 =	simm.s32 $0x7600;
	[sflag:s8] =	ssyncadd.s32 $0xFFFFC180  }
0x1a: {  	[spmem:s2] =	stream.indirect.scatter.add.f32 [tilespmem:s31], [sflag:$0x3], $0x40, s7, s30, $0xb8;
	[tilespmem:$0x1F4A0] =	vst v63  }
0x1b: {  	_ =	swait.ge [sflag:s25], $0x3E80  }
0x1c: {  	[sflag:s25] =	ssyncset.done $0x0  }
0x1d: {  	[sflag:s25] =	ssyncadd.s32 $0xFFFFC180  }
0x1e: {  	[spmem:s3] =	stream.indirect.scatter.add.f32 [tilespmem:s9], [sflag:$0x3], $0x10, s7, s30, $0xb8;
	[tilespmem:$0x1F4A0] =	vst v63  }
0x1f: {  	_ =	swait.ge [sflag:s25], $0xFA0  }
0x20: {  	[sflag:s25] =	ssyncset.done $0x0  }
0x21: {  	[sflag:s25] =	ssyncadd.s32 $0xFFFFF060  }
0x22: {  	_ =	swait.ge [sflag:s10], $0x3E80  }
0x23: {  	[sflag:s10] =	ssyncset.done $0x0  }
0x24: {  	s18 =	simm.s32 $0x7700;
	[sflag:s10] =	ssyncadd.s32 $0xFFFFC180  }
0x25: {  	[spmem:s2] =	stream.indirect.scatter.add.f32 [tilespmem:s1], [sflag:$0x3], $0x40, s18, s30, $0xb8;
	[tilespmem:$0x1F4A0] =	vst v63  }
0x26: {  	_ =	swait.ge [sflag:s25], $0x3E80  }
0x27: {  	[sflag:s25] =	ssyncset.done $0x0  }
0x28: {  	[sflag:s25] =	ssyncadd.s32 $0xFFFFC180  }
0x29: {  	[spmem:s3] =	stream.indirect.scatter.add.f32 [tilespmem:s9], [sflag:$0x3], $0x10, s18, s30, $0xb8;
	[tilespmem:$0x1F4A0] =	vst v63  }
0x2a: {  	s18 =	smov.u32 s26;
	s26 =	smov.u32 s19;
	s19 =	smov.u32 s20  }
0x2b: {  	s20 =	smov.u32 s29;
	s29 =	smov.u32 s21;
	s21 =	smov.u32 s22  }
0x2c: {  	s22 =	smov.u32 s23;
	s23 =	smov.u32 s24;
	_ =	swait.ge [sflag:s25], $0xFA0  }
0x2d: {  	s24 =	smov.u32 s4;
	[sflag:s25] =	ssyncset.done $0x0;
	s15 =	rddreg [dreg:$0x8]  }
0x2e: {  	s4 =	simm.s32 $0x0;
	s12 =	rddreg [dreg:$0xa];
	[sflag:s25] =	ssyncadd.s32 $0xFFFFF060  }
.LBB2_17:
0x2f: {  	s7 =	sadd.s32 s15, s14;
	[bflag:$0x0] =	sbarrier.arrive $0xFFFF  }
0x30: {  	[hbm:s7], [sflag:s17] =	dma.local [spmem:s11], $0x1400  }
0x31: {  	s28 =	sadd.s32 $0x1, s28;
	_ =	swait.ge [sflag:s25], $0x1400  }
0x32: {  	p1 =	sne.s32 s28, s24;
	[sflag:s25] =	ssyncset.done $0x0  }
.Ltmp1:
0x33: {  	s15 =	sadd.s32 s12, s18;
	[sflag:s25] =	ssyncadd.s32 $0xFFFFEC00;
	(pc) =	sbr.rel @!p1 .LBB2_18-.Ltmp1, $4  }
0x34: {  	[hbm:s15], [sflag:s17] =	dma.local [spmem:s13], $0x500  }
0x35: {  	_ =	swait.ge [sflag:s25], $0x500  }
0x36: {  	[sflag:s25] =	ssyncset.done $0x0  }
0x37: {  	s7 =	simm.s32 $0x2800;
	[sflag:s25] =	ssyncadd.s32 $0xFFFFFB00  }
.LBB2_1:
0x38: {  	s11 =	simm.s32 $0x40;
	s12 =	simm.s32 $0x0  }
.LBB2_2:
0x39: {  	p1 =	sne.s32 s11, $0x3E40;
	[tilespmem:s12+$0x11D00] =	vst v0;
	s12 =	smov.u32 s11;
	s11 =	sadd.s32 $0x40, s11  }
.Ltmp2:
0x3a: {  	(pc) =	sbr.rel @p1 .LBB2_2-.Ltmp2, $2  }
0x3b: {  	_ =	sdelay $0x2  }
0x3c: {  	s12 =	sshra.s32 s12, $0x2  }
0x3d: {  	[tilespmem:s12+$0x11D00] =	vst v0;
	s11 =	sshrl.u32 s26, $0x3  }
0x3e: {  	[spmem:s11], [sflag:s17] =	dma.local [hbm:s16], $0x1400  }
0x3f: {  	_ =	swait.ge [sflag:s25], $0x1400  }
0x40: {  	[sflag:s25] =	ssyncset.done $0x0  }
0x41: {  	s13 =	sshrl.u32 s19, $0x3;
	[sflag:s25] =	ssyncadd.s32 $0xFFFFEC00  }
0x42: {  	[spmem:s13], [sflag:s17] =	dma.local [hbm:s20], $0x500  }
0x43: {  	_ =	swait.ge [sflag:s25], $0x500  }
0x44: {  	[sflag:s25] =	ssyncset.done $0x0  }
0x45: {  	[sflag:s25] =	ssyncadd.s32 $0xFFFFFB00  }
0x46: {  	[tilespmem:s4], [sflag:$0x3] =	stream.linear.gather [hbm4b:s29+s4], $0x2800, $0x38;
	[tilespmem:$0x1F4A0] =	vst v63  }
0x47: {  	_ =	swait.ge [sflag:s25], $0x2800  }
0x48: {  	[sflag:s25] =	ssyncset.done $0x0  }
0x49: {  	[sflag:s25] =	ssyncadd.s32 $0xFFFFD800  }
0x4a: {  	[tilespmem:s7], [sflag:$0x3] =	stream.linear.gather [hbm4b:s21+s4], $0x2800, $0x38;
	[tilespmem:$0x1F4A0] =	vst v63  }
0x4b: {  	_ =	swait.ge [sflag:s25], $0x2800  }
0x4c: {  	[sflag:s25] =	ssyncset.done $0x0  }
0x4d: {  	s15 =	simm.s32 $0x5000;
	[sflag:s25] =	ssyncadd.s32 $0xFFFFD800  }
0x4e: {  	[tilespmem:s15], [sflag:$0x3] =	stream.linear.gather [hbm4b:s22+s4], $0x2800, $0x38;
	[tilespmem:$0x1F4A0] =	vst v63  }
0x4f: {  	_ =	swait.ge [sflag:s25], $0x2800  }
0x50: {  	[sflag:s25] =	ssyncset.done $0x0  }
0x51: {  	s15 =	simm.s32 $0x7800;
	[sflag:s25] =	ssyncadd.s32 $0xFFFFD800  }
0x52: {  	[tilespmem:s15], [sflag:$0x3] =	stream.linear.gather [hbm4b:s23+s4], $0x2800, $0x38;
	[tilespmem:$0x1F4A0] =	vst v63  }
.Ltmp3:
0x53: {  	_ =	swait.ge [sflag:s25], $0x2800;
	(pc) =	sbr.rel @p0 .LBB2_7-.Ltmp3, $3  }
0x54: {  	[sflag:s25] =	ssyncset.done $0x0  }
0x55: {  	[sflag:s25] =	ssyncadd.s32 $0xFFFFD800  }
0x56: {  	[bflag:$0x0] =	sbarrier.arrive $0xFFFF;
	_ =	sdelay $0x1  }
0x57: {  	[tilespmem:s31], [sflag:$0x1] =	stream.indirect.gather [hbm4b:s5+s30], $0x40, s7, s30, $0xb8;
	[tilespmem:$0x1F4A0] =	vst v63  }
0x58: {  	s15 =	simm.s32 $0x2900  }
0x59: {  	[tilespmem:s1], [sflag:$0x2] =	stream.indirect.gather [hbm4b:s5+s30], $0x40, s15, s30, $0xb8;
	[tilespmem:$0x1F4A0] =	vst v63  }
0x5a: {  	_ =	swait.ge [sflag:s8], $0x3E80  }
0x5b: {  	[sflag:s8] =	ssyncset.done $0x0  }
0x5c: {  	s12 =	simm.s32 $0x0;
	[sflag:s8] =	ssyncadd.s32 $0xFFFFC180  }
0x5d: {  	[spmem:s2] =	stream.indirect.scatter.add.f32 [tilespmem:s31], [sflag:$0x3], $0x40, s12, s30, $0xb8;
	[tilespmem:$0x1F4A0] =	vst v63  }
0x5e: {  	_ =	swait.ge [sflag:s25], $0x3E80  }
0x5f: {  	[sflag:s25] =	ssyncset.done $0x0  }
0x60: {  	s15 =	simm.s32 $0x2A00;
	[sflag:s25] =	ssyncadd.s32 $0xFFFFC180  }
0x61: {  	[tilespmem:s31], [sflag:$0x1] =	stream.indirect.gather [hbm4b:s5+s30], $0x40, s15, s30, $0xb8;
	[tilespmem:$0x1F4A0] =	vst v63  }
0x62: {  	_ = 	snop  }
0x63: {  	[spmem:s3] =	stream.indirect.scatter.add.f32 [tilespmem:s9], [sflag:$0x3], $0x10, s12, s30, $0xb8;
	[tilespmem:$0x1F4A0] =	vst v63  }
0x64: {  	_ =	swait.ge [sflag:s25], $0xFA0  }
0x65: {  	[sflag:s25] =	ssyncset.done $0x0  }
0x66: {  	[sflag:s25] =	ssyncadd.s32 $0xFFFFF060  }
0x67: {  	_ =	swait.ge [sflag:s10], $0x3E80  }
0x68: {  	[sflag:s10] =	ssyncset.done $0x0  }
0x69: {  	s12 =	simm.s32 $0x100;
	[sflag:s10] =	ssyncadd.s32 $0xFFFFC180  }
0x6a: {  	[spmem:s2] =	stream.indirect.scatter.add.f32 [tilespmem:s1], [sflag:$0x3], $0x40, s12, s30, $0xb8;
	[tilespmem:$0x1F4A0] =	vst v63  }
0x6b: {  	_ =	swait.ge [sflag:s25], $0x3E80  }
0x6c: {  	[sflag:s25] =	ssyncset.done $0x0  }
0x6d: {  	s7 =	simm.s32 $0x2B00;
	[sflag:s25] =	ssyncadd.s32 $0xFFFFC180  }
0x6e: {  	[tilespmem:s1], [sflag:$0x2] =	stream.indirect.gather [hbm4b:s5+s30], $0x40, s7, s30, $0xb8;
	[tilespmem:$0x1F4A0] =	vst v63  }
0x6f: {  	_ = 	snop  }
0x70: {  	[spmem:s3] =	stream.indirect.scatter.add.f32 [tilespmem:s9], [sflag:$0x3], $0x10, s12, s30, $0xb8;
	[tilespmem:$0x1F4A0] =	vst v63  }
0x71: {  	_ =	swait.ge [sflag:s25], $0xFA0  }
0x72: {  	s12 =	simm.s32 $0x800;
	[sflag:s25] =	ssyncset.done $0x0  }
.LBB2_5:
0x73: {  	p1 =	sne.s32 s12, $0x9000  }
0x74: {  	[sflag:s25] =	ssyncadd.s32 $0xFFFFF060;
	s15 =	smov.u32 s12;
	s12 =	sadd.s32 $0x800, s12  }
0x75: {  	_ = 	snop  }
0x76: {  	_ =	swait.ge [sflag:s8], $0x3E80  }
0x77: {  	[sflag:s8] =	ssyncset.done $0x0  }
0x78: {  	s15 =	sshra.s32 s15, $0x2;
	[sflag:s8] =	ssyncadd.s32 $0xFFFFC180  }
0x79: {  	[spmem:s2] =	stream.indirect.scatter.add.f32 [tilespmem:s31], [sflag:$0x3], $0x40, s15, s30, $0xb8;
	[tilespmem:$0x1F4A0] =	vst v63  }
0x7a: {  	_ =	swait.ge [sflag:s25], $0x3E80  }
0x7b: {  	[sflag:s25] =	ssyncset.done $0x0  }
0x7c: {  	s7 =	sadd.s32 $0x2A00, s15;
	[sflag:s25] =	ssyncadd.s32 $0xFFFFC180  }
0x7d: {  	[tilespmem:s31], [sflag:$0x1] =	stream.indirect.gather [hbm4b:s5+s30], $0x40, s7, s30, $0xb8;
	[tilespmem:$0x1F4A0] =	vst v63  }
0x7e: {  	_ = 	snop  }
0x7f: {  	[spmem:s3] =	stream.indirect.scatter.add.f32 [tilespmem:s9], [sflag:$0x3], $0x10, s15, s30, $0xb8;
	[tilespmem:$0x1F4A0] =	vst v63  }
0x80: {  	_ =	swait.ge [sflag:s25], $0xFA0  }
0x81: {  	[sflag:s25] =	ssyncset.done $0x0  }
0x82: {  	[sflag:s25] =	ssyncadd.s32 $0xFFFFF060  }
0x83: {  	_ =	swait.ge [sflag:s10], $0x3E80  }
0x84: {  	[sflag:s10] =	ssyncset.done $0x0  }
0x85: {  	s7 =	sadd.s32 $0x100, s15;
	[sflag:s10] =	ssyncadd.s32 $0xFFFFC180  }
0x86: {  	[spmem:s2] =	stream.indirect.scatter.add.f32 [tilespmem:s1], [sflag:$0x3], $0x40, s7, s30, $0xb8;
	[tilespmem:$0x1F4A0] =	vst v63  }
0x87: {  	_ =	swait.ge [sflag:s25], $0x3E80  }
0x88: {  	[sflag:s25] =	ssyncset.done $0x0  }
0x89: {  	s15 =	sadd.s32 $0x2B00, s15;
	[sflag:s25] =	ssyncadd.s32 $0xFFFFC180  }
0x8a: {  	[tilespmem:s1], [sflag:$0x2] =	stream.indirect.gather [hbm4b:s5+s30], $0x40, s15, s30, $0xb8;
	[tilespmem:$0x1F4A0] =	vst v63  }
.Ltmp4:
0x8b: {  	_ = 	snop;
	(pc) =	sbr.rel @p1 .LBB2_5-.Ltmp4, $4  }
0x8c: {  	_ = 	snop  }
0x8d: {  	[spmem:s3] =	stream.indirect.scatter.add.f32 [tilespmem:s9], [sflag:$0x3], $0x10, s7, s30, $0xb8;
	[tilespmem:$0x1F4A0] =	vst v63  }
0x8e: {  	_ =	swait.ge [sflag:s25], $0xFA0  }
0x8f: {  	[sflag:s25] =	ssyncset.done $0x0  }
0x90: {  	[sflag:s25] =	ssyncadd.s32 $0xFFFFF060  }
0x91: {  	_ =	swait.ge [sflag:s8], $0x3E80  }
0x92: {  	[sflag:s8] =	ssyncset.done $0x0  }
0x93: {  	s7 =	simm.s32 $0x2600;
	[sflag:s8] =	ssyncadd.s32 $0xFFFFC180  }
0x94: {  	[spmem:s2] =	stream.indirect.scatter.add.f32 [tilespmem:s31], [sflag:$0x3], $0x40, s7, s30, $0xb8;
	[tilespmem:$0x1F4A0] =	vst v63  }
0x95: {  	_ =	swait.ge [sflag:s25], $0x3E80  }
0x96: {  	[sflag:s25] =	ssyncset.done $0x0  }
0x97: {  	[sflag:s25] =	ssyncadd.s32 $0xFFFFC180  }
0x98: {  	[spmem:s3] =	stream.indirect.scatter.add.f32 [tilespmem:s9], [sflag:$0x3], $0x10, s7, s30, $0xb8;
	[tilespmem:$0x1F4A0] =	vst v63  }
0x99: {  	_ =	swait.ge [sflag:s25], $0xFA0  }
0x9a: {  	[sflag:s25] =	ssyncset.done $0x0  }
0x9b: {  	[sflag:s25] =	ssyncadd.s32 $0xFFFFF060  }
0x9c: {  	_ =	swait.ge [sflag:s10], $0x3E80  }
0x9d: {  	[sflag:s10] =	ssyncset.done $0x0  }
0x9e: {  	s15 =	simm.s32 $0x2700;
	[sflag:s10] =	ssyncadd.s32 $0xFFFFC180  }
0x9f: {  	[spmem:s2] =	stream.indirect.scatter.add.f32 [tilespmem:s1], [sflag:$0x3], $0x40, s15, s30, $0xb8;
	[tilespmem:$0x1F4A0] =	vst v63  }
0xa0: {  	_ =	swait.ge [sflag:s25], $0x3E80  }
0xa1: {  	[sflag:s25] =	ssyncset.done $0x0  }
.Ltmp5:
0xa2: {  	[sflag:s25] =	ssyncadd.s32 $0xFFFFC180;
	(pc) =	sbr.rel .LBB2_10-.Ltmp5, $4  }
0xa3: {  	[spmem:s3] =	stream.indirect.scatter.add.f32 [tilespmem:s9], [sflag:$0x3], $0x10, s15, s30, $0xb8;
	[tilespmem:$0x1F4A0] =	vst v63  }
0xa4: {  	_ =	swait.ge [sflag:s25], $0xFA0  }
0xa5: {  	[sflag:s25] =	ssyncset.done $0x0  }
0xa6: {  	s12 =	rddreg [dreg:$0x5];
	[sflag:s25] =	ssyncadd.s32 $0xFFFFF060  }
.LBB2_7:
0xa7: {  	[tilespmem:s31], [sflag:$0x1] =	stream.indirect.gather [hbm4b:s6+s30], $0x40, s7, s30, $0xb8;
	[tilespmem:$0x1F4A0] =	vst v63  }
0xa8: {  	s12 =	simm.s32 $0x2900  }
0xa9: {  	[tilespmem:s1], [sflag:$0x2] =	stream.indirect.gather [hbm4b:s6+s30], $0x40, s12, s30, $0xb8;
	[tilespmem:$0x1F4A0] =	vst v63  }
0xaa: {  	_ =	swait.ge [sflag:s8], $0x3E80  }
0xab: {  	[sflag:s8] =	ssyncset.done $0x0  }
0xac: {  	s15 =	simm.s32 $0x0;
	[sflag:s8] =	ssyncadd.s32 $0xFFFFC180  }
0xad: {  	[spmem:s2] =	stream.indirect.scatter.add.f32 [tilespmem:s31], [sflag:$0x4], $0x40, s15, s30, $0xb8;
	[tilespmem:$0x1F4A0] =	vst v63  }
0xae: {  	_ =	swait.ge [sflag:s0], $0x3E80  }
0xaf: {  	[sflag:s0] =	ssyncset.done $0x0  }
0xb0: {  	s12 =	simm.s32 $0x2A00;
	[sflag:s0] =	ssyncadd.s32 $0xFFFFC180  }
0xb1: {  	[tilespmem:s31], [sflag:$0x1] =	stream.indirect.gather [hbm4b:s6+s30], $0x40, s12, s30, $0xb8;
	[tilespmem:$0x1F4A0] =	vst v63  }
0xb2: {  	_ =	swait.ge [sflag:s10], $0x3E80  }
0xb3: {  	[sflag:s10] =	ssyncset.done $0x0  }
0xb4: {  	s15 =	simm.s32 $0x100;
	[sflag:s10] =	ssyncadd.s32 $0xFFFFC180  }
0xb5: {  	[spmem:s2] =	stream.indirect.scatter.add.f32 [tilespmem:s1], [sflag:$0x4], $0x40, s15, s30, $0xb8;
	[tilespmem:$0x1F4A0] =	vst v63  }
0xb6: {  	_ =	swait.ge [sflag:s0], $0x3E80  }
0xb7: {  	[sflag:s0] =	ssyncset.done $0x0  }
0xb8: {  	s12 =	simm.s32 $0x800;
	s15 =	simm.s32 $0x2B00;
	[sflag:s0] =	ssyncadd.s32 $0xFFFFC180  }
.LBB2_8:
0xb9: {  	[tilespmem:s1], [sflag:$0x2] =	stream.indirect.gather [hbm4b:s6+s30], $0x40, s15, s30, $0xb8;
	[tilespmem:$0x1F4A0] =	vst v63  }
0xba: {  	s7 =	smov.u32 s12  }
0xbb: {  	p1 =	sne.s32 s12, $0x9000;
	s12 =	sadd.s32 $0x800, s12;
	_ =	swait.ge [sflag:s8], $0x3E80  }
0xbc: {  	[sflag:s8] =	ssyncset.done $0x0  }
0xbd: {  	s7 =	sshra.s32 s7, $0x2;
	[sflag:s8] =	ssyncadd.s32 $0xFFFFC180  }
0xbe: {  	[spmem:s2] =	stream.indirect.scatter.add.f32 [tilespmem:s31], [sflag:$0x4], $0x40, s7, s30, $0xb8;
	[tilespmem:$0x1F4A0] =	vst v63  }
0xbf: {  	_ =	swait.ge [sflag:s0], $0x3E80  }
0xc0: {  	[sflag:s0] =	ssyncset.done $0x0  }
0xc1: {  	s15 =	sadd.s32 $0x2A00, s7;
	[sflag:s0] =	ssyncadd.s32 $0xFFFFC180  }
0xc2: {  	[tilespmem:s31], [sflag:$0x1] =	stream.indirect.gather [hbm4b:s6+s30], $0x40, s15, s30, $0xb8;
	[tilespmem:$0x1F4A0] =	vst v63  }
0xc3: {  	_ =	swait.ge [sflag:s10], $0x3E80  }
0xc4: {  	[sflag:s10] =	ssyncset.done $0x0  }
.Ltmp6:
0xc5: {  	s15 =	sadd.s32 $0x100, s7;
	[sflag:s10] =	ssyncadd.s32 $0xFFFFC180;
	(pc) =	sbr.rel @p1 .LBB2_8-.Ltmp6, $4  }
0xc6: {  	[spmem:s2] =	stream.indirect.scatter.add.f32 [tilespmem:s1], [sflag:$0x4], $0x40, s15, s30, $0xb8;
	[tilespmem:$0x1F4A0] =	vst v63  }
0xc7: {  	_ =	swait.ge [sflag:s0], $0x3E80  }
0xc8: {  	[sflag:s0] =	ssyncset.done $0x0  }
0xc9: {  	s15 =	sadd.s32 $0x2B00, s7;
	[sflag:s0] =	ssyncadd.s32 $0xFFFFC180  }
0xca: {  	[tilespmem:s1], [sflag:$0x2] =	stream.indirect.gather [hbm4b:s6+s30], $0x40, s15, s30, $0xb8;
	[tilespmem:$0x1F4A0] =	vst v63  }
0xcb: {  	_ =	swait.ge [sflag:s8], $0x3E80  }
0xcc: {  	[sflag:s8] =	ssyncset.done $0x0  }
0xcd: {  	s7 =	simm.s32 $0x2600;
	[sflag:s8] =	ssyncadd.s32 $0xFFFFC180  }
0xce: {  	[spmem:s2] =	stream.indirect.scatter.add.f32 [tilespmem:s31], [sflag:$0x4], $0x40, s7, s30, $0xb8;
	[tilespmem:$0x1F4A0] =	vst v63  }
0xcf: {  	_ =	swait.ge [sflag:s0], $0x3E80  }
0xd0: {  	[sflag:s0] =	ssyncset.done $0x0  }
0xd1: {  	[sflag:s0] =	ssyncadd.s32 $0xFFFFC180  }
0xd2: {  	_ =	swait.ge [sflag:s10], $0x3E80  }
0xd3: {  	[sflag:s10] =	ssyncset.done $0x0  }
0xd4: {  	s15 =	simm.s32 $0x2700;
	[sflag:s10] =	ssyncadd.s32 $0xFFFFC180  }
0xd5: {  	[spmem:s2] =	stream.indirect.scatter.add.f32 [tilespmem:s1], [sflag:$0x4], $0x40, s15, s30, $0xb8;
	[tilespmem:$0x1F4A0] =	vst v63  }
0xd6: {  	_ =	swait.ge [sflag:s0], $0x3E80  }
0xd7: {  	[sflag:s0] =	ssyncset.done $0x0  }
0xd8: {  	s12 =	rddreg [dreg:$0x6];
	[sflag:s0] =	ssyncadd.s32 $0xFFFFC180  }
.LBB2_10:
0xd9: {  	s7 =	sadd.s32 s12, s14;
	[bflag:$0x0] =	sbarrier.arrive $0xFFFF  }
0xda: {  	[hbm:s7], [sflag:s17] =	dma.local [spmem:s11], $0x1400  }
0xdb: {  	_ =	swait.ge [sflag:s25], $0x1400  }
0xdc: {  	[sflag:s25] =	ssyncset.done $0x0  }
0xdd: {  	[sflag:s25] =	ssyncadd.s32 $0xFFFFEC00  }
0xde: {  	[spmem:s11], [sflag:s17] =	dma.local [hbm:s16], $0x1400  }
.Ltmp7:
0xdf: {  	_ =	swait.ge [sflag:s25], $0x1400;
	(pc) =	sbr.rel @p0 .LBB2_14-.Ltmp7, $3  }
0xe0: {  	[sflag:s25] =	ssyncset.done $0x0  }
0xe1: {  	[sflag:s25] =	ssyncadd.s32 $0xFFFFEC00  }
0xe2: {  	[bflag:$0x0] =	sbarrier.arrive $0xFFFF;
	_ =	sdelay $0x1  }
0xe3: {  	s7 =	simm.s32 $0x7800  }
0xe4: {  	[tilespmem:s31], [sflag:$0x1] =	stream.indirect.gather [hbm4b:s5+s30], $0x40, s7, s30, $0xb8;
	[tilespmem:$0x1F4A0] =	vst v63  }
0xe5: {  	s12 =	simm.s32 $0x7900  }
0xe6: {  	[tilespmem:s1], [sflag:$0x2] =	stream.indirect.gather [hbm4b:s5+s30], $0x40, s12, s30, $0xb8;
	[tilespmem:$0x1F4A0] =	vst v63  }
0xe7: {  	_ =	swait.ge [sflag:s8], $0x3E80  }
0xe8: {  	[sflag:s8] =	ssyncset.done $0x0  }
0xe9: {  	s15 =	simm.s32 $0x5000;
	[sflag:s8] =	ssyncadd.s32 $0xFFFFC180  }
0xea: {  	[spmem:s2] =	stream.indirect.scatter.add.f32 [tilespmem:s31], [sflag:$0x4], $0x40, s15, s30, $0xb8;
	[tilespmem:$0x1F4A0] =	vst v63  }
0xeb: {  	_ =	swait.ge [sflag:s0], $0x3E80  }
0xec: {  	[sflag:s0] =	ssyncset.done $0x0  }
0xed: {  	s12 =	simm.s32 $0x7A00;
	[sflag:s0] =	ssyncadd.s32 $0xFFFFC180  }
0xee: {  	[tilespmem:s31], [sflag:$0x1] =	stream.indirect.gather [hbm4b:s5+s30], $0x40, s12, s30, $0xb8;
	[tilespmem:$0x1F4A0] =	vst v63  }
0xef: {  	_ =	swait.ge [sflag:s10], $0x3E80  }
0xf0: {  	[sflag:s10] =	ssyncset.done $0x0  }
0xf1: {  	s15 =	simm.s32 $0x5100;
	[sflag:s10] =	ssyncadd.s32 $0xFFFFC180  }
0xf2: {  	[spmem:s2] =	stream.indirect.scatter.add.f32 [tilespmem:s1], [sflag:$0x4], $0x40, s15, s30, $0xb8;
	[tilespmem:$0x1F4A0] =	vst v63  }
0xf3: {  	_ =	swait.ge [sflag:s0], $0x3E80  }
0xf4: {  	[sflag:s0] =	ssyncset.done $0x0  }
0xf5: {  	s12 =	simm.s32 $0x800;
	s15 =	simm.s32 $0x7B00;
	[sflag:s0] =	ssyncadd.s32 $0xFFFFC180  }
.LBB2_12:
0xf6: {  	[tilespmem:s1], [sflag:$0x2] =	stream.indirect.gather [hbm4b:s5+s30], $0x40, s15, s30, $0xb8;
	[tilespmem:$0x1F4A0] =	vst v63  }
0xf7: {  	s7 =	smov.u32 s12  }
0xf8: {  	p1 =	sne.s32 s12, $0x9000;
	s12 =	sadd.s32 $0x800, s12;
	_ =	swait.ge [sflag:s8], $0x3E80  }
0xf9: {  	s7 =	sshra.s32 s7, $0x2;
	[sflag:s8] =	ssyncset.done $0x0  }
0xfa: {  	s15 =	sadd.s32 $0x5000, s7;
	[sflag:s8] =	ssyncadd.s32 $0xFFFFC180  }
0xfb: {  	[spmem:s2] =	stream.indirect.scatter.add.f32 [tilespmem:s31], [sflag:$0x4], $0x40, s15, s30, $0xb8;
	[tilespmem:$0x1F4A0] =	vst v63  }
0xfc: {  	_ =	swait.ge [sflag:s0], $0x3E80  }
0xfd: {  	[sflag:s0] =	ssyncset.done $0x0  }
0xfe: {  	s15 =	sadd.s32 $0x7A00, s7;
	[sflag:s0] =	ssyncadd.s32 $0xFFFFC180  }
0xff: {  	[tilespmem:s31], [sflag:$0x1] =	stream.indirect.gather [hbm4b:s5+s30], $0x40, s15, s30, $0xb8;
	[tilespmem:$0x1F4A0] =	vst v63  }
0x100: {  	_ =	swait.ge [sflag:s10], $0x3E80  }
0x101: {  	[sflag:s10] =	ssyncset.done $0x0  }
.Ltmp8:
0x102: {  	s15 =	sadd.s32 $0x5100, s7;
	[sflag:s10] =	ssyncadd.s32 $0xFFFFC180;
	(pc) =	sbr.rel @p1 .LBB2_12-.Ltmp8, $4  }
0x103: {  	[spmem:s2] =	stream.indirect.scatter.add.f32 [tilespmem:s1], [sflag:$0x4], $0x40, s15, s30, $0xb8;
	[tilespmem:$0x1F4A0] =	vst v63  }
0x104: {  	_ =	swait.ge [sflag:s0], $0x3E80  }
0x105: {  	[sflag:s0] =	ssyncset.done $0x0  }
0x106: {  	s15 =	sadd.s32 $0x7B00, s7;
	[sflag:s0] =	ssyncadd.s32 $0xFFFFC180  }
0x107: {  	[tilespmem:s1], [sflag:$0x2] =	stream.indirect.gather [hbm4b:s5+s30], $0x40, s15, s30, $0xb8;
	[tilespmem:$0x1F4A0] =	vst v63  }
0x108: {  	_ =	swait.ge [sflag:s8], $0x3E80  }
0x109: {  	[sflag:s8] =	ssyncset.done $0x0  }
0x10a: {  	s7 =	simm.s32 $0x7600;
	[sflag:s8] =	ssyncadd.s32 $0xFFFFC180  }
0x10b: {  	[spmem:s2] =	stream.indirect.scatter.add.f32 [tilespmem:s31], [sflag:$0x4], $0x40, s7, s30, $0xb8;
	[tilespmem:$0x1F4A0] =	vst v63  }
0x10c: {  	_ =	swait.ge [sflag:s0], $0x3E80  }
0x10d: {  	[sflag:s0] =	ssyncset.done $0x0  }
0x10e: {  	[sflag:s0] =	ssyncadd.s32 $0xFFFFC180  }
0x10f: {  	_ =	swait.ge [sflag:s10], $0x3E80  }
0x110: {  	[sflag:s10] =	ssyncset.done $0x0  }
.Ltmp9:
0x111: {  	s15 =	simm.s32 $0x7700;
	[sflag:s10] =	ssyncadd.s32 $0xFFFFC180;
	(pc) =	sbr.rel .LBB2_17-.Ltmp9, $4  }
0x112: {  	[spmem:s2] =	stream.indirect.scatter.add.f32 [tilespmem:s1], [sflag:$0x4], $0x40, s15, s30, $0xb8;
	[tilespmem:$0x1F4A0] =	vst v63  }
0x113: {  	_ =	swait.ge [sflag:s0], $0x3E80  }
0x114: {  	[sflag:s0] =	ssyncset.done $0x0;
	s15 =	rddreg [dreg:$0x7]  }
0x115: {  	s12 =	rddreg [dreg:$0x9];
	[sflag:s0] =	ssyncadd.s32 $0xFFFFC180  }
.LBB2_14:
0x116: {  	s4 =	smov.u32 s24;
	s24 =	smov.u32 s23;
	s7 =	simm.s32 $0x7800  }
0x117: {  	[tilespmem:s31], [sflag:$0x1] =	stream.indirect.gather [hbm4b:s6+s30], $0x40, s7, s30, $0xb8;
	[tilespmem:$0x1F4A0] =	vst v63  }
0x118: {  	s23 =	smov.u32 s22;
	s22 =	smov.u32 s21;
	s15 =	simm.s32 $0x7900  }
0x119: {  	[tilespmem:s1], [sflag:$0x2] =	stream.indirect.gather [hbm4b:s6+s30], $0x40, s15, s30, $0xb8;
	[tilespmem:$0x1F4A0] =	vst v63  }
0x11a: {  	s21 =	smov.u32 s29;
	s29 =	smov.u32 s20;
	_ =	swait.ge [sflag:s8], $0x3E80  }
0x11b: {  	s20 =	smov.u32 s19;
	s19 =	smov.u32 s26;
	[sflag:s8] =	ssyncset.done $0x0  }
0x11c: {  	s26 =	smov.u32 s18;
	s18 =	simm.s32 $0x5000;
	[sflag:s8] =	ssyncadd.s32 $0xFFFFC180  }
0x11d: {  	[spmem:s2] =	stream.indirect.scatter.add.f32 [tilespmem:s31], [sflag:$0x3], $0x40, s18, s30, $0xb8;
	[tilespmem:$0x1F4A0] =	vst v63  }
0x11e: {  	_ =	swait.ge [sflag:s25], $0x3E80  }
0x11f: {  	[sflag:s25] =	ssyncset.done $0x0  }
0x120: {  	s12 =	simm.s32 $0x7A00;
	[sflag:s25] =	ssyncadd.s32 $0xFFFFC180  }
0x121: {  	[tilespmem:s31], [sflag:$0x1] =	stream.indirect.gather [hbm4b:s6+s30], $0x40, s12, s30, $0xb8;
	[tilespmem:$0x1F4A0] =	vst v63  }
0x122: {  	_ = 	snop  }
0x123: {  	[spmem:s3] =	stream.indirect.scatter.add.f32 [tilespmem:s9], [sflag:$0x3], $0x10, s18, s30, $0xb8;
	[tilespmem:$0x1F4A0] =	vst v63  }
0x124: {  	_ =	swait.ge [sflag:s25], $0xFA0  }
0x125: {  	[sflag:s25] =	ssyncset.done $0x0  }
0x126: {  	[sflag:s25] =	ssyncadd.s32 $0xFFFFF060  }
0x127: {  	_ =	swait.ge [sflag:s10], $0x3E80  }
0x128: {  	[sflag:s10] =	ssyncset.done $0x0  }
0x129: {  	s15 =	simm.s32 $0x5100;
	[sflag:s10] =	ssyncadd.s32 $0xFFFFC180  }
0x12a: {  	[spmem:s2] =	stream.indirect.scatter.add.f32 [tilespmem:s1], [sflag:$0x3], $0x40, s15, s30, $0xb8;
	[tilespmem:$0x1F4A0] =	vst v63  }
0x12b: {  	_ =	swait.ge [sflag:s25], $0x3E80  }
0x12c: {  	[sflag:s25] =	ssyncset.done $0x0  }
0x12d: {  	s18 =	simm.s32 $0x7B00;
	[sflag:s25] =	ssyncadd.s32 $0xFFFFC180  }
0x12e: {  	[tilespmem:s1], [sflag:$0x2] =	stream.indirect.gather [hbm4b:s6+s30], $0x40, s18, s30, $0xb8;
	[tilespmem:$0x1F4A0] =	vst v63  }
0x12f: {  	_ = 	snop  }
0x130: {  	[spmem:s3] =	stream.indirect.scatter.add.f32 [tilespmem:s9], [sflag:$0x3], $0x10, s15, s30, $0xb8;
	[tilespmem:$0x1F4A0] =	vst v63  }
0x131: {  	_ =	swait.ge [sflag:s25], $0xFA0  }
0x132: {  	s12 =	simm.s32 $0x800;
	[sflag:s25] =	ssyncset.done $0x0  }
.LBB2_15:
0x133: {  	p1 =	sne.s32 s12, $0x9000  }
0x134: {  	[sflag:s25] =	ssyncadd.s32 $0xFFFFF060;
	s7 =	smov.u32 s12;
	s12 =	sadd.s32 $0x800, s12  }
0x135: {  	_ = 	snop  }
0x136: {  	_ =	swait.ge [sflag:s8], $0x3E80  }
0x137: {  	s7 =	sshra.s32 s7, $0x2;
	[sflag:s8] =	ssyncset.done $0x0  }
0x138: {  	s15 =	sadd.s32 $0x5000, s7;
	[sflag:s8] =	ssyncadd.s32 $0xFFFFC180  }
0x139: {  	[spmem:s2] =	stream.indirect.scatter.add.f32 [tilespmem:s31], [sflag:$0x3], $0x40, s15, s30, $0xb8;
	[tilespmem:$0x1F4A0] =	vst v63  }
0x13a: {  	_ =	swait.ge [sflag:s25], $0x3E80  }
0x13b: {  	[sflag:s25] =	ssyncset.done $0x0  }
0x13c: {  	s18 =	sadd.s32 $0x7A00, s7;
	[sflag:s25] =	ssyncadd.s32 $0xFFFFC180  }
0x13d: {  	[tilespmem:s31], [sflag:$0x1] =	stream.indirect.gather [hbm4b:s6+s30], $0x40, s18, s30, $0xb8;
	[tilespmem:$0x1F4A0] =	vst v63  }
0x13e: {  	_ = 	snop  }
0x13f: {  	[spmem:s3] =	stream.indirect.scatter.add.f32 [tilespmem:s9], [sflag:$0x3], $0x10, s15, s30, $0xb8;
	[tilespmem:$0x1F4A0] =	vst v63  }
0x140: {  	_ =	swait.ge [sflag:s25], $0xFA0  }
0x141: {  	[sflag:s25] =	ssyncset.done $0x0  }
0x142: {  	[sflag:s25] =	ssyncadd.s32 $0xFFFFF060  }
0x143: {  	_ =	swait.ge [sflag:s10], $0x3E80  }
0x144: {  	[sflag:s10] =	ssyncset.done $0x0  }
0x145: {  	s15 =	sadd.s32 $0x5100, s7;
	[sflag:s10] =	ssyncadd.s32 $0xFFFFC180  }
0x146: {  	[spmem:s2] =	stream.indirect.scatter.add.f32 [tilespmem:s1], [sflag:$0x3], $0x40, s15, s30, $0xb8;
	[tilespmem:$0x1F4A0] =	vst v63  }
0x147: {  	_ =	swait.ge [sflag:s25], $0x3E80  }
0x148: {  	[sflag:s25] =	ssyncset.done $0x0  }
0x149: {  	s7 =	sadd.s32 $0x7B00, s7;
	[sflag:s25] =	ssyncadd.s32 $0xFFFFC180  }
0x14a: {  	[tilespmem:s1], [sflag:$0x2] =	stream.indirect.gather [hbm4b:s6+s30], $0x40, s7, s30, $0xb8;
	[tilespmem:$0x1F4A0] =	vst v63  }
.Ltmp10:
0x14b: {  	_ = 	snop;
	(pc) =	sbr.rel @p1 .LBB2_15-.Ltmp10, $4  }
0x14c: {  	_ = 	snop  }
0x14d: {  	[spmem:s3] =	stream.indirect.scatter.add.f32 [tilespmem:s9], [sflag:$0x3], $0x10, s15, s30, $0xb8;
	[tilespmem:$0x1F4A0] =	vst v63  }
0x14e: {  	_ =	swait.ge [sflag:s25], $0xFA0  }
0x14f: {  	[sflag:s25] =	ssyncset.done $0x0  }
.Ltmp11:
0x150: {  	_ = 	snop;
	(pc) =	sbr.rel .LBB2_16-.Ltmp11, $1  }
0x151: {  	_ =	sdelay $0x3  }
.LBB2_18:
0x152: {  	_ =	sfence.sel $0x180000  }
0x153: {  	[bflag:$0x0] =	sbarrier.arrive $0xFFFF  }
0x154: {  	_ =	strace $0x90000047  }
0x155: {  	s0 =	stileid.u32;
	[bflag:$0x2] =	sbarrier.arrive $0xFFFF  }
0x156: {  	p0 =	sne.s32 s0, $0x0;
	s0 =	rddreg [dreg:$0x4]  }
0x157: {  	s0 =	sadd.s32 @!p0 $0x100000, s0  }
0x158: {  	[sflag:s0] =	ssyncadd.tile.s32 @!p0 $0x1;
	_ =	shalt  }
.Lfunc_end2:
_tile_overlayer_lowered:
.L_overlay_start_2:
0x159: {  	(tag) =	ssettag $0x2  }
0x15a: {  	s0 =	rddreg [dreg:$0x0];
	s2 =	stileid.u32  }
0x15b: {  	s1 =	rddreg [dreg:$0x1];
	p0 =	sne.s32 s2, $0x0  }
0x15c: {  	s3 =	rddreg [dreg:$0x2];
	[bflag:$0x3] =	sbarrier.arrive $0xFFFF;
	s2 =	simm.s32 @!p0 $0x1C03  }
0x15d: {  	[timem:s3], [sflag:s2] =	dma.local @!p0 [hbm:s0], s1  }
0x15e: {  	s0 =	simm.s32 @!p0 $0x3  }
0x15f: {  	_ =	swait.ge @!p0 [sflag:s0], s1  }
0x160: {  	s1 =	ssub.s32 @!p0 $0x0, s1;
	[sflag:s0] =	ssyncset.done @!p0 $0x0  }
0x161: {  	[sflag:s0] =	ssyncadd.s32 @!p0 s1  }
0x162: {  	[bflag:$0x3] =	sbarrier.arrive $0xFFFF  }
0x163: {  	_ =	shalt  }

// kernel: kernel.9.cloned.1.call-start
scs
__scs_entry_jumppad:
0x0: {  	(pc) =	sbr.rel $0x88, $3  }
0x1: {  	(tag) =	ssettag $0x0;
	lr =	simm.s32 $0x1  }
0x2: {  	[smem:$0x3F97] =	sst lr;
	_ =	strace $0xD0000000  }
0x3: {  	_ = 	snop  }
0x4: {  	_ = 	snop  }
0x5: {  	_ = 	snop  }
0x6: {  	_ = 	snop  }
0x7: {  	_ = 	snop  }
__scs_overlays_trampoline_lowered:
0x8: {  	[smem:$0x3FA6] =	sst s0  }
0x9: {  	[smem:$0x3FA7] =	sst s1  }
0xa: {  	[smem:$0x3FA8] =	sst s2  }
0xb: {  	[smem:$0x3FA9] =	sst s3  }
0xc: {  	[smem:$0x3FAA] =	sst s4  }
0xd: {  	[smem:$0x3FAB] =	sst s5  }
0xe: {  	[smem:$0x3FAC] =	sst s6  }
0xf: {  	[smem:$0x3FAD] =	sst s7  }
0x10: {  	[smem:$0x3FAE] =	sst s8  }
0x11: {  	[smem:$0x3FAF] =	sst s9;
	s0 =	simm.s32 @!p0 $0x0  }
0x12: {  	s1 =	sld [smem:$0x3F95];
	s0 =	simm.s32 @p0 $0x1  }
0x13: {  	[smem:$0x3FB0] =	sst s0;
	s0 =	simm.s32 @!p1 $0x0  }
0x14: {  	s2 =	sld [smem:$0x3F94];
	s0 =	simm.s32 @p1 $0x1  }
0x15: {  	[smem:$0x3FB1] =	sst s0;
	s0 =	simm.s32 @!p2 $0x0  }
0x16: {  	s3 =	sld [smem:$0x3FDB];
	s0 =	simm.s32 @p2 $0x1  }
0x17: {  	s4 =	simm.s32 $0x1BF5;
	[smem:$0x3FB3] =	sst s0  }
0x18: {  	s0 =	sld [smem:$0x3F96];
	_ =	swait.ge [sflag:s4], $0x0  }
0x19: {  	s7 =	sld [smem:$0x3F97]  }
0x1a: {  	s8 =	sadd.s32 $0xFFFFE003, lr  }
0x1b: {  	s9 =	sadd.s32 $0xFFFFFEF7, lr;
	s5 =	simm.s32 $0xFFFFFFFF;
	p2 =	slt.u32 s8, $0xFFFFF086  }
0x1c: {  	p1 =	slt.u32 s9, $0xF7A;
	s5 =	simm.s32 @!p2 $0x0  }
0x1d: {  	s5 =	simm.s32 @p1 $0x1;
	p0 =	seq.s32 s7, s2  }
0x1e: {  	s7 =	smul.u32 @!p0 $0xF7A, s2;
	p2 =	seq.s32 @!p0 s5, $0x0  }
0x1f: {  	s9 =	smul.u32 $0xF7A, s1;
	s8 =	simm.s32 @!p0 $0x1BF5;
	p2 =	por !p2, p0  }
0x20: {  	[sflag:s8] =	ssyncset.s32 @!p0 $0xFFFFF086;
	s6 =	sadd.s32 @!p0 s3, s7;
	s7 =	simm.s32 @!p0 $0x108  }
0x21: {  	s3 =	sadd.s32 s3, s9;
	s6 =	sadd.s32 @!p0 $0x88, s6;
	s7 =	simm.s32 @p2 $0x1082  }
0x22: {  	[simem:s7], [sflag:s8] =	dma.local @!p0 [hbm:s6], $0xF7A  }
0x23: {  	s9 =	sor.u32 $0xD0000000, s2;
	s6 =	simm.s32 $0x108;
	_ =	swait.ge @!p0 [sflag:s8], $0x0  }
0x24: {  	s3 =	sadd.s32 $0x88, s3;
	s6 =	simm.s32 @!p1 $0x1082;
	[sflag:s4] =	ssyncset.s32 $0xFFFFF086  }
0x25: {  	[simem:s6], [sflag:s4] =	dma.local [hbm:s3], $0xF7A  }
0x26: {  	[smem:$0x3F97] =	sst s1;
	(tag) =	ssettag s2;
	_ =	strace s9  }
0x27: {  	s1 =	sld [smem:$0x3FA7]  }
0x28: {  	s2 =	sld [smem:$0x3FA8]  }
0x29: {  	s4 =	sld [smem:$0x3FAA]  }
0x2a: {  	p0 =	seq.s32 s5, $0x0;
	s5 =	sld [smem:$0x3FAB]  }
0x2b: {  	s6 =	sld [smem:$0x3FAC]  }
0x2c: {  	s7 =	sld [smem:$0x3FAD]  }
0x2d: {  	s3 =	simm.s32 $0x108;
	s8 =	sld [smem:$0x3FAE]  }
0x2e: {  	s3 =	simm.s32 @!p0 $0x1082;
	s9 =	sld [smem:$0x3FAF]  }
0x2f: {  	lr =	sadd.s32 s0, s3;
	s0 =	sld [smem:$0x3FA6]  }
0x30: {  	s3 =	sld [smem:$0x3FA9]  }
0x31: {  	[smem:$0x3FB2] =	sst s10  }
0x32: {  	s10 =	sld [smem:$0x3FB0];
	_ =	sdelay $0x3  }
0x33: {  	p0 =	seq.s32 s10, $0x1;
	s10 =	sld [smem:$0x3FB2];
	_ =	sdelay $0x3  }
0x34: {  	[smem:$0x3FB2] =	sst s10  }
0x35: {  	s10 =	sld [smem:$0x3FB1];
	_ =	sdelay $0x3  }
0x36: {  	p1 =	seq.s32 s10, $0x1;
	s10 =	sld [smem:$0x3FB2];
	_ =	sdelay $0x3  }
0x37: {  	[smem:$0x3FB2] =	sst s10  }
0x38: {  	s10 =	sld [smem:$0x3FB3]  }
0x39: {  	_ = 	snop;
	(pc) =	sbr.ind lr, $3  }
0x3a: {  	_ = 	snop  }
0x3b: {  	_ = 	snop  }
0x3c: {  	p2 =	seq.s32 s10, $0x1;
	s10 =	sld [smem:$0x3FB2]  }
0x3d: {  	_ =	shalt  }
0x3e: {  	_ =	shalt  }
0x3f: {  	_ =	shalt  }
0x40: {  	_ =	shalt  }
0x41: {  	_ =	shalt  }
0x42: {  	_ =	shalt  }
0x43: {  	_ =	shalt  }
0x44: {  	_ =	shalt  }
0x45: {  	_ =	shalt  }
0x46: {  	_ =	shalt  }
0x47: {  	_ =	shalt  }
0x48: {  	_ =	shalt  }
0x49: {  	_ =	shalt  }
0x4a: {  	_ =	shalt  }
0x4b: {  	_ =	shalt  }
0x4c: {  	_ =	shalt  }
0x4d: {  	_ =	shalt  }
0x4e: {  	_ =	shalt  }
0x4f: {  	_ =	shalt  }
0x50: {  	_ =	shalt  }
0x51: {  	_ =	shalt  }
0x52: {  	_ =	shalt  }
0x53: {  	_ =	shalt  }
0x54: {  	_ =	shalt  }
0x55: {  	_ =	shalt  }
0x56: {  	_ =	shalt  }
0x57: {  	_ =	shalt  }
0x58: {  	_ =	shalt  }
0x59: {  	_ =	shalt  }
0x5a: {  	_ =	shalt  }
0x5b: {  	_ =	shalt  }
0x5c: {  	_ =	shalt  }
0x5d: {  	_ =	shalt  }
0x5e: {  	_ =	shalt  }
0x5f: {  	_ =	shalt  }
0x60: {  	_ =	shalt  }
0x61: {  	_ =	shalt  }
0x62: {  	_ =	shalt  }
0x63: {  	_ =	shalt  }
0x64: {  	_ =	shalt  }
0x65: {  	_ =	shalt  }
0x66: {  	_ =	shalt  }
0x67: {  	_ =	shalt  }
0x68: {  	_ =	shalt  }
0x69: {  	_ =	shalt  }
0x6a: {  	_ =	shalt  }
0x6b: {  	_ =	shalt  }
0x6c: {  	_ =	shalt  }
0x6d: {  	_ =	shalt  }
0x6e: {  	_ =	shalt  }
0x6f: {  	_ =	shalt  }
0x70: {  	_ =	shalt  }
0x71: {  	_ =	shalt  }
0x72: {  	_ =	shalt  }
0x73: {  	_ =	shalt  }
0x74: {  	_ =	shalt  }
0x75: {  	_ =	shalt  }
0x76: {  	_ =	shalt  }
0x77: {  	_ =	shalt  }
0x78: {  	_ =	shalt  }
0x79: {  	_ =	shalt  }
0x7a: {  	_ =	shalt  }
0x7b: {  	_ =	shalt  }
0x7c: {  	_ =	shalt  }
0x7d: {  	_ =	shalt  }
0x7e: {  	_ =	shalt  }
0x7f: {  	_ =	shalt  }
0x80: {  	_ =	shalt  }
0x81: {  	_ =	shalt  }
0x82: {  	_ =	shalt  }
0x83: {  	_ =	shalt  }
0x84: {  	_ =	shalt  }
0x85: {  	_ =	shalt  }
0x86: {  	_ =	shalt  }
0x87: {  	_ =	shalt  }
.Lfunc_end0:
.L_simem_size_0:
called_computation.1_lowered:
.L_overlay_start_0:
0x88: {  	s2 =	sld [smem:$0x3FD9]  }
0x89: {  	s3 =	sld [smem:$0x3FFE];
	_ =	sdelay $0x1  }
0x8a: {  	s1 =	srdreg.scid  }
0x8b: {  	s0 =	sand.u32 $0x1, s1  }
0x8c: {  	s17 =	sshll.u32 s0, $0xA;
	s2 =	sadd.s32 s3, s2  }
0x8d: {  	s2 =	sadd.s32 s2, s17  }
0x8e: {  	[smem:$0x3FBE] =	sst s2  }
0x8f: {  	_ = 	snop  }
0x90: {  	s2 =	sld [smem:$0x3FD0];
	(tm) =	ssettm $0x1  }
0x91: {  	s18 =	sld [smem:$0x3FFB];
	_ =	sdelay $0x3  }
0x92: {  	_ =	strace s18  }
0x93: {  	s3 =	sld [smem:$0x3FFC];
	_ =	sdelay $0x3  }
0x94: {  	_ =	strace s3  }
0x95: {  	s3 =	sld [smem:$0x3FFD];
	_ =	sdelay $0x3  }
0x96: {  	_ =	strace s3  }
0x97: {  	_ =	strace $0x8FFFFFFF  }
0x98: {  	s19 =	sld [smem:$0x3FDB];
	_ =	sdelay $0x1  }
0x99: {  	s4 =	simm.s32 $_scs_section_size  }
0x9a: {  	s5 =	simm.s32 $_size__tile_overlayer_lowered;
	s6 =	simm.s32 $_tile_overlayer_lowered  }
0x9b: {  	s22 =	simm.s32 $0x1BFF;
	s21 =	sshll.u32 s6, $0x1;
	s3 =	sadd.s32 s4, s19  }
0x9c: {  	s7 =	simm.s32 $0x0;
	s20 =	sshll.u32 s5, $0x1;
	s5 =	sadd.s32 s21, s3  }
0x9d: {  	[timem:s7], [sflag:s22] =	dma.local [hbm:s5], s20  }
0x9e: {  	_ =	swait.ge [sflag:s22], s20  }
0x9f: {  	s4 =	ssub.s32 $0x0, s20;
	[sflag:s22] =	ssyncset.done $0x0  }
0xa0: {  	[sflag:s22] =	ssyncadd.s32 s4;
	_ =	sdelay $0x1  }
0xa1: {  	s23 =	simm.s32 $0x1B8B  }
0xa2: {  	_ =	swait.ge [sflag:s23], $0x1  }
0xa3: {  	[sflag:s23] =	ssyncset.done $0x0  }
0xa4: {  	s25 =	simm.s32 $0x1B8E;
	s24 =	sld [smem:$0x3FFE];
	[sflag:s23] =	ssyncadd.s32 $0xFFFFFFFF  }
0xa5: {  	s26 =	simm.s32 $execute0_lowered;
	[smem:$0x3FD2] =	sst s25  }
0xa6: {  	s5 =	sshll.u32 s26, $0x1;
	_ =	strace $0x80000049;
	[dreg:$0x1] =	wrdreg $0xFFFFFFFF  }
0xa7: {  	s28 =	simm.s32 $_size_execute0_lowered;
	s3 =	sadd.s32 s3, s5;
	[dreg:$0x0] =	wrdreg $0x0  }
0xa8: {  	s5 =	sshll.u32 s28, $0x1;
	[dreg:$0x2] =	wrdreg s3  }
0xa9: {  	[dreg:$0x3] =	wrdreg s5  }
0xaa: {  	[dreg:$0x4] =	wrdreg $0xC0  }
0xab: {  	_ =	task [dreg:s7], $0x5FFFF  }
0xac: {  	[dreg:$0x1] =	wrdreg $0xFFFFFFFF  }
0xad: {  	[dreg:$0x0] =	wrdreg $0x60  }
0xae: {  	[dreg:$0x2] =	wrdreg s24  }
0xaf: {  	[dreg:$0x3] =	wrdreg s2  }
0xb0: {  	[dreg:$0x4] =	wrdreg $0x12CA00  }
0xb1: {  	[dreg:$0x5] =	wrdreg $0x1CCA00  }
0xb2: {  	[dreg:$0x6] =	wrdreg $0x9  }
0xb3: {  	_ =	task.clear_ibuf [dreg:s7], $0x7FFFF;
	_ =	strace $0x90000049  }
0xb4: {  	s29 =	simm.s32 $0x9;
	_ =	strace $0x8000004B  }
0xb5: {  	_ =	swait.ge [sflag:s29], $0x1  }
0xb6: {  	[sflag:s29] =	ssyncadd.s32 $0xFFFFFFFF  }
0xb7: {  	_ =	strace $0x9000004B  }
0xb8: {  	_ =	sfence  }
0xb9: {  	s30 =	sld [smem:$0x0];
	_ =	sdelay $0x2  }
0xba: {  	s31 =	sshll.u32 s1, $0xD;
	s1 =	sshrl.u32 s1, $0x2  }
0xbb: {  	s3 =	sand.u32 $0x4000, s31;
	s1 =	sadd.s32 s1, s30  }
0xbc: {  	s0 =	sor.u32 s3, s0;
	s1 =	sshll.u32 s1, $0x11  }
0xbd: {  	s0 =	sor.u32 s1, s0  }
0xbe: {  	s0 =	sadd.s32 $0x8F2B, s0  }
0xbf: {  	[sflag:s0] =	ssyncadd.remote.s32 $0x1  }
0xc0: {  	_ =	sfence.sel $0xFFFF  }
0xc1: {  	[dreg:$0x0] =	wrdreg $0xFFFFFFFF;
	(pc) =	sbr.abs _section_cstart, $3  }
0xc2: {  	[dreg:$0x1] =	wrdreg $0xFFFFFFFF  }
0xc3: {  	_ =	task.clear_ibuf [dreg:s7], $0x2FFFF;
	_ =	strace $0x9FFFFFFF  }
0xc4: {  	(tm) =	ssettm $0x7FFFFFFF  }
0xc5: {  	_ =	shalt  }
tec
execute0_lowered:
.L_overlay_start_1:
0x0: {  	(tag) =	ssettag $0x1  }
0x1: {  	s0 =	rddreg [dreg:$0x0]  }
0x2: {  	s1 =	rddreg [dreg:$0x1]  }
0x3: {  	s2 =	rddreg [dreg:$0x2]  }
0x4: {  	s3 =	rddreg [dreg:$0x3];
	s4 =	simm.s32 $0x0;
	s7 =	stileid.u32  }
0x5: {  	s11 =	srdreg.scid;
	s30 =	simm.s32 $0xFA;
	s31 =	simm.s32 $0xA000  }
0x6: {  	s28 =	simm.s32 $0x0;
	[smem:$0x7FF] =	sst s4;
	s8 =	smul.u32 $0x2800, s7  }
0x7: {  	s9 =	smul.u32 $0x500, s7;
	s5 =	sadd.s32 $0x15000, s0;
	s6 =	sadd.s32 $0x1600, s0  }
0x8: {  	s12 =	sadd.s32 $0x7DA00, s0;
	s19 =	sadd.s32 $0x69A00, s0;
	s11 =	sand.u32 $0x1, s11  }
0x9: {  	s20 =	sadd.s32 $0x55A00, s0;
	_ =	strace $0x8000004A;
	[dreg:$0x5] =	wrdreg s12  }
0xa: {  	s13 =	smul.u32 $0xA000, s7;
	s14 =	sadd.s32 $0x41A00, s0;
	[dreg:$0x6] =	wrdreg s19  }
0xb: {  	s22 =	sadd.s32 $0x2DA00, s0;
	s25 =	sshll.u32 s7, $0x6;
	[dreg:$0x7] =	wrdreg s20  }
0xc: {  	s7 =	simm.s32 $0x2800;
	s21 =	ssub.s32 $0x2, s11;
	[dreg:$0x8] =	wrdreg s14  }
0xd: {  	[dreg:$0x9] =	wrdreg s22;
	s17 =	sor.u32 $0x1C03, s25;
	p0 =	sne.s32 s11, $0x0  }
0xe: {  	s25 =	simm.s32 $0x3;
	s18 =	sshrl.u32 s8, $0x3;
	s9 =	sadd.s32 s9, s0  }
0xf: {  	s23 =	sshrl.u32 s21, $0x1;
	s14 =	sshrl.u32 s13, $0x3;
	s26 =	sadd.s32 s13, s2  }
0x10: {  	s19 =	sadd.s32 s8, s3;
	s8 =	simm.s32 $0x1;
	s10 =	sadd.s32 s18, s0  }
.Ltmp0:
0x11: {  	s0 =	sadd.s32 $0x28A00, s0;
	s24 =	ssub.s32 s21, s23;
	(pc) =	sbr.rel .LBB2_1-.Ltmp0, $4  }
0x12: {  	s16 =	sadd.s32 s1, s14;
	s29 =	sadd.s32 $0xA0A00, s9;
	s21 =	sadd.s32 $0x9BA00, s9  }
0x13: {  	s22 =	sadd.s32 $0xAAA00, s9;
	s23 =	sadd.s32 $0xA5A00, s9;
	s1 =	simm.s32 $0xDE80  }
0x14: {  	s9 =	simm.s32 $0x11D00;
	[dreg:$0xa] =	wrdreg s0;
	s20 =	sadd.s32 $0x3CA00, s10  }
0x15: {  	v0 =	vimm.f32 $1.000000000e+00;
	s24 =	smax.u32 s24, $0x1;
	s10 =	simm.s32 $0x2;
	s0 =	simm.s32 $0x4  }
.LBB2_16:
0x16: {  	[sflag:s25] =	ssyncadd.s32 $0xFFFFF060  }
0x17: {  	_ =	swait.ge [sflag:s8], $0x3E80  }
0x18: {  	[sflag:s8] =	ssyncset.done $0x0  }
0x19: {  	s7 =	simm.s32 $0x7600;
	[sflag:s8] =	ssyncadd.s32 $0xFFFFC180  }
0x1a: {  	[spmem:s2] =	stream.indirect.scatter.add.f32 [tilespmem:s31], [sflag:$0x3], $0x40, s7, s30, $0xb8;
	[tilespmem:$0x1F4A0] =	vst v63  }
0x1b: {  	_ =	swait.ge [sflag:s25], $0x3E80  }
0x1c: {  	[sflag:s25] =	ssyncset.done $0x0  }
0x1d: {  	[sflag:s25] =	ssyncadd.s32 $0xFFFFC180  }
0x1e: {  	[spmem:s3] =	stream.indirect.scatter.add.f32 [tilespmem:s9], [sflag:$0x3], $0x10, s7, s30, $0xb8;
	[tilespmem:$0x1F4A0] =	vst v63  }
0x1f: {  	_ =	swait.ge [sflag:s25], $0xFA0  }
0x20: {  	[sflag:s25] =	ssyncset.done $0x0  }
0x21: {  	[sflag:s25] =	ssyncadd.s32 $0xFFFFF060  }
0x22: {  	_ =	swait.ge [sflag:s10], $0x3E80  }
0x23: {  	[sflag:s10] =	ssyncset.done $0x0  }
0x24: {  	s18 =	simm.s32 $0x7700;
	[sflag:s10] =	ssyncadd.s32 $0xFFFFC180  }
0x25: {  	[spmem:s2] =	stream.indirect.scatter.add.f32 [tilespmem:s1], [sflag:$0x3], $0x40, s18, s30, $0xb8;
	[tilespmem:$0x1F4A0] =	vst v63  }
0x26: {  	_ =	swait.ge [sflag:s25], $0x3E80  }
0x27: {  	[sflag:s25] =	ssyncset.done $0x0  }
0x28: {  	[sflag:s25] =	ssyncadd.s32 $0xFFFFC180  }
0x29: {  	[spmem:s3] =	stream.indirect.scatter.add.f32 [tilespmem:s9], [sflag:$0x3], $0x10, s18, s30, $0xb8;
	[tilespmem:$0x1F4A0] =	vst v63  }
0x2a: {  	s18 =	smov.u32 s26;
	s26 =	smov.u32 s19;
	s19 =	smov.u32 s20  }
0x2b: {  	s20 =	smov.u32 s29;
	s29 =	smov.u32 s21;
	s21 =	smov.u32 s22  }
0x2c: {  	s22 =	smov.u32 s23;
	s23 =	smov.u32 s24;
	_ =	swait.ge [sflag:s25], $0xFA0  }
0x2d: {  	s24 =	smov.u32 s4;
	[sflag:s25] =	ssyncset.done $0x0;
	s15 =	rddreg [dreg:$0x8]  }
0x2e: {  	s4 =	simm.s32 $0x0;
	s12 =	rddreg [dreg:$0xa];
	[sflag:s25] =	ssyncadd.s32 $0xFFFFF060  }
.LBB2_17:
0x2f: {  	s7 =	sadd.s32 s15, s14;
	[bflag:$0x0] =	sbarrier.arrive $0xFFFF  }
0x30: {  	[hbm:s7], [sflag:s17] =	dma.local [spmem:s11], $0x1400  }
0x31: {  	s28 =	sadd.s32 $0x1, s28;
	_ =	swait.ge [sflag:s25], $0x1400  }
0x32: {  	p1 =	sne.s32 s28, s24;
	[sflag:s25] =	ssyncset.done $0x0  }
.Ltmp1:
0x33: {  	s15 =	sadd.s32 s12, s18;
	[sflag:s25] =	ssyncadd.s32 $0xFFFFEC00;
	(pc) =	sbr.rel @!p1 .LBB2_18-.Ltmp1, $4  }
0x34: {  	[hbm:s15], [sflag:s17] =	dma.local [spmem:s13], $0x500  }
0x35: {  	_ =	swait.ge [sflag:s25], $0x500  }
0x36: {  	[sflag:s25] =	ssyncset.done $0x0  }
0x37: {  	s7 =	simm.s32 $0x2800;
	[sflag:s25] =	ssyncadd.s32 $0xFFFFFB00  }
.LBB2_1:
0x38: {  	s11 =	simm.s32 $0x40;
	s12 =	simm.s32 $0x0  }
.LBB2_2:
0x39: {  	p1 =	sne.s32 s11, $0x3E40;
	[tilespmem:s12+$0x11D00] =	vst v0;
	s12 =	smov.u32 s11;
	s11 =	sadd.s32 $0x40, s11  }
.Ltmp2:
0x3a: {  	(pc) =	sbr.rel @p1 .LBB2_2-.Ltmp2, $2  }
0x3b: {  	_ =	sdelay $0x2  }
0x3c: {  	s12 =	sshra.s32 s12, $0x2  }
0x3d: {  	[tilespmem:s12+$0x11D00] =	vst v0;
	s11 =	sshrl.u32 s26, $0x3  }
0x3e: {  	[spmem:s11], [sflag:s17] =	dma.local [hbm:s16], $0x1400  }
0x3f: {  	_ =	swait.ge [sflag:s25], $0x1400  }
0x40: {  	[sflag:s25] =	ssyncset.done $0x0  }
0x41: {  	s13 =	sshrl.u32 s19, $0x3;
	[sflag:s25] =	ssyncadd.s32 $0xFFFFEC00  }
0x42: {  	[spmem:s13], [sflag:s17] =	dma.local [hbm:s20], $0x500  }
0x43: {  	_ =	swait.ge [sflag:s25], $0x500  }
0x44: {  	[sflag:s25] =	ssyncset.done $0x0  }
0x45: {  	[sflag:s25] =	ssyncadd.s32 $0xFFFFFB00  }
0x46: {  	[tilespmem:s4], [sflag:$0x3] =	stream.linear.gather [hbm4b:s29+s4], $0x2800, $0x38;
	[tilespmem:$0x1F4A0] =	vst v63  }
0x47: {  	_ =	swait.ge [sflag:s25], $0x2800  }
0x48: {  	[sflag:s25] =	ssyncset.done $0x0  }
0x49: {  	[sflag:s25] =	ssyncadd.s32 $0xFFFFD800  }
0x4a: {  	[tilespmem:s7], [sflag:$0x3] =	stream.linear.gather [hbm4b:s21+s4], $0x2800, $0x38;
	[tilespmem:$0x1F4A0] =	vst v63  }
0x4b: {  	_ =	swait.ge [sflag:s25], $0x2800  }
0x4c: {  	[sflag:s25] =	ssyncset.done $0x0  }
0x4d: {  	s15 =	simm.s32 $0x5000;
	[sflag:s25] =	ssyncadd.s32 $0xFFFFD800  }
0x4e: {  	[tilespmem:s15], [sflag:$0x3] =	stream.linear.gather [hbm4b:s22+s4], $0x2800, $0x38;
	[tilespmem:$0x1F4A0] =	vst v63  }
0x4f: {  	_ =	swait.ge [sflag:s25], $0x2800  }
0x50: {  	[sflag:s25] =	ssyncset.done $0x0  }
0x51: {  	s15 =	simm.s32 $0x7800;
	[sflag:s25] =	ssyncadd.s32 $0xFFFFD800  }
0x52: {  	[tilespmem:s15], [sflag:$0x3] =	stream.linear.gather [hbm4b:s23+s4], $0x2800, $0x38;
	[tilespmem:$0x1F4A0] =	vst v63  }
.Ltmp3:
0x53: {  	_ =	swait.ge [sflag:s25], $0x2800;
	(pc) =	sbr.rel @p0 .LBB2_7-.Ltmp3, $3  }
0x54: {  	[sflag:s25] =	ssyncset.done $0x0  }
0x55: {  	[sflag:s25] =	ssyncadd.s32 $0xFFFFD800  }
0x56: {  	[bflag:$0x0] =	sbarrier.arrive $0xFFFF;
	_ =	sdelay $0x1  }
0x57: {  	[tilespmem:s31], [sflag:$0x1] =	stream.indirect.gather [hbm4b:s5+s30], $0x40, s7, s30, $0xb8;
	[tilespmem:$0x1F4A0] =	vst v63  }
0x58: {  	s15 =	simm.s32 $0x2900  }
0x59: {  	[tilespmem:s1], [sflag:$0x2] =	stream.indirect.gather [hbm4b:s5+s30], $0x40, s15, s30, $0xb8;
	[tilespmem:$0x1F4A0] =	vst v63  }
0x5a: {  	_ =	swait.ge [sflag:s8], $0x3E80  }
0x5b: {  	[sflag:s8] =	ssyncset.done $0x0  }
0x5c: {  	s12 =	simm.s32 $0x0;
	[sflag:s8] =	ssyncadd.s32 $0xFFFFC180  }
0x5d: {  	[spmem:s2] =	stream.indirect.scatter.add.f32 [tilespmem:s31], [sflag:$0x3], $0x40, s12, s30, $0xb8;
	[tilespmem:$0x1F4A0] =	vst v63  }
0x5e: {  	_ =	swait.ge [sflag:s25], $0x3E80  }
0x5f: {  	[sflag:s25] =	ssyncset.done $0x0  }
0x60: {  	s15 =	simm.s32 $0x2A00;
	[sflag:s25] =	ssyncadd.s32 $0xFFFFC180  }
0x61: {  	[tilespmem:s31], [sflag:$0x1] =	stream.indirect.gather [hbm4b:s5+s30], $0x40, s15, s30, $0xb8;
	[tilespmem:$0x1F4A0] =	vst v63  }
0x62: {  	_ = 	snop  }
0x63: {  	[spmem:s3] =	stream.indirect.scatter.add.f32 [tilespmem:s9], [sflag:$0x3], $0x10, s12, s30, $0xb8;
	[tilespmem:$0x1F4A0] =	vst v63  }
0x64: {  	_ =	swait.ge [sflag:s25], $0xFA0  }
0x65: {  	[sflag:s25] =	ssyncset.done $0x0  }
0x66: {  	[sflag:s25] =	ssyncadd.s32 $0xFFFFF060  }
0x67: {  	_ =	swait.ge [sflag:s10], $0x3E80  }
0x68: {  	[sflag:s10] =	ssyncset.done $0x0  }
0x69: {  	s12 =	simm.s32 $0x100;
	[sflag:s10] =	ssyncadd.s32 $0xFFFFC180  }
0x6a: {  	[spmem:s2] =	stream.indirect.scatter.add.f32 [tilespmem:s1], [sflag:$0x3], $0x40, s12, s30, $0xb8;
	[tilespmem:$0x1F4A0] =	vst v63  }
0x6b: {  	_ =	swait.ge [sflag:s25], $0x3E80  }
0x6c: {  	[sflag:s25] =	ssyncset.done $0x0  }
0x6d: {  	s7 =	simm.s32 $0x2B00;
	[sflag:s25] =	ssyncadd.s32 $0xFFFFC180  }
0x6e: {  	[tilespmem:s1], [sflag:$0x2] =	stream.indirect.gather [hbm4b:s5+s30], $0x40, s7, s30, $0xb8;
	[tilespmem:$0x1F4A0] =	vst v63  }
0x6f: {  	_ = 	snop  }
0x70: {  	[spmem:s3] =	stream.indirect.scatter.add.f32 [tilespmem:s9], [sflag:$0x3], $0x10, s12, s30, $0xb8;
	[tilespmem:$0x1F4A0] =	vst v63  }
0x71: {  	_ =	swait.ge [sflag:s25], $0xFA0  }
0x72: {  	s12 =	simm.s32 $0x800;
	[sflag:s25] =	ssyncset.done $0x0  }
.LBB2_5:
0x73: {  	p1 =	sne.s32 s12, $0x9000  }
0x74: {  	[sflag:s25] =	ssyncadd.s32 $0xFFFFF060;
	s15 =	smov.u32 s12;
	s12 =	sadd.s32 $0x800, s12  }
0x75: {  	_ = 	snop  }
0x76: {  	_ =	swait.ge [sflag:s8], $0x3E80  }
0x77: {  	[sflag:s8] =	ssyncset.done $0x0  }
0x78: {  	s15 =	sshra.s32 s15, $0x2;
	[sflag:s8] =	ssyncadd.s32 $0xFFFFC180  }
0x79: {  	[spmem:s2] =	stream.indirect.scatter.add.f32 [tilespmem:s31], [sflag:$0x3], $0x40, s15, s30, $0xb8;
	[tilespmem:$0x1F4A0] =	vst v63  }
0x7a: {  	_ =	swait.ge [sflag:s25], $0x3E80  }
0x7b: {  	[sflag:s25] =	ssyncset.done $0x0  }
0x7c: {  	s7 =	sadd.s32 $0x2A00, s15;
	[sflag:s25] =	ssyncadd.s32 $0xFFFFC180  }
0x7d: {  	[tilespmem:s31], [sflag:$0x1] =	stream.indirect.gather [hbm4b:s5+s30], $0x40, s7, s30, $0xb8;
	[tilespmem:$0x1F4A0] =	vst v63  }
0x7e: {  	_ = 	snop  }
0x7f: {  	[spmem:s3] =	stream.indirect.scatter.add.f32 [tilespmem:s9], [sflag:$0x3], $0x10, s15, s30, $0xb8;
	[tilespmem:$0x1F4A0] =	vst v63  }
0x80: {  	_ =	swait.ge [sflag:s25], $0xFA0  }
0x81: {  	[sflag:s25] =	ssyncset.done $0x0  }
0x82: {  	[sflag:s25] =	ssyncadd.s32 $0xFFFFF060  }
0x83: {  	_ =	swait.ge [sflag:s10], $0x3E80  }
0x84: {  	[sflag:s10] =	ssyncset.done $0x0  }
0x85: {  	s7 =	sadd.s32 $0x100, s15;
	[sflag:s10] =	ssyncadd.s32 $0xFFFFC180  }
0x86: {  	[spmem:s2] =	stream.indirect.scatter.add.f32 [tilespmem:s1], [sflag:$0x3], $0x40, s7, s30, $0xb8;
	[tilespmem:$0x1F4A0] =	vst v63  }
0x87: {  	_ =	swait.ge [sflag:s25], $0x3E80  }
0x88: {  	[sflag:s25] =	ssyncset.done $0x0  }
0x89: {  	s15 =	sadd.s32 $0x2B00, s15;
	[sflag:s25] =	ssyncadd.s32 $0xFFFFC180  }
0x8a: {  	[tilespmem:s1], [sflag:$0x2] =	stream.indirect.gather [hbm4b:s5+s30], $0x40, s15, s30, $0xb8;
	[tilespmem:$0x1F4A0] =	vst v63  }
.Ltmp4:
0x8b: {  	_ = 	snop;
	(pc) =	sbr.rel @p1 .LBB2_5-.Ltmp4, $4  }
0x8c: {  	_ = 	snop  }
0x8d: {  	[spmem:s3] =	stream.indirect.scatter.add.f32 [tilespmem:s9], [sflag:$0x3], $0x10, s7, s30, $0xb8;
	[tilespmem:$0x1F4A0] =	vst v63  }
0x8e: {  	_ =	swait.ge [sflag:s25], $0xFA0  }
0x8f: {  	[sflag:s25] =	ssyncset.done $0x0  }
0x90: {  	[sflag:s25] =	ssyncadd.s32 $0xFFFFF060  }
0x91: {  	_ =	swait.ge [sflag:s8], $0x3E80  }
0x92: {  	[sflag:s8] =	ssyncset.done $0x0  }
0x93: {  	s7 =	simm.s32 $0x2600;
	[sflag:s8] =	ssyncadd.s32 $0xFFFFC180  }
0x94: {  	[spmem:s2] =	stream.indirect.scatter.add.f32 [tilespmem:s31], [sflag:$0x3], $0x40, s7, s30, $0xb8;
	[tilespmem:$0x1F4A0] =	vst v63  }
0x95: {  	_ =	swait.ge [sflag:s25], $0x3E80  }
0x96: {  	[sflag:s25] =	ssyncset.done $0x0  }
0x97: {  	[sflag:s25] =	ssyncadd.s32 $0xFFFFC180  }
0x98: {  	[spmem:s3] =	stream.indirect.scatter.add.f32 [tilespmem:s9], [sflag:$0x3], $0x10, s7, s30, $0xb8;
	[tilespmem:$0x1F4A0] =	vst v63  }
0x99: {  	_ =	swait.ge [sflag:s25], $0xFA0  }
0x9a: {  	[sflag:s25] =	ssyncset.done $0x0  }
0x9b: {  	[sflag:s25] =	ssyncadd.s32 $0xFFFFF060  }
0x9c: {  	_ =	swait.ge [sflag:s10], $0x3E80  }
0x9d: {  	[sflag:s10] =	ssyncset.done $0x0  }
0x9e: {  	s15 =	simm.s32 $0x2700;
	[sflag:s10] =	ssyncadd.s32 $0xFFFFC180  }
0x9f: {  	[spmem:s2] =	stream.indirect.scatter.add.f32 [tilespmem:s1], [sflag:$0x3], $0x40, s15, s30, $0xb8;
	[tilespmem:$0x1F4A0] =	vst v63  }
0xa0: {  	_ =	swait.ge [sflag:s25], $0x3E80  }
0xa1: {  	[sflag:s25] =	ssyncset.done $0x0  }
.Ltmp5:
0xa2: {  	[sflag:s25] =	ssyncadd.s32 $0xFFFFC180;
	(pc) =	sbr.rel .LBB2_10-.Ltmp5, $4  }
0xa3: {  	[spmem:s3] =	stream.indirect.scatter.add.f32 [tilespmem:s9], [sflag:$0x3], $0x10, s15, s30, $0xb8;
	[tilespmem:$0x1F4A0] =	vst v63  }
0xa4: {  	_ =	swait.ge [sflag:s25], $0xFA0  }
0xa5: {  	[sflag:s25] =	ssyncset.done $0x0  }
0xa6: {  	s12 =	rddreg [dreg:$0x5];
	[sflag:s25] =	ssyncadd.s32 $0xFFFFF060  }
.LBB2_7:
0xa7: {  	[tilespmem:s31], [sflag:$0x1] =	stream.indirect.gather [hbm4b:s6+s30], $0x40, s7, s30, $0xb8;
	[tilespmem:$0x1F4A0] =	vst v63  }
0xa8: {  	s12 =	simm.s32 $0x2900  }
0xa9: {  	[tilespmem:s1], [sflag:$0x2] =	stream.indirect.gather [hbm4b:s6+s30], $0x40, s12, s30, $0xb8;
	[tilespmem:$0x1F4A0] =	vst v63  }
0xaa: {  	_ =	swait.ge [sflag:s8], $0x3E80  }
0xab: {  	[sflag:s8] =	ssyncset.done $0x0  }
0xac: {  	s15 =	simm.s32 $0x0;
	[sflag:s8] =	ssyncadd.s32 $0xFFFFC180  }
0xad: {  	[spmem:s2] =	stream.indirect.scatter.add.f32 [tilespmem:s31], [sflag:$0x4], $0x40, s15, s30, $0xb8;
	[tilespmem:$0x1F4A0] =	vst v63  }
0xae: {  	_ =	swait.ge [sflag:s0], $0x3E80  }
0xaf: {  	[sflag:s0] =	ssyncset.done $0x0  }
0xb0: {  	s12 =	simm.s32 $0x2A00;
	[sflag:s0] =	ssyncadd.s32 $0xFFFFC180  }
0xb1: {  	[tilespmem:s31], [sflag:$0x1] =	stream.indirect.gather [hbm4b:s6+s30], $0x40, s12, s30, $0xb8;
	[tilespmem:$0x1F4A0] =	vst v63  }
0xb2: {  	_ =	swait.ge [sflag:s10], $0x3E80  }
0xb3: {  	[sflag:s10] =	ssyncset.done $0x0  }
0xb4: {  	s15 =	simm.s32 $0x100;
	[sflag:s10] =	ssyncadd.s32 $0xFFFFC180  }
0xb5: {  	[spmem:s2] =	stream.indirect.scatter.add.f32 [tilespmem:s1], [sflag:$0x4], $0x40, s15, s30, $0xb8;
	[tilespmem:$0x1F4A0] =	vst v63  }
0xb6: {  	_ =	swait.ge [sflag:s0], $0x3E80  }
0xb7: {  	[sflag:s0] =	ssyncset.done $0x0  }
0xb8: {  	s12 =	simm.s32 $0x800;
	s15 =	simm.s32 $0x2B00;
	[sflag:s0] =	ssyncadd.s32 $0xFFFFC180  }
.LBB2_8:
0xb9: {  	[tilespmem:s1], [sflag:$0x2] =	stream.indirect.gather [hbm4b:s6+s30], $0x40, s15, s30, $0xb8;
	[tilespmem:$0x1F4A0] =	vst v63  }
0xba: {  	s7 =	smov.u32 s12  }
0xbb: {  	p1 =	sne.s32 s12, $0x9000;
	s12 =	sadd.s32 $0x800, s12;
	_ =	swait.ge [sflag:s8], $0x3E80  }
0xbc: {  	[sflag:s8] =	ssyncset.done $0x0  }
0xbd: {  	s7 =	sshra.s32 s7, $0x2;
	[sflag:s8] =	ssyncadd.s32 $0xFFFFC180  }
0xbe: {  	[spmem:s2] =	stream.indirect.scatter.add.f32 [tilespmem:s31], [sflag:$0x4], $0x40, s7, s30, $0xb8;
	[tilespmem:$0x1F4A0] =	vst v63  }
0xbf: {  	_ =	swait.ge [sflag:s0], $0x3E80  }
0xc0: {  	[sflag:s0] =	ssyncset.done $0x0  }
0xc1: {  	s15 =	sadd.s32 $0x2A00, s7;
	[sflag:s0] =	ssyncadd.s32 $0xFFFFC180  }
0xc2: {  	[tilespmem:s31], [sflag:$0x1] =	stream.indirect.gather [hbm4b:s6+s30], $0x40, s15, s30, $0xb8;
	[tilespmem:$0x1F4A0] =	vst v63  }
0xc3: {  	_ =	swait.ge [sflag:s10], $0x3E80  }
0xc4: {  	[sflag:s10] =	ssyncset.done $0x0  }
.Ltmp6:
0xc5: {  	s15 =	sadd.s32 $0x100, s7;
	[sflag:s10] =	ssyncadd.s32 $0xFFFFC180;
	(pc) =	sbr.rel @p1 .LBB2_8-.Ltmp6, $4  }
0xc6: {  	[spmem:s2] =	stream.indirect.scatter.add.f32 [tilespmem:s1], [sflag:$0x4], $0x40, s15, s30, $0xb8;
	[tilespmem:$0x1F4A0] =	vst v63  }
0xc7: {  	_ =	swait.ge [sflag:s0], $0x3E80  }
0xc8: {  	[sflag:s0] =	ssyncset.done $0x0  }
0xc9: {  	s15 =	sadd.s32 $0x2B00, s7;
	[sflag:s0] =	ssyncadd.s32 $0xFFFFC180  }
0xca: {  	[tilespmem:s1], [sflag:$0x2] =	stream.indirect.gather [hbm4b:s6+s30], $0x40, s15, s30, $0xb8;
	[tilespmem:$0x1F4A0] =	vst v63  }
0xcb: {  	_ =	swait.ge [sflag:s8], $0x3E80  }
0xcc: {  	[sflag:s8] =	ssyncset.done $0x0  }
0xcd: {  	s7 =	simm.s32 $0x2600;
	[sflag:s8] =	ssyncadd.s32 $0xFFFFC180  }
0xce: {  	[spmem:s2] =	stream.indirect.scatter.add.f32 [tilespmem:s31], [sflag:$0x4], $0x40, s7, s30, $0xb8;
	[tilespmem:$0x1F4A0] =	vst v63  }
0xcf: {  	_ =	swait.ge [sflag:s0], $0x3E80  }
0xd0: {  	[sflag:s0] =	ssyncset.done $0x0  }
0xd1: {  	[sflag:s0] =	ssyncadd.s32 $0xFFFFC180  }
0xd2: {  	_ =	swait.ge [sflag:s10], $0x3E80  }
0xd3: {  	[sflag:s10] =	ssyncset.done $0x0  }
0xd4: {  	s15 =	simm.s32 $0x2700;
	[sflag:s10] =	ssyncadd.s32 $0xFFFFC180  }
0xd5: {  	[spmem:s2] =	stream.indirect.scatter.add.f32 [tilespmem:s1], [sflag:$0x4], $0x40, s15, s30, $0xb8;
	[tilespmem:$0x1F4A0] =	vst v63  }
0xd6: {  	_ =	swait.ge [sflag:s0], $0x3E80  }
0xd7: {  	[sflag:s0] =	ssyncset.done $0x0  }
0xd8: {  	s12 =	rddreg [dreg:$0x6];
	[sflag:s0] =	ssyncadd.s32 $0xFFFFC180  }
.LBB2_10:
0xd9: {  	s7 =	sadd.s32 s12, s14;
	[bflag:$0x0] =	sbarrier.arrive $0xFFFF  }
0xda: {  	[hbm:s7], [sflag:s17] =	dma.local [spmem:s11], $0x1400  }
0xdb: {  	_ =	swait.ge [sflag:s25], $0x1400  }
0xdc: {  	[sflag:s25] =	ssyncset.done $0x0  }
0xdd: {  	[sflag:s25] =	ssyncadd.s32 $0xFFFFEC00  }
0xde: {  	[spmem:s11], [sflag:s17] =	dma.local [hbm:s16], $0x1400  }
.Ltmp7:
0xdf: {  	_ =	swait.ge [sflag:s25], $0x1400;
	(pc) =	sbr.rel @p0 .LBB2_14-.Ltmp7, $3  }
0xe0: {  	[sflag:s25] =	ssyncset.done $0x0  }
0xe1: {  	[sflag:s25] =	ssyncadd.s32 $0xFFFFEC00  }
0xe2: {  	[bflag:$0x0] =	sbarrier.arrive $0xFFFF;
	_ =	sdelay $0x1  }
0xe3: {  	s7 =	simm.s32 $0x7800  }
0xe4: {  	[tilespmem:s31], [sflag:$0x1] =	stream.indirect.gather [hbm4b:s5+s30], $0x40, s7, s30, $0xb8;
	[tilespmem:$0x1F4A0] =	vst v63  }
0xe5: {  	s12 =	simm.s32 $0x7900  }
0xe6: {  	[tilespmem:s1], [sflag:$0x2] =	stream.indirect.gather [hbm4b:s5+s30], $0x40, s12, s30, $0xb8;
	[tilespmem:$0x1F4A0] =	vst v63  }
0xe7: {  	_ =	swait.ge [sflag:s8], $0x3E80  }
0xe8: {  	[sflag:s8] =	ssyncset.done $0x0  }
0xe9: {  	s15 =	simm.s32 $0x5000;
	[sflag:s8] =	ssyncadd.s32 $0xFFFFC180  }
0xea: {  	[spmem:s2] =	stream.indirect.scatter.add.f32 [tilespmem:s31], [sflag:$0x4], $0x40, s15, s30, $0xb8;
	[tilespmem:$0x1F4A0] =	vst v63  }
0xeb: {  	_ =	swait.ge [sflag:s0], $0x3E80  }
0xec: {  	[sflag:s0] =	ssyncset.done $0x0  }
0xed: {  	s12 =	simm.s32 $0x7A00;
	[sflag:s0] =	ssyncadd.s32 $0xFFFFC180  }
0xee: {  	[tilespmem:s31], [sflag:$0x1] =	stream.indirect.gather [hbm4b:s5+s30], $0x40, s12, s30, $0xb8;
	[tilespmem:$0x1F4A0] =	vst v63  }
0xef: {  	_ =	swait.ge [sflag:s10], $0x3E80  }
0xf0: {  	[sflag:s10] =	ssyncset.done $0x0  }
0xf1: {  	s15 =	simm.s32 $0x5100;
	[sflag:s10] =	ssyncadd.s32 $0xFFFFC180  }
0xf2: {  	[spmem:s2] =	stream.indirect.scatter.add.f32 [tilespmem:s1], [sflag:$0x4], $0x40, s15, s30, $0xb8;
	[tilespmem:$0x1F4A0] =	vst v63  }
0xf3: {  	_ =	swait.ge [sflag:s0], $0x3E80  }
0xf4: {  	[sflag:s0] =	ssyncset.done $0x0  }
0xf5: {  	s12 =	simm.s32 $0x800;
	s15 =	simm.s32 $0x7B00;
	[sflag:s0] =	ssyncadd.s32 $0xFFFFC180  }
.LBB2_12:
0xf6: {  	[tilespmem:s1], [sflag:$0x2] =	stream.indirect.gather [hbm4b:s5+s30], $0x40, s15, s30, $0xb8;
	[tilespmem:$0x1F4A0] =	vst v63  }
0xf7: {  	s7 =	smov.u32 s12  }
0xf8: {  	p1 =	sne.s32 s12, $0x9000;
	s12 =	sadd.s32 $0x800, s12;
	_ =	swait.ge [sflag:s8], $0x3E80  }
0xf9: {  	s7 =	sshra.s32 s7, $0x2;
	[sflag:s8] =	ssyncset.done $0x0  }
0xfa: {  	s15 =	sadd.s32 $0x5000, s7;
	[sflag:s8] =	ssyncadd.s32 $0xFFFFC180  }
0xfb: {  	[spmem:s2] =	stream.indirect.scatter.add.f32 [tilespmem:s31], [sflag:$0x4], $0x40, s15, s30, $0xb8;
	[tilespmem:$0x1F4A0] =	vst v63  }
0xfc: {  	_ =	swait.ge [sflag:s0], $0x3E80  }
0xfd: {  	[sflag:s0] =	ssyncset.done $0x0  }
0xfe: {  	s15 =	sadd.s32 $0x7A00, s7;
	[sflag:s0] =	ssyncadd.s32 $0xFFFFC180  }
0xff: {  	[tilespmem:s31], [sflag:$0x1] =	stream.indirect.gather [hbm4b:s5+s30], $0x40, s15, s30, $0xb8;
	[tilespmem:$0x1F4A0] =	vst v63  }
0x100: {  	_ =	swait.ge [sflag:s10], $0x3E80  }
0x101: {  	[sflag:s10] =	ssyncset.done $0x0  }
.Ltmp8:
0x102: {  	s15 =	sadd.s32 $0x5100, s7;
	[sflag:s10] =	ssyncadd.s32 $0xFFFFC180;
	(pc) =	sbr.rel @p1 .LBB2_12-.Ltmp8, $4  }
0x103: {  	[spmem:s2] =	stream.indirect.scatter.add.f32 [tilespmem:s1], [sflag:$0x4], $0x40, s15, s30, $0xb8;
	[tilespmem:$0x1F4A0] =	vst v63  }
0x104: {  	_ =	swait.ge [sflag:s0], $0x3E80  }
0x105: {  	[sflag:s0] =	ssyncset.done $0x0  }
0x106: {  	s15 =	sadd.s32 $0x7B00, s7;
	[sflag:s0] =	ssyncadd.s32 $0xFFFFC180  }
0x107: {  	[tilespmem:s1], [sflag:$0x2] =	stream.indirect.gather [hbm4b:s5+s30], $0x40, s15, s30, $0xb8;
	[tilespmem:$0x1F4A0] =	vst v63  }
0x108: {  	_ =	swait.ge [sflag:s8], $0x3E80  }
0x109: {  	[sflag:s8] =	ssyncset.done $0x0  }
0x10a: {  	s7 =	simm.s32 $0x7600;
	[sflag:s8] =	ssyncadd.s32 $0xFFFFC180  }
0x10b: {  	[spmem:s2] =	stream.indirect.scatter.add.f32 [tilespmem:s31], [sflag:$0x4], $0x40, s7, s30, $0xb8;
	[tilespmem:$0x1F4A0] =	vst v63  }
0x10c: {  	_ =	swait.ge [sflag:s0], $0x3E80  }
0x10d: {  	[sflag:s0] =	ssyncset.done $0x0  }
0x10e: {  	[sflag:s0] =	ssyncadd.s32 $0xFFFFC180  }
0x10f: {  	_ =	swait.ge [sflag:s10], $0x3E80  }
0x110: {  	[sflag:s10] =	ssyncset.done $0x0  }
.Ltmp9:
0x111: {  	s15 =	simm.s32 $0x7700;
	[sflag:s10] =	ssyncadd.s32 $0xFFFFC180;
	(pc) =	sbr.rel .LBB2_17-.Ltmp9, $4  }
0x112: {  	[spmem:s2] =	stream.indirect.scatter.add.f32 [tilespmem:s1], [sflag:$0x4], $0x40, s15, s30, $0xb8;
	[tilespmem:$0x1F4A0] =	vst v63  }
0x113: {  	_ =	swait.ge [sflag:s0], $0x3E80  }
0x114: {  	[sflag:s0] =	ssyncset.done $0x0;
	s15 =	rddreg [dreg:$0x7]  }
0x115: {  	s12 =	rddreg [dreg:$0x9];
	[sflag:s0] =	ssyncadd.s32 $0xFFFFC180  }
.LBB2_14:
0x116: {  	s4 =	smov.u32 s24;
	s24 =	smov.u32 s23;
	s7 =	simm.s32 $0x7800  }
0x117: {  	[tilespmem:s31], [sflag:$0x1] =	stream.indirect.gather [hbm4b:s6+s30], $0x40, s7, s30, $0xb8;
	[tilespmem:$0x1F4A0] =	vst v63  }
0x118: {  	s23 =	smov.u32 s22;
	s22 =	smov.u32 s21;
	s15 =	simm.s32 $0x7900  }
0x119: {  	[tilespmem:s1], [sflag:$0x2] =	stream.indirect.gather [hbm4b:s6+s30], $0x40, s15, s30, $0xb8;
	[tilespmem:$0x1F4A0] =	vst v63  }
0x11a: {  	s21 =	smov.u32 s29;
	s29 =	smov.u32 s20;
	_ =	swait.ge [sflag:s8], $0x3E80  }
0x11b: {  	s20 =	smov.u32 s19;
	s19 =	smov.u32 s26;
	[sflag:s8] =	ssyncset.done $0x0  }
0x11c: {  	s26 =	smov.u32 s18;
	s18 =	simm.s32 $0x5000;
	[sflag:s8] =	ssyncadd.s32 $0xFFFFC180  }
0x11d: {  	[spmem:s2] =	stream.indirect.scatter.add.f32 [tilespmem:s31], [sflag:$0x3], $0x40, s18, s30, $0xb8;
	[tilespmem:$0x1F4A0] =	vst v63  }
0x11e: {  	_ =	swait.ge [sflag:s25], $0x3E80  }
0x11f: {  	[sflag:s25] =	ssyncset.done $0x0  }
0x120: {  	s12 =	simm.s32 $0x7A00;
	[sflag:s25] =	ssyncadd.s32 $0xFFFFC180  }
0x121: {  	[tilespmem:s31], [sflag:$0x1] =	stream.indirect.gather [hbm4b:s6+s30], $0x40, s12, s30, $0xb8;
	[tilespmem:$0x1F4A0] =	vst v63  }
0x122: {  	_ = 	snop  }
0x123: {  	[spmem:s3] =	stream.indirect.scatter.add.f32 [tilespmem:s9], [sflag:$0x3], $0x10, s18, s30, $0xb8;
	[tilespmem:$0x1F4A0] =	vst v63  }
0x124: {  	_ =	swait.ge [sflag:s25], $0xFA0  }
0x125: {  	[sflag:s25] =	ssyncset.done $0x0  }
0x126: {  	[sflag:s25] =	ssyncadd.s32 $0xFFFFF060  }
0x127: {  	_ =	swait.ge [sflag:s10], $0x3E80  }
0x128: {  	[sflag:s10] =	ssyncset.done $0x0  }
0x129: {  	s15 =	simm.s32 $0x5100;
	[sflag:s10] =	ssyncadd.s32 $0xFFFFC180  }
0x12a: {  	[spmem:s2] =	stream.indirect.scatter.add.f32 [tilespmem:s1], [sflag:$0x3], $0x40, s15, s30, $0xb8;
	[tilespmem:$0x1F4A0] =	vst v63  }
0x12b: {  	_ =	swait.ge [sflag:s25], $0x3E80  }
0x12c: {  	[sflag:s25] =	ssyncset.done $0x0  }
0x12d: {  	s18 =	simm.s32 $0x7B00;
	[sflag:s25] =	ssyncadd.s32 $0xFFFFC180  }
0x12e: {  	[tilespmem:s1], [sflag:$0x2] =	stream.indirect.gather [hbm4b:s6+s30], $0x40, s18, s30, $0xb8;
	[tilespmem:$0x1F4A0] =	vst v63  }
0x12f: {  	_ = 	snop  }
0x130: {  	[spmem:s3] =	stream.indirect.scatter.add.f32 [tilespmem:s9], [sflag:$0x3], $0x10, s15, s30, $0xb8;
	[tilespmem:$0x1F4A0] =	vst v63  }
0x131: {  	_ =	swait.ge [sflag:s25], $0xFA0  }
0x132: {  	s12 =	simm.s32 $0x800;
	[sflag:s25] =	ssyncset.done $0x0  }
.LBB2_15:
0x133: {  	p1 =	sne.s32 s12, $0x9000  }
0x134: {  	[sflag:s25] =	ssyncadd.s32 $0xFFFFF060;
	s7 =	smov.u32 s12;
	s12 =	sadd.s32 $0x800, s12  }
0x135: {  	_ = 	snop  }
0x136: {  	_ =	swait.ge [sflag:s8], $0x3E80  }
0x137: {  	s7 =	sshra.s32 s7, $0x2;
	[sflag:s8] =	ssyncset.done $0x0  }
0x138: {  	s15 =	sadd.s32 $0x5000, s7;
	[sflag:s8] =	ssyncadd.s32 $0xFFFFC180  }
0x139: {  	[spmem:s2] =	stream.indirect.scatter.add.f32 [tilespmem:s31], [sflag:$0x3], $0x40, s15, s30, $0xb8;
	[tilespmem:$0x1F4A0] =	vst v63  }
0x13a: {  	_ =	swait.ge [sflag:s25], $0x3E80  }
0x13b: {  	[sflag:s25] =	ssyncset.done $0x0  }
0x13c: {  	s18 =	sadd.s32 $0x7A00, s7;
	[sflag:s25] =	ssyncadd.s32 $0xFFFFC180  }
0x13d: {  	[tilespmem:s31], [sflag:$0x1] =	stream.indirect.gather [hbm4b:s6+s30], $0x40, s18, s30, $0xb8;
	[tilespmem:$0x1F4A0] =	vst v63  }
0x13e: {  	_ = 	snop  }
0x13f: {  	[spmem:s3] =	stream.indirect.scatter.add.f32 [tilespmem:s9], [sflag:$0x3], $0x10, s15, s30, $0xb8;
	[tilespmem:$0x1F4A0] =	vst v63  }
0x140: {  	_ =	swait.ge [sflag:s25], $0xFA0  }
0x141: {  	[sflag:s25] =	ssyncset.done $0x0  }
0x142: {  	[sflag:s25] =	ssyncadd.s32 $0xFFFFF060  }
0x143: {  	_ =	swait.ge [sflag:s10], $0x3E80  }
0x144: {  	[sflag:s10] =	ssyncset.done $0x0  }
0x145: {  	s15 =	sadd.s32 $0x5100, s7;
	[sflag:s10] =	ssyncadd.s32 $0xFFFFC180  }
0x146: {  	[spmem:s2] =	stream.indirect.scatter.add.f32 [tilespmem:s1], [sflag:$0x3], $0x40, s15, s30, $0xb8;
	[tilespmem:$0x1F4A0] =	vst v63  }
0x147: {  	_ =	swait.ge [sflag:s25], $0x3E80  }
0x148: {  	[sflag:s25] =	ssyncset.done $0x0  }
0x149: {  	s7 =	sadd.s32 $0x7B00, s7;
	[sflag:s25] =	ssyncadd.s32 $0xFFFFC180  }
0x14a: {  	[tilespmem:s1], [sflag:$0x2] =	stream.indirect.gather [hbm4b:s6+s30], $0x40, s7, s30, $0xb8;
	[tilespmem:$0x1F4A0] =	vst v63  }
.Ltmp10:
0x14b: {  	_ = 	snop;
	(pc) =	sbr.rel @p1 .LBB2_15-.Ltmp10, $4  }
0x14c: {  	_ = 	snop  }
0x14d: {  	[spmem:s3] =	stream.indirect.scatter.add.f32 [tilespmem:s9], [sflag:$0x3], $0x10, s15, s30, $0xb8;
	[tilespmem:$0x1F4A0] =	vst v63  }
0x14e: {  	_ =	swait.ge [sflag:s25], $0xFA0  }
0x14f: {  	[sflag:s25] =	ssyncset.done $0x0  }
.Ltmp11:
0x150: {  	_ = 	snop;
	(pc) =	sbr.rel .LBB2_16-.Ltmp11, $1  }
0x151: {  	_ =	sdelay $0x3  }
.LBB2_18:
0x152: {  	_ =	sfence.sel $0x180000  }
0x153: {  	[bflag:$0x0] =	sbarrier.arrive $0xFFFF  }
0x154: {  	_ =	strace $0x9000004A  }
0x155: {  	s0 =	stileid.u32;
	[bflag:$0x2] =	sbarrier.arrive $0xFFFF  }
0x156: {  	p0 =	sne.s32 s0, $0x0;
	s0 =	rddreg [dreg:$0x4]  }
0x157: {  	s0 =	sadd.s32 @!p0 $0x100000, s0  }
0x158: {  	[sflag:s0] =	ssyncadd.tile.s32 @!p0 $0x1;
	_ =	shalt  }
.Lfunc_end2:
_tile_overlayer_lowered:
.L_overlay_start_2:
0x159: {  	(tag) =	ssettag $0x2  }
0x15a: {  	s0 =	rddreg [dreg:$0x0];
	s2 =	stileid.u32  }
0x15b: {  	s1 =	rddreg [dreg:$0x1];
	p0 =	sne.s32 s2, $0x0  }
0x15c: {  	s3 =	rddreg [dreg:$0x2];
	[bflag:$0x3] =	sbarrier.arrive $0xFFFF;
	s2 =	simm.s32 @!p0 $0x1C03  }
0x15d: {  	[timem:s3], [sflag:s2] =	dma.local @!p0 [hbm:s0], s1  }
0x15e: {  	s0 =	simm.s32 @!p0 $0x3  }
0x15f: {  	_ =	swait.ge @!p0 [sflag:s0], s1  }
0x160: {  	s1 =	ssub.s32 @!p0 $0x0, s1;
	[sflag:s0] =	ssyncset.done @!p0 $0x0  }
0x161: {  	[sflag:s0] =	ssyncadd.s32 @!p0 s1  }
0x162: {  	[bflag:$0x3] =	sbarrier.arrive $0xFFFF  }
0x163: {  	_ =	shalt  }

</sc_bundles>
